<compile_context>
chip_gen: v7x
topology: tpu7x:2x2x1
jax: 0.10.2.dev20260603
libtpu: 0.0.44.dev20260713+nightly
codegen_flags: <defaults>
</compile_context>

<pallas_src>
import functools

import jax
import jax.numpy as jnp
from jax import lax
from jax.experimental import pallas as pl
from jax.experimental.pallas import tpu as pltpu
from jax.experimental.pallas import tpu_sc as plsc

HID = 256
WORDS = HID // 2
N_NODES = 10000
E = 160000
WIN = 128
RING_D = 2
E_PAD = 163840
NODE_BLK = 1000
DEC_BLK = 2048
N_WORKERS = 32
N_CHUNKS = 4

_MESH = plsc.VectorSubcoreMesh(core_axis_name="c", subcore_axis_name="s")


def _pack_bf16_words(x):
    u = jax.lax.bitcast_convert_type(x, jnp.uint32)
    r = (u + jnp.uint32(0x8000)) >> 16
    word = r[:, :WORDS] | (r[:, WORDS:] << 16)
    return jax.lax.bitcast_convert_type(word, jnp.int32)


def _unpack_pair(x_i32):
    lo = jax.lax.bitcast_convert_type(x_i32 << 16, jnp.float32)
    hi = jax.lax.bitcast_convert_type(x_i32 & jnp.int32(-65536), jnp.float32)
    return lo, hi


def _mlp1_body(z_ref, w1a_ref, w1b_ref, b1_ref, za_ref, zb_ref):
    z = z_ref[...]
    za = jnp.dot(z, w1a_ref[...], preferred_element_type=jnp.float32)
    zb = jnp.dot(z, w1b_ref[...], preferred_element_type=jnp.float32)
    za_ref[...] = _pack_bf16_words(za + b1_ref[...])
    zb_ref[...] = _pack_bf16_words(zb)


def _precompute_tables(z, w1a, w1b, b1row):
    return pl.pallas_call(
        _mlp1_body,
        grid=(N_NODES // NODE_BLK,),
        in_specs=[
            pl.BlockSpec((NODE_BLK, HID), lambda i: (i, 0)),
            pl.BlockSpec((HID, HID), lambda i: (0, 0)),
            pl.BlockSpec((HID, HID), lambda i: (0, 0)),
            pl.BlockSpec((1, HID), lambda i: (0, 0)),
        ],
        out_specs=[
            pl.BlockSpec((NODE_BLK, WORDS), lambda i: (i, 0)),
            pl.BlockSpec((NODE_BLK, WORDS), lambda i: (i, 0)),
        ],
        out_shape=[
            jax.ShapeDtypeStruct((N_NODES, WORDS), jnp.int32),
            jax.ShapeDtypeStruct((N_NODES, WORDS), jnp.int32),
        ],
    )(z, w1a, w1b, b1row)


def _sc_gather(row_p, col_p, za, zb):
    ec = row_p.shape[1]
    eps = ec // N_WORKERS
    nwin = eps // WIN
    D = RING_D

    @functools.partial(
        pl.kernel,
        out_type=(
            jax.ShapeDtypeStruct((ec, WORDS), jnp.int32),
            jax.ShapeDtypeStruct((ec, WORDS), jnp.int32),
        ),
        mesh=_MESH,
        scratch_types=(
            [pltpu.VMEM((eps,), jnp.int32)] * 2
            + [pltpu.VMEM((WIN, WORDS), jnp.int32)] * (2 * D)
            + [pltpu.SemaphoreType.DMA] * (1 + 2 * D)
        ),
    )
    def k(row_hbm, col_hbm, za_hbm, zb_hbm, ga_hbm, gb_hbm, *scr):
        idxr_v, idxc_v = scr[0], scr[1]
        bufs = scr[2:2 + 2 * D]
        ga_v, gb_v = list(bufs[0::2]), list(bufs[1::2])
        isem = scr[2 + 2 * D]
        sems = scr[3 + 2 * D:]
        gsem, wsem = list(sems[:D]), list(sems[D:])
        wid = lax.axis_index("s") * 2 + lax.axis_index("c")
        base = wid * eps
        ci = pltpu.async_copy(row_hbm.at[0, pl.ds(base, eps)], idxr_v, isem)
        cc = pltpu.async_copy(col_hbm.at[0, pl.ds(base, eps)], idxc_v, isem)
        ci.wait()
        cc.wait()

        def issue_gather(w, b):
            off = w * WIN
            pltpu.async_copy(
                za_hbm.at[idxr_v.at[pl.ds(off, WIN)]], ga_v[b], gsem[b])
            pltpu.async_copy(
                zb_hbm.at[idxc_v.at[pl.ds(off, WIN)]], gb_v[b], gsem[b])

        def wait_gather(b):
            pltpu.make_async_copy(
                za_hbm.at[pl.ds(0, WIN)], ga_v[b], gsem[b]).wait()
            pltpu.make_async_copy(
                zb_hbm.at[pl.ds(0, WIN)], gb_v[b], gsem[b]).wait()

        def issue_wo(w, b):
            off = base + w * WIN
            pltpu.async_copy(ga_v[b], ga_hbm.at[pl.ds(off, WIN)], wsem[b])
            pltpu.async_copy(gb_v[b], gb_hbm.at[pl.ds(off, WIN)], wsem[b])

        def wait_wo(b):
            pltpu.make_async_copy(
                ga_v[b], ga_hbm.at[pl.ds(0, WIN)], wsem[b]).wait()
            pltpu.make_async_copy(
                gb_v[b], gb_hbm.at[pl.ds(0, WIN)], wsem[b]).wait()

        for b in range(D):
            issue_gather(b, b)

        @pl.loop(0, nwin // D - 1)
        def _(g):
            w0 = g * D
            for b in range(D):
                wait_gather(b)
                issue_wo(w0 + b, b)
                wait_wo(b)
                issue_gather(w0 + b + D, b)

        for b in range(D):
            wait_gather(b)
            issue_wo(nwin - D + b, b)
            wait_wo(b)

    return k(row_p, col_p, za, zb)


def _decode_body(ga_ref, gb_ref, w2m_ref, b2_ref, o_ref):
    ga_lo, ga_hi = _unpack_pair(ga_ref[...])
    gb_lo, gb_hi = _unpack_pair(gb_ref[...])
    h_lo = jnp.maximum(ga_lo + gb_lo, 0.0).astype(jnp.bfloat16)
    h_hi = jnp.maximum(ga_hi + gb_hi, 0.0).astype(jnp.bfloat16)
    h = jnp.concatenate([h_lo, h_hi], axis=1)
    acc = jnp.dot(h, w2m_ref[...], preferred_element_type=jnp.float32)
    logit = acc[:, 0] + b2_ref[0, 0]
    o_ref[...] = 1.0 / (1.0 + jnp.exp(-logit))


def _decode(ga, gb, w2m, b2):
    ec = ga.shape[0]
    return pl.pallas_call(
        _decode_body,
        grid=(ec // DEC_BLK,),
        in_specs=[
            pl.BlockSpec((DEC_BLK, WORDS), lambda i: (i, 0)),
            pl.BlockSpec((DEC_BLK, WORDS), lambda i: (i, 0)),
            pl.BlockSpec((HID, 128), lambda i: (0, 0)),
            pl.BlockSpec((1, 1), lambda i: (0, 0)),
        ],
        out_specs=pl.BlockSpec((DEC_BLK,), lambda i: (i,)),
        out_shape=jax.ShapeDtypeStruct((ec,), jnp.float32),
    )(ga, gb, w2m, b2)


def kernel(z, edge_index, W1, b1, W2, b2):
    row = edge_index[0].astype(jnp.int32)
    col = edge_index[1].astype(jnp.int32)
    pad = jnp.zeros((E_PAD - E,), jnp.int32)
    row_p = jnp.concatenate([row, pad]).reshape(1, E_PAD)
    col_p = jnp.concatenate([col, pad]).reshape(1, E_PAD)
    w1a = W1[:, :HID].T
    w1b = W1[:, HID:].T
    za_p, zb_p = _precompute_tables(z, w1a, w1b, b1.reshape(1, HID))
    w2m = jnp.zeros((HID, 128), jnp.bfloat16)
    w2m = w2m.at[:, 0].set(W2[0].astype(jnp.bfloat16))
    b2r = b2.reshape(1, 1)
    ec = E_PAD // N_CHUNKS
    outs = []
    for c in range(N_CHUNKS):
        ga, gb = _sc_gather(row_p[:, c * ec:(c + 1) * ec],
                            col_p[:, c * ec:(c + 1) * ec], za_p, zb_p)
        outs.append(_decode(ga, gb, w2m, b2r))
    out_p = jnp.concatenate(outs)
    return out_p[:E]

# --- scband reference (transcript-rebuilt; emitter-appended) ---
"""Pipeline reference for scband-simple-decoder-3642132267187 (READ-ONLY COPY).

The authoritative reference and input builder live on the scoring server;
editing this copy changes nothing except your own understanding.
"""

import jax, jax.numpy as jnp
import numpy as np

HIDDEN = 256
N_NODES = 10000
N_EDGES = 160000

def setup_inputs(seed: int = 0) -> dict:
    key = jax.random.key(seed)
    k1, k2, k3, k4, k5, k6 = jax.random.split(key, 6)
    z = jax.random.normal(k1, (N_NODES, HIDDEN), dtype=jnp.float32)
    edge_index = jax.random.randint(k2, (2, N_EDGES), 0, N_NODES, dtype=jnp.int64)
    # nn.Linear(2*hidden, hidden): weight [hidden, 2*hidden], bias [hidden]
    lim1 = 1.0 / np.sqrt(2 * HIDDEN)
    W1 = jax.random.uniform(k3, (HIDDEN, 2 * HIDDEN), minval=-lim1, maxval=lim1, dtype=jnp.float32)
    b1 = jax.random.uniform(k4, (HIDDEN,), minval=-lim1, maxval=lim1, dtype=jnp.float32)
    # nn.Linear(hidden, 1): weight [1, hidden], bias [1]
    lim2 = 1.0 / np.sqrt(HIDDEN)
    W2 = jax.random.uniform(k5, (1, HIDDEN), minval=-lim2, maxval=lim2, dtype=jnp.float32)
    b2 = jax.random.uniform(k6, (1,), minval=-lim2, maxval=lim2, dtype=jnp.float32)
    return {"z": z, "edge_index": edge_index, "W1": W1, "b1": b1, "W2": W2, "b2": b2}

def reference(z, edge_index, W1, b1, W2, b2):
    row = edge_index[0]
    col = edge_index[1]
    pair = jnp.concatenate([jnp.take(z, row, axis=0), jnp.take(z, col, axis=0)], axis=-1)
    h = jax.nn.relu(pair @ W1.T + b1)
    out = jax.nn.sigmoid(h @ W2.T + b2)
    return jnp.squeeze(out, axis=-1)

if __name__ == "__main__":
    import jax
    _d = setup_inputs()
    print(jax.jit(kernel)(*tuple(_d.values())))

</pallas_src>

<mosaic_0001>
#map = affine_map<(d0, d1) -> (0, 0)>
module attributes {stable_mosaic.version = 14 : i64} {
  func.func @k(%arg0: i32, %arg1: i32, %arg2: memref<1x40960xi32, #tpu.memory_space<hbm>>, %arg3: memref<1x40960xi32, #tpu.memory_space<hbm>>, %arg4: memref<10000x128xi32, #tpu.memory_space<hbm>>, %arg5: memref<10000x128xi32, #tpu.memory_space<hbm>>, %arg6: memref<40960x128xi32, #tpu.memory_space<hbm>>, %arg7: memref<40960x128xi32, #tpu.memory_space<hbm>>, %arg8: memref<1280xi32, #tpu.memory_space<vmem>>, %arg9: memref<1280xi32, #tpu.memory_space<vmem>>, %arg10: memref<128x128xi32, #tpu.memory_space<vmem>>, %arg11: memref<128x128xi32, #tpu.memory_space<vmem>>, %arg12: memref<128x128xi32, #tpu.memory_space<vmem>>, %arg13: memref<128x128xi32, #tpu.memory_space<vmem>>, %arg14: memref<!tpu.dma_semaphore, #tpu.memory_space<semaphore_mem>>, %arg15: memref<!tpu.dma_semaphore, #tpu.memory_space<semaphore_mem>>, %arg16: memref<!tpu.dma_semaphore, #tpu.memory_space<semaphore_mem>>, %arg17: memref<!tpu.dma_semaphore, #tpu.memory_space<semaphore_mem>>, %arg18: memref<!tpu.dma_semaphore, #tpu.memory_space<semaphore_mem>>) attributes {dimension_semantics = [#tpu.dimension_semantics<core_parallel>, #tpu.dimension_semantics<subcore_parallel>], iteration_bounds = array<i64: 2, 16>, scalar_prefetch = 0 : i64, scratch_operands = 11 : i64, tpu.core_type = #tpu.core_type<sc_vector_subcore>, window_params = [{transform_indices = #map}, {transform_indices = #map}, {transform_indices = #map}, {transform_indices = #map}, {transform_indices = #map}, {transform_indices = #map}]} {
    %mul3A = arith.constant 2 : i32
    %mul3A_0 = arith.muli %arg1, %mul3A : i32
    %add3A = arith.addi %mul3A_0, %arg0 : i32
    %mul3A_1 = arith.constant 1280 : i32
    %mul3A_2 = arith.muli %add3A, %mul3A_1 : i32
    %dma_start3A = arith.constant 0 : i32
    %dma_start3A_3 = tpu.memref_slice %arg2[%dma_start3A, %mul3A_2] : memref<1x40960xi32, #tpu.memory_space<hbm>> -> memref<1x1280xi32, #tpu.memory_space<hbm>>
    %dma_start3A_4 = tpu.memref_squeeze %dma_start3A_3 : memref<1x1280xi32, #tpu.memory_space<hbm>> -> memref<1280xi32, #tpu.memory_space<hbm>>
    %dma_start3A_5 = tpu.memref_slice %arg2[%dma_start3A, %mul3A_2] : memref<1x40960xi32, #tpu.memory_space<hbm>> -> memref<1x1280xi32, #tpu.memory_space<hbm>>
    %dma_start3A_6 = tpu.memref_squeeze %dma_start3A_5 : memref<1x1280xi32, #tpu.memory_space<hbm>> -> memref<1280xi32, #tpu.memory_space<hbm>>
    tpu.enqueue_dma source(%dma_start3A_6 : memref<1280xi32, #tpu.memory_space<hbm>>) target(%arg8 : memref<1280xi32, #tpu.memory_space<vmem>>) target_semaphore(%arg14 : memref<!tpu.dma_semaphore, #tpu.memory_space<semaphore_mem>>)
    %dma_start3A_7 = arith.constant 0 : i32
    %dma_start3A_8 = tpu.memref_slice %arg3[%dma_start3A_7, %mul3A_2] : memref<1x40960xi32, #tpu.memory_space<hbm>> -> memref<1x1280xi32, #tpu.memory_space<hbm>>
    %dma_start3A_9 = tpu.memref_squeeze %dma_start3A_8 : memref<1x1280xi32, #tpu.memory_space<hbm>> -> memref<1280xi32, #tpu.memory_space<hbm>>
    %dma_start3A_10 = tpu.memref_slice %arg3[%dma_start3A_7, %mul3A_2] : memref<1x40960xi32, #tpu.memory_space<hbm>> -> memref<1x1280xi32, #tpu.memory_space<hbm>>
    %dma_start3A_11 = tpu.memref_squeeze %dma_start3A_10 : memref<1x1280xi32, #tpu.memory_space<hbm>> -> memref<1280xi32, #tpu.memory_space<hbm>>
    tpu.enqueue_dma source(%dma_start3A_11 : memref<1280xi32, #tpu.memory_space<hbm>>) target(%arg9 : memref<1280xi32, #tpu.memory_space<vmem>>) target_semaphore(%arg14 : memref<!tpu.dma_semaphore, #tpu.memory_space<semaphore_mem>>)
    %dma_wait3A = arith.constant 0 : i32
    %dma_wait3A_12 = tpu.memref_slice %arg2[%dma_wait3A, %mul3A_2] : memref<1x40960xi32, #tpu.memory_space<hbm>> -> memref<1x1280xi32, #tpu.memory_space<hbm>>
    %dma_wait3A_13 = tpu.memref_squeeze %dma_wait3A_12 : memref<1x1280xi32, #tpu.memory_space<hbm>> -> memref<1280xi32, #tpu.memory_space<hbm>>
    %dma_wait3A_14 = tpu.memref_slice %arg2[%dma_wait3A, %mul3A_2] : memref<1x40960xi32, #tpu.memory_space<hbm>> -> memref<1x1280xi32, #tpu.memory_space<hbm>>
    %dma_wait3A_15 = tpu.memref_squeeze %dma_wait3A_14 : memref<1x1280xi32, #tpu.memory_space<hbm>> -> memref<1280xi32, #tpu.memory_space<hbm>>
    tpu.wait_dma2 semaphore(%arg14 : memref<!tpu.dma_semaphore, #tpu.memory_space<semaphore_mem>>) src(%dma_wait3A_15 : memref<1280xi32, #tpu.memory_space<hbm>>) dst(%arg8 : memref<1280xi32, #tpu.memory_space<vmem>>)
    %dma_wait3A_16 = arith.constant 0 : i32
    %dma_wait3A_17 = tpu.memref_slice %arg3[%dma_wait3A_16, %mul3A_2] : memref<1x40960xi32, #tpu.memory_space<hbm>> -> memref<1x1280xi32, #tpu.memory_space<hbm>>
    %dma_wait3A_18 = tpu.memref_squeeze %dma_wait3A_17 : memref<1x1280xi32, #tpu.memory_space<hbm>> -> memref<1280xi32, #tpu.memory_space<hbm>>
    %dma_wait3A_19 = tpu.memref_slice %arg3[%dma_wait3A_16, %mul3A_2] : memref<1x40960xi32, #tpu.memory_space<hbm>> -> memref<1x1280xi32, #tpu.memory_space<hbm>>
    %dma_wait3A_20 = tpu.memref_squeeze %dma_wait3A_19 : memref<1x1280xi32, #tpu.memory_space<hbm>> -> memref<1280xi32, #tpu.memory_space<hbm>>
    tpu.wait_dma2 semaphore(%arg14 : memref<!tpu.dma_semaphore, #tpu.memory_space<semaphore_mem>>) src(%dma_wait3A_20 : memref<1280xi32, #tpu.memory_space<hbm>>) dst(%arg9 : memref<1280xi32, #tpu.memory_space<vmem>>)
    %dma_start3A_21 = arith.constant 0 : i32
    %dma_start3A_22 = tpu.memref_slice %arg8[%dma_start3A_21] : memref<1280xi32, #tpu.memory_space<vmem>> -> memref<128xi32, #tpu.memory_space<vmem>>
    %dma_start3A_23 = arith.constant 0 : i32
    %dma_start3A_24 = arith.constant 0 : i32
    %dma_start3A_25 = tpu.memref_slice %arg4[%dma_start3A_23, %dma_start3A_24] : memref<10000x128xi32, #tpu.memory_space<hbm>> -> memref<10000x128xi32, #tpu.memory_space<hbm>>
    tpu.enqueue_indirect_dma source(%dma_start3A_25 : memref<10000x128xi32, #tpu.memory_space<hbm>>) target(%arg10 : memref<128x128xi32, #tpu.memory_space<vmem>>) offsets(%dma_start3A_22 : memref<128xi32, #tpu.memory_space<vmem>>) semaphore(%arg15 : memref<!tpu.dma_semaphore, #tpu.memory_space<semaphore_mem>>)
    %dma_start3A_26 = arith.constant 0 : i32
    %dma_start3A_27 = tpu.memref_slice %arg9[%dma_start3A_26] : memref<1280xi32, #tpu.memory_space<vmem>> -> memref<128xi32, #tpu.memory_space<vmem>>
    %dma_start3A_28 = arith.constant 0 : i32
    %dma_start3A_29 = arith.constant 0 : i32
    %dma_start3A_30 = tpu.memref_slice %arg5[%dma_start3A_28, %dma_start3A_29] : memref<10000x128xi32, #tpu.memory_space<hbm>> -> memref<10000x128xi32, #tpu.memory_space<hbm>>
    tpu.enqueue_indirect_dma source(%dma_start3A_30 : memref<10000x128xi32, #tpu.memory_space<hbm>>) target(%arg11 : memref<128x128xi32, #tpu.memory_space<vmem>>) offsets(%dma_start3A_27 : memref<128xi32, #tpu.memory_space<vmem>>) semaphore(%arg15 : memref<!tpu.dma_semaphore, #tpu.memory_space<semaphore_mem>>)
    %dma_start3A_31 = arith.constant 128 : i32
    %dma_start3A_32 = tpu.memref_slice %arg8[%dma_start3A_31] : memref<1280xi32, #tpu.memory_space<vmem>> -> memref<128xi32, #tpu.memory_space<vmem>>
    %dma_start3A_33 = arith.constant 0 : i32
    %dma_start3A_34 = arith.constant 0 : i32
    %dma_start3A_35 = tpu.memref_slice %arg4[%dma_start3A_33, %dma_start3A_34] : memref<10000x128xi32, #tpu.memory_space<hbm>> -> memref<10000x128xi32, #tpu.memory_space<hbm>>
    tpu.enqueue_indirect_dma source(%dma_start3A_35 : memref<10000x128xi32, #tpu.memory_space<hbm>>) target(%arg12 : memref<128x128xi32, #tpu.memory_space<vmem>>) offsets(%dma_start3A_32 : memref<128xi32, #tpu.memory_space<vmem>>) semaphore(%arg16 : memref<!tpu.dma_semaphore, #tpu.memory_space<semaphore_mem>>)
    %dma_start3A_36 = arith.constant 128 : i32
    %dma_start3A_37 = tpu.memref_slice %arg9[%dma_start3A_36] : memref<1280xi32, #tpu.memory_space<vmem>> -> memref<128xi32, #tpu.memory_space<vmem>>
    %dma_start3A_38 = arith.constant 0 : i32
    %dma_start3A_39 = arith.constant 0 : i32
    %dma_start3A_40 = tpu.memref_slice %arg5[%dma_start3A_38, %dma_start3A_39] : memref<10000x128xi32, #tpu.memory_space<hbm>> -> memref<10000x128xi32, #tpu.memory_space<hbm>>
    tpu.enqueue_indirect_dma source(%dma_start3A_40 : memref<10000x128xi32, #tpu.memory_space<hbm>>) target(%arg13 : memref<128x128xi32, #tpu.memory_space<vmem>>) offsets(%dma_start3A_37 : memref<128xi32, #tpu.memory_space<vmem>>) semaphore(%arg16 : memref<!tpu.dma_semaphore, #tpu.memory_space<semaphore_mem>>)
    %scan3A = arith.constant 0 : i32
    %scan3A_41 = arith.constant 4 : i32
    %scan3A_42 = arith.addi %scan3A, %scan3A_41 : i32
    %scan3A_43 = arith.constant 1 : i32
    scf.for %scan3A_113 = %scan3A to %scan3A_42 step %scan3A_43  : i32 {
      %mul3A_114 = arith.constant 1 : i32
      %mul3A_115 = arith.muli %scan3A_113, %mul3A_114 : i32
      %add3A_116 = arith.constant 0 : i32
      %add3A_117 = arith.addi %add3A_116, %mul3A_115 : i32
      %mul3A_118 = arith.constant 2 : i32
      %mul3A_119 = arith.muli %add3A_117, %mul3A_118 : i32
      %dma_wait3A_120 = arith.constant 0 : i32
      %dma_wait3A_121 = arith.constant 0 : i32
      %dma_wait3A_122 = tpu.memref_slice %arg4[%dma_wait3A_120, %dma_wait3A_121] : memref<10000x128xi32, #tpu.memory_space<hbm>> -> memref<128x128xi32, #tpu.memory_space<hbm>>
      %dma_wait3A_123 = arith.constant 0 : i32
      %dma_wait3A_124 = arith.constant 0 : i32
      %dma_wait3A_125 = tpu.memref_slice %arg4[%dma_wait3A_123, %dma_wait3A_124] : memref<10000x128xi32, #tpu.memory_space<hbm>> -> memref<128x128xi32, #tpu.memory_space<hbm>>
      tpu.wait_dma2 semaphore(%arg15 : memref<!tpu.dma_semaphore, #tpu.memory_space<semaphore_mem>>) src(%dma_wait3A_125 : memref<128x128xi32, #tpu.memory_space<hbm>>) dst(%arg10 : memref<128x128xi32, #tpu.memory_space<vmem>>)
      %dma_wait3A_126 = arith.constant 0 : i32
      %dma_wait3A_127 = arith.constant 0 : i32
      %dma_wait3A_128 = tpu.memref_slice %arg5[%dma_wait3A_126, %dma_wait3A_127] : memref<10000x128xi32, #tpu.memory_space<hbm>> -> memref<128x128xi32, #tpu.memory_space<hbm>>
      %dma_wait3A_129 = arith.constant 0 : i32
      %dma_wait3A_130 = arith.constant 0 : i32
      %dma_wait3A_131 = tpu.memref_slice %arg5[%dma_wait3A_129, %dma_wait3A_130] : memref<10000x128xi32, #tpu.memory_space<hbm>> -> memref<128x128xi32, #tpu.memory_space<hbm>>
      tpu.wait_dma2 semaphore(%arg15 : memref<!tpu.dma_semaphore, #tpu.memory_space<semaphore_mem>>) src(%dma_wait3A_131 : memref<128x128xi32, #tpu.memory_space<hbm>>) dst(%arg11 : memref<128x128xi32, #tpu.memory_space<vmem>>)
      %add3A_132 = arith.constant 0 : i32
      %add3A_133 = arith.addi %mul3A_119, %add3A_132 : i32
      %mul3A_134 = arith.constant 128 : i32
      %mul3A_135 = arith.muli %add3A_133, %mul3A_134 : i32
      %add3A_136 = arith.addi %mul3A_2, %mul3A_135 : i32
      %dma_start3A_137 = arith.constant 0 : i32
      %dma_start3A_138 = tpu.memref_slice %arg6[%add3A_136, %dma_start3A_137] : memref<40960x128xi32, #tpu.memory_space<hbm>> -> memref<128x128xi32, #tpu.memory_space<hbm>>
      %dma_start3A_139 = arith.constant 0 : i32
      %dma_start3A_140 = tpu.memref_slice %arg6[%add3A_136, %dma_start3A_139] : memref<40960x128xi32, #tpu.memory_space<hbm>> -> memref<128x128xi32, #tpu.memory_space<hbm>>
      tpu.enqueue_dma source(%arg10 : memref<128x128xi32, #tpu.memory_space<vmem>>) target(%dma_start3A_140 : memref<128x128xi32, #tpu.memory_space<hbm>>) target_semaphore(%arg17 : memref<!tpu.dma_semaphore, #tpu.memory_space<semaphore_mem>>)
      %dma_start3A_141 = arith.constant 0 : i32
      %dma_start3A_142 = tpu.memref_slice %arg7[%add3A_136, %dma_start3A_141] : memref<40960x128xi32, #tpu.memory_space<hbm>> -> memref<128x128xi32, #tpu.memory_space<hbm>>
      %dma_start3A_143 = arith.constant 0 : i32
      %dma_start3A_144 = tpu.memref_slice %arg7[%add3A_136, %dma_start3A_143] : memref<40960x128xi32, #tpu.memory_space<hbm>> -> memref<128x128xi32, #tpu.memory_space<hbm>>
      tpu.enqueue_dma source(%arg11 : memref<128x128xi32, #tpu.memory_space<vmem>>) target(%dma_start3A_144 : memref<128x128xi32, #tpu.memory_space<hbm>>) target_semaphore(%arg17 : memref<!tpu.dma_semaphore, #tpu.memory_space<semaphore_mem>>)
      %dma_wait3A_145 = arith.constant 0 : i32
      %dma_wait3A_146 = arith.constant 0 : i32
      %dma_wait3A_147 = tpu.memref_slice %arg6[%dma_wait3A_145, %dma_wait3A_146] : memref<40960x128xi32, #tpu.memory_space<hbm>> -> memref<128x128xi32, #tpu.memory_space<hbm>>
      %dma_wait3A_148 = arith.constant 0 : i32
      %dma_wait3A_149 = arith.constant 0 : i32
      %dma_wait3A_150 = tpu.memref_slice %arg6[%dma_wait3A_148, %dma_wait3A_149] : memref<40960x128xi32, #tpu.memory_space<hbm>> -> memref<128x128xi32, #tpu.memory_space<hbm>>
      tpu.wait_dma2 semaphore(%arg17 : memref<!tpu.dma_semaphore, #tpu.memory_space<semaphore_mem>>) src(%arg10 : memref<128x128xi32, #tpu.memory_space<vmem>>) dst(%dma_wait3A_150 : memref<128x128xi32, #tpu.memory_space<hbm>>)
      %dma_wait3A_151 = arith.constant 0 : i32
      %dma_wait3A_152 = arith.constant 0 : i32
      %dma_wait3A_153 = tpu.memref_slice %arg7[%dma_wait3A_151, %dma_wait3A_152] : memref<40960x128xi32, #tpu.memory_space<hbm>> -> memref<128x128xi32, #tpu.memory_space<hbm>>
      %dma_wait3A_154 = arith.constant 0 : i32
      %dma_wait3A_155 = arith.constant 0 : i32
      %dma_wait3A_156 = tpu.memref_slice %arg7[%dma_wait3A_154, %dma_wait3A_155] : memref<40960x128xi32, #tpu.memory_space<hbm>> -> memref<128x128xi32, #tpu.memory_space<hbm>>
      tpu.wait_dma2 semaphore(%arg17 : memref<!tpu.dma_semaphore, #tpu.memory_space<semaphore_mem>>) src(%arg11 : memref<128x128xi32, #tpu.memory_space<vmem>>) dst(%dma_wait3A_156 : memref<128x128xi32, #tpu.memory_space<hbm>>)
      %add3A_157 = arith.constant 0 : i32
      %add3A_158 = arith.addi %mul3A_119, %add3A_157 : i32
      %add3A_159 = arith.constant 2 : i32
      %add3A_160 = arith.addi %add3A_158, %add3A_159 : i32
      %mul3A_161 = arith.constant 128 : i32
      %mul3A_162 = arith.muli %add3A_160, %mul3A_161 : i32
      %dma_start3A_163 = tpu.memref_slice %arg8[%mul3A_162] : memref<1280xi32, #tpu.memory_space<vmem>> -> memref<128xi32, #tpu.memory_space<vmem>>
      %dma_start3A_164 = arith.constant 0 : i32
      %dma_start3A_165 = arith.constant 0 : i32
      %dma_start3A_166 = tpu.memref_slice %arg4[%dma_start3A_164, %dma_start3A_165] : memref<10000x128xi32, #tpu.memory_space<hbm>> -> memref<10000x128xi32, #tpu.memory_space<hbm>>
      tpu.enqueue_indirect_dma source(%dma_start3A_166 : memref<10000x128xi32, #tpu.memory_space<hbm>>) target(%arg10 : memref<128x128xi32, #tpu.memory_space<vmem>>) offsets(%dma_start3A_163 : memref<128xi32, #tpu.memory_space<vmem>>) semaphore(%arg15 : memref<!tpu.dma_semaphore, #tpu.memory_space<semaphore_mem>>)
      %dma_start3A_167 = tpu.memref_slice %arg9[%mul3A_162] : memref<1280xi32, #tpu.memory_space<vmem>> -> memref<128xi32, #tpu.memory_space<vmem>>
      %dma_start3A_168 = arith.constant 0 : i32
      %dma_start3A_169 = arith.constant 0 : i32
      %dma_start3A_170 = tpu.memref_slice %arg5[%dma_start3A_168, %dma_start3A_169] : memref<10000x128xi32, #tpu.memory_space<hbm>> -> memref<10000x128xi32, #tpu.memory_space<hbm>>
      tpu.enqueue_indirect_dma source(%dma_start3A_170 : memref<10000x128xi32, #tpu.memory_space<hbm>>) target(%arg11 : memref<128x128xi32, #tpu.memory_space<vmem>>) offsets(%dma_start3A_167 : memref<128xi32, #tpu.memory_space<vmem>>) semaphore(%arg15 : memref<!tpu.dma_semaphore, #tpu.memory_space<semaphore_mem>>)
      %dma_wait3A_171 = arith.constant 0 : i32
      %dma_wait3A_172 = arith.constant 0 : i32
      %dma_wait3A_173 = tpu.memref_slice %arg4[%dma_wait3A_171, %dma_wait3A_172] : memref<10000x128xi32, #tpu.memory_space<hbm>> -> memref<128x128xi32, #tpu.memory_space<hbm>>
      %dma_wait3A_174 = arith.constant 0 : i32
      %dma_wait3A_175 = arith.constant 0 : i32
      %dma_wait3A_176 = tpu.memref_slice %arg4[%dma_wait3A_174, %dma_wait3A_175] : memref<10000x128xi32, #tpu.memory_space<hbm>> -> memref<128x128xi32, #tpu.memory_space<hbm>>
      tpu.wait_dma2 semaphore(%arg16 : memref<!tpu.dma_semaphore, #tpu.memory_space<semaphore_mem>>) src(%dma_wait3A_176 : memref<128x128xi32, #tpu.memory_space<hbm>>) dst(%arg12 : memref<128x128xi32, #tpu.memory_space<vmem>>)
      %dma_wait3A_177 = arith.constant 0 : i32
      %dma_wait3A_178 = arith.constant 0 : i32
      %dma_wait3A_179 = tpu.memref_slice %arg5[%dma_wait3A_177, %dma_wait3A_178] : memref<10000x128xi32, #tpu.memory_space<hbm>> -> memref<128x128xi32, #tpu.memory_space<hbm>>
      %dma_wait3A_180 = arith.constant 0 : i32
      %dma_wait3A_181 = arith.constant 0 : i32
      %dma_wait3A_182 = tpu.memref_slice %arg5[%dma_wait3A_180, %dma_wait3A_181] : memref<10000x128xi32, #tpu.memory_space<hbm>> -> memref<128x128xi32, #tpu.memory_space<hbm>>
      tpu.wait_dma2 semaphore(%arg16 : memref<!tpu.dma_semaphore, #tpu.memory_space<semaphore_mem>>) src(%dma_wait3A_182 : memref<128x128xi32, #tpu.memory_space<hbm>>) dst(%arg13 : memref<128x128xi32, #tpu.memory_space<vmem>>)
      %add3A_183 = arith.constant 1 : i32
      %add3A_184 = arith.addi %mul3A_119, %add3A_183 : i32
      %mul3A_185 = arith.constant 128 : i32
      %mul3A_186 = arith.muli %add3A_184, %mul3A_185 : i32
      %add3A_187 = arith.addi %mul3A_2, %mul3A_186 : i32
      %dma_start3A_188 = arith.constant 0 : i32
      %dma_start3A_189 = tpu.memref_slice %arg6[%add3A_187, %dma_start3A_188] : memref<40960x128xi32, #tpu.memory_space<hbm>> -> memref<128x128xi32, #tpu.memory_space<hbm>>
      %dma_start3A_190 = arith.constant 0 : i32
      %dma_start3A_191 = tpu.memref_slice %arg6[%add3A_187, %dma_start3A_190] : memref<40960x128xi32, #tpu.memory_space<hbm>> -> memref<128x128xi32, #tpu.memory_space<hbm>>
      tpu.enqueue_dma source(%arg12 : memref<128x128xi32, #tpu.memory_space<vmem>>) target(%dma_start3A_191 : memref<128x128xi32, #tpu.memory_space<hbm>>) target_semaphore(%arg18 : memref<!tpu.dma_semaphore, #tpu.memory_space<semaphore_mem>>)
      %dma_start3A_192 = arith.constant 0 : i32
      %dma_start3A_193 = tpu.memref_slice %arg7[%add3A_187, %dma_start3A_192] : memref<40960x128xi32, #tpu.memory_space<hbm>> -> memref<128x128xi32, #tpu.memory_space<hbm>>
      %dma_start3A_194 = arith.constant 0 : i32
      %dma_start3A_195 = tpu.memref_slice %arg7[%add3A_187, %dma_start3A_194] : memref<40960x128xi32, #tpu.memory_space<hbm>> -> memref<128x128xi32, #tpu.memory_space<hbm>>
      tpu.enqueue_dma source(%arg13 : memref<128x128xi32, #tpu.memory_space<vmem>>) target(%dma_start3A_195 : memref<128x128xi32, #tpu.memory_space<hbm>>) target_semaphore(%arg18 : memref<!tpu.dma_semaphore, #tpu.memory_space<semaphore_mem>>)
      %dma_wait3A_196 = arith.constant 0 : i32
      %dma_wait3A_197 = arith.constant 0 : i32
      %dma_wait3A_198 = tpu.memref_slice %arg6[%dma_wait3A_196, %dma_wait3A_197] : memref<40960x128xi32, #tpu.memory_space<hbm>> -> memref<128x128xi32, #tpu.memory_space<hbm>>
      %dma_wait3A_199 = arith.constant 0 : i32
      %dma_wait3A_200 = arith.constant 0 : i32
      %dma_wait3A_201 = tpu.memref_slice %arg6[%dma_wait3A_199, %dma_wait3A_200] : memref<40960x128xi32, #tpu.memory_space<hbm>> -> memref<128x128xi32, #tpu.memory_space<hbm>>
      tpu.wait_dma2 semaphore(%arg18 : memref<!tpu.dma_semaphore, #tpu.memory_space<semaphore_mem>>) src(%arg12 : memref<128x128xi32, #tpu.memory_space<vmem>>) dst(%dma_wait3A_201 : memref<128x128xi32, #tpu.memory_space<hbm>>)
      %dma_wait3A_202 = arith.constant 0 : i32
      %dma_wait3A_203 = arith.constant 0 : i32
      %dma_wait3A_204 = tpu.memref_slice %arg7[%dma_wait3A_202, %dma_wait3A_203] : memref<40960x128xi32, #tpu.memory_space<hbm>> -> memref<128x128xi32, #tpu.memory_space<hbm>>
      %dma_wait3A_205 = arith.constant 0 : i32
      %dma_wait3A_206 = arith.constant 0 : i32
      %dma_wait3A_207 = tpu.memref_slice %arg7[%dma_wait3A_205, %dma_wait3A_206] : memref<40960x128xi32, #tpu.memory_space<hbm>> -> memref<128x128xi32, #tpu.memory_space<hbm>>
      tpu.wait_dma2 semaphore(%arg18 : memref<!tpu.dma_semaphore, #tpu.memory_space<semaphore_mem>>) src(%arg13 : memref<128x128xi32, #tpu.memory_space<vmem>>) dst(%dma_wait3A_207 : memref<128x128xi32, #tpu.memory_space<hbm>>)
      %add3A_208 = arith.constant 1 : i32
      %add3A_209 = arith.addi %mul3A_119, %add3A_208 : i32
      %add3A_210 = arith.constant 2 : i32
      %add3A_211 = arith.addi %add3A_209, %add3A_210 : i32
      %mul3A_212 = arith.constant 128 : i32
      %mul3A_213 = arith.muli %add3A_211, %mul3A_212 : i32
      %dma_start3A_214 = tpu.memref_slice %arg8[%mul3A_213] : memref<1280xi32, #tpu.memory_space<vmem>> -> memref<128xi32, #tpu.memory_space<vmem>>
      %dma_start3A_215 = arith.constant 0 : i32
      %dma_start3A_216 = arith.constant 0 : i32
      %dma_start3A_217 = tpu.memref_slice %arg4[%dma_start3A_215, %dma_start3A_216] : memref<10000x128xi32, #tpu.memory_space<hbm>> -> memref<10000x128xi32, #tpu.memory_space<hbm>>
      tpu.enqueue_indirect_dma source(%dma_start3A_217 : memref<10000x128xi32, #tpu.memory_space<hbm>>) target(%arg12 : memref<128x128xi32, #tpu.memory_space<vmem>>) offsets(%dma_start3A_214 : memref<128xi32, #tpu.memory_space<vmem>>) semaphore(%arg16 : memref<!tpu.dma_semaphore, #tpu.memory_space<semaphore_mem>>)
      %dma_start3A_218 = tpu.memref_slice %arg9[%mul3A_213] : memref<1280xi32, #tpu.memory_space<vmem>> -> memref<128xi32, #tpu.memory_space<vmem>>
      %dma_start3A_219 = arith.constant 0 : i32
      %dma_start3A_220 = arith.constant 0 : i32
      %dma_start3A_221 = tpu.memref_slice %arg5[%dma_start3A_219, %dma_start3A_220] : memref<10000x128xi32, #tpu.memory_space<hbm>> -> memref<10000x128xi32, #tpu.memory_space<hbm>>
      tpu.enqueue_indirect_dma source(%dma_start3A_221 : memref<10000x128xi32, #tpu.memory_space<hbm>>) target(%arg13 : memref<128x128xi32, #tpu.memory_space<vmem>>) offsets(%dma_start3A_218 : memref<128xi32, #tpu.memory_space<vmem>>) semaphore(%arg16 : memref<!tpu.dma_semaphore, #tpu.memory_space<semaphore_mem>>)
    }
    %scan3A_44 = arith.constant 4 : i32
    %dma_wait3A_45 = arith.constant 0 : i32
    %dma_wait3A_46 = arith.constant 0 : i32
    %dma_wait3A_47 = tpu.memref_slice %arg4[%dma_wait3A_45, %dma_wait3A_46] : memref<10000x128xi32, #tpu.memory_space<hbm>> -> memref<128x128xi32, #tpu.memory_space<hbm>>
    %dma_wait3A_48 = arith.constant 0 : i32
    %dma_wait3A_49 = arith.constant 0 : i32
    %dma_wait3A_50 = tpu.memref_slice %arg4[%dma_wait3A_48, %dma_wait3A_49] : memref<10000x128xi32, #tpu.memory_space<hbm>> -> memref<128x128xi32, #tpu.memory_space<hbm>>
    tpu.wait_dma2 semaphore(%arg15 : memref<!tpu.dma_semaphore, #tpu.memory_space<semaphore_mem>>) src(%dma_wait3A_50 : memref<128x128xi32, #tpu.memory_space<hbm>>) dst(%arg10 : memref<128x128xi32, #tpu.memory_space<vmem>>)
    %dma_wait3A_51 = arith.constant 0 : i32
    %dma_wait3A_52 = arith.constant 0 : i32
    %dma_wait3A_53 = tpu.memref_slice %arg5[%dma_wait3A_51, %dma_wait3A_52] : memref<10000x128xi32, #tpu.memory_space<hbm>> -> memref<128x128xi32, #tpu.memory_space<hbm>>
    %dma_wait3A_54 = arith.constant 0 : i32
    %dma_wait3A_55 = arith.constant 0 : i32
    %dma_wait3A_56 = tpu.memref_slice %arg5[%dma_wait3A_54, %dma_wait3A_55] : memref<10000x128xi32, #tpu.memory_space<hbm>> -> memref<128x128xi32, #tpu.memory_space<hbm>>
    tpu.wait_dma2 semaphore(%arg15 : memref<!tpu.dma_semaphore, #tpu.memory_space<semaphore_mem>>) src(%dma_wait3A_56 : memref<128x128xi32, #tpu.memory_space<hbm>>) dst(%arg11 : memref<128x128xi32, #tpu.memory_space<vmem>>)
    %add3A_57 = arith.constant 1024 : i32
    %add3A_58 = arith.addi %mul3A_2, %add3A_57 : i32
    %dma_start3A_59 = arith.constant 0 : i32
    %dma_start3A_60 = tpu.memref_slice %arg6[%add3A_58, %dma_start3A_59] : memref<40960x128xi32, #tpu.memory_space<hbm>> -> memref<128x128xi32, #tpu.memory_space<hbm>>
    %dma_start3A_61 = arith.constant 0 : i32
    %dma_start3A_62 = tpu.memref_slice %arg6[%add3A_58, %dma_start3A_61] : memref<40960x128xi32, #tpu.memory_space<hbm>> -> memref<128x128xi32, #tpu.memory_space<hbm>>
    tpu.enqueue_dma source(%arg10 : memref<128x128xi32, #tpu.memory_space<vmem>>) target(%dma_start3A_62 : memref<128x128xi32, #tpu.memory_space<hbm>>) target_semaphore(%arg17 : memref<!tpu.dma_semaphore, #tpu.memory_space<semaphore_mem>>)
    %dma_start3A_63 = arith.constant 0 : i32
    %dma_start3A_64 = tpu.memref_slice %arg7[%add3A_58, %dma_start3A_63] : memref<40960x128xi32, #tpu.memory_space<hbm>> -> memref<128x128xi32, #tpu.memory_space<hbm>>
    %dma_start3A_65 = arith.constant 0 : i32
    %dma_start3A_66 = tpu.memref_slice %arg7[%add3A_58, %dma_start3A_65] : memref<40960x128xi32, #tpu.memory_space<hbm>> -> memref<128x128xi32, #tpu.memory_space<hbm>>
    tpu.enqueue_dma source(%arg11 : memref<128x128xi32, #tpu.memory_space<vmem>>) target(%dma_start3A_66 : memref<128x128xi32, #tpu.memory_space<hbm>>) target_semaphore(%arg17 : memref<!tpu.dma_semaphore, #tpu.memory_space<semaphore_mem>>)
    %dma_wait3A_67 = arith.constant 0 : i32
    %dma_wait3A_68 = arith.constant 0 : i32
    %dma_wait3A_69 = tpu.memref_slice %arg6[%dma_wait3A_67, %dma_wait3A_68] : memref<40960x128xi32, #tpu.memory_space<hbm>> -> memref<128x128xi32, #tpu.memory_space<hbm>>
    %dma_wait3A_70 = arith.constant 0 : i32
    %dma_wait3A_71 = arith.constant 0 : i32
    %dma_wait3A_72 = tpu.memref_slice %arg6[%dma_wait3A_70, %dma_wait3A_71] : memref<40960x128xi32, #tpu.memory_space<hbm>> -> memref<128x128xi32, #tpu.memory_space<hbm>>
    tpu.wait_dma2 semaphore(%arg17 : memref<!tpu.dma_semaphore, #tpu.memory_space<semaphore_mem>>) src(%arg10 : memref<128x128xi32, #tpu.memory_space<vmem>>) dst(%dma_wait3A_72 : memref<128x128xi32, #tpu.memory_space<hbm>>)
    %dma_wait3A_73 = arith.constant 0 : i32
    %dma_wait3A_74 = arith.constant 0 : i32
    %dma_wait3A_75 = tpu.memref_slice %arg7[%dma_wait3A_73, %dma_wait3A_74] : memref<40960x128xi32, #tpu.memory_space<hbm>> -> memref<128x128xi32, #tpu.memory_space<hbm>>
    %dma_wait3A_76 = arith.constant 0 : i32
    %dma_wait3A_77 = arith.constant 0 : i32
    %dma_wait3A_78 = tpu.memref_slice %arg7[%dma_wait3A_76, %dma_wait3A_77] : memref<40960x128xi32, #tpu.memory_space<hbm>> -> memref<128x128xi32, #tpu.memory_space<hbm>>
    tpu.wait_dma2 semaphore(%arg17 : memref<!tpu.dma_semaphore, #tpu.memory_space<semaphore_mem>>) src(%arg11 : memref<128x128xi32, #tpu.memory_space<vmem>>) dst(%dma_wait3A_78 : memref<128x128xi32, #tpu.memory_space<hbm>>)
    %dma_wait3A_79 = arith.constant 0 : i32
    %dma_wait3A_80 = arith.constant 0 : i32
    %dma_wait3A_81 = tpu.memref_slice %arg4[%dma_wait3A_79, %dma_wait3A_80] : memref<10000x128xi32, #tpu.memory_space<hbm>> -> memref<128x128xi32, #tpu.memory_space<hbm>>
    %dma_wait3A_82 = arith.constant 0 : i32
    %dma_wait3A_83 = arith.constant 0 : i32
    %dma_wait3A_84 = tpu.memref_slice %arg4[%dma_wait3A_82, %dma_wait3A_83] : memref<10000x128xi32, #tpu.memory_space<hbm>> -> memref<128x128xi32, #tpu.memory_space<hbm>>
    tpu.wait_dma2 semaphore(%arg16 : memref<!tpu.dma_semaphore, #tpu.memory_space<semaphore_mem>>) src(%dma_wait3A_84 : memref<128x128xi32, #tpu.memory_space<hbm>>) dst(%arg12 : memref<128x128xi32, #tpu.memory_space<vmem>>)
    %dma_wait3A_85 = arith.constant 0 : i32
    %dma_wait3A_86 = arith.constant 0 : i32
    %dma_wait3A_87 = tpu.memref_slice %arg5[%dma_wait3A_85, %dma_wait3A_86] : memref<10000x128xi32, #tpu.memory_space<hbm>> -> memref<128x128xi32, #tpu.memory_space<hbm>>
    %dma_wait3A_88 = arith.constant 0 : i32
    %dma_wait3A_89 = arith.constant 0 : i32
    %dma_wait3A_90 = tpu.memref_slice %arg5[%dma_wait3A_88, %dma_wait3A_89] : memref<10000x128xi32, #tpu.memory_space<hbm>> -> memref<128x128xi32, #tpu.memory_space<hbm>>
    tpu.wait_dma2 semaphore(%arg16 : memref<!tpu.dma_semaphore, #tpu.memory_space<semaphore_mem>>) src(%dma_wait3A_90 : memref<128x128xi32, #tpu.memory_space<hbm>>) dst(%arg13 : memref<128x128xi32, #tpu.memory_space<vmem>>)
    %add3A_91 = arith.constant 1152 : i32
    %add3A_92 = arith.addi %mul3A_2, %add3A_91 : i32
    %dma_start3A_93 = arith.constant 0 : i32
    %dma_start3A_94 = tpu.memref_slice %arg6[%add3A_92, %dma_start3A_93] : memref<40960x128xi32, #tpu.memory_space<hbm>> -> memref<128x128xi32, #tpu.memory_space<hbm>>
    %dma_start3A_95 = arith.constant 0 : i32
    %dma_start3A_96 = tpu.memref_slice %arg6[%add3A_92, %dma_start3A_95] : memref<40960x128xi32, #tpu.memory_space<hbm>> -> memref<128x128xi32, #tpu.memory_space<hbm>>
    tpu.enqueue_dma source(%arg12 : memref<128x128xi32, #tpu.memory_space<vmem>>) target(%dma_start3A_96 : memref<128x128xi32, #tpu.memory_space<hbm>>) target_semaphore(%arg18 : memref<!tpu.dma_semaphore, #tpu.memory_space<semaphore_mem>>)
    %dma_start3A_97 = arith.constant 0 : i32
    %dma_start3A_98 = tpu.memref_slice %arg7[%add3A_92, %dma_start3A_97] : memref<40960x128xi32, #tpu.memory_space<hbm>> -> memref<128x128xi32, #tpu.memory_space<hbm>>
    %dma_start3A_99 = arith.constant 0 : i32
    %dma_start3A_100 = tpu.memref_slice %arg7[%add3A_92, %dma_start3A_99] : memref<40960x128xi32, #tpu.memory_space<hbm>> -> memref<128x128xi32, #tpu.memory_space<hbm>>
    tpu.enqueue_dma source(%arg13 : memref<128x128xi32, #tpu.memory_space<vmem>>) target(%dma_start3A_100 : memref<128x128xi32, #tpu.memory_space<hbm>>) target_semaphore(%arg18 : memref<!tpu.dma_semaphore, #tpu.memory_space<semaphore_mem>>)
    %dma_wait3A_101 = arith.constant 0 : i32
    %dma_wait3A_102 = arith.constant 0 : i32
    %dma_wait3A_103 = tpu.memref_slice %arg6[%dma_wait3A_101, %dma_wait3A_102] : memref<40960x128xi32, #tpu.memory_space<hbm>> -> memref<128x128xi32, #tpu.memory_space<hbm>>
    %dma_wait3A_104 = arith.constant 0 : i32
    %dma_wait3A_105 = arith.constant 0 : i32
    %dma_wait3A_106 = tpu.memref_slice %arg6[%dma_wait3A_104, %dma_wait3A_105] : memref<40960x128xi32, #tpu.memory_space<hbm>> -> memref<128x128xi32, #tpu.memory_space<hbm>>
    tpu.wait_dma2 semaphore(%arg18 : memref<!tpu.dma_semaphore, #tpu.memory_space<semaphore_mem>>) src(%arg12 : memref<128x128xi32, #tpu.memory_space<vmem>>) dst(%dma_wait3A_106 : memref<128x128xi32, #tpu.memory_space<hbm>>)
    %dma_wait3A_107 = arith.constant 0 : i32
    %dma_wait3A_108 = arith.constant 0 : i32
    %dma_wait3A_109 = tpu.memref_slice %arg7[%dma_wait3A_107, %dma_wait3A_108] : memref<40960x128xi32, #tpu.memory_space<hbm>> -> memref<128x128xi32, #tpu.memory_space<hbm>>
    %dma_wait3A_110 = arith.constant 0 : i32
    %dma_wait3A_111 = arith.constant 0 : i32
    %dma_wait3A_112 = tpu.memref_slice %arg7[%dma_wait3A_110, %dma_wait3A_111] : memref<40960x128xi32, #tpu.memory_space<hbm>> -> memref<128x128xi32, #tpu.memory_space<hbm>>
    tpu.wait_dma2 semaphore(%arg18 : memref<!tpu.dma_semaphore, #tpu.memory_space<semaphore_mem>>) src(%arg13 : memref<128x128xi32, #tpu.memory_space<vmem>>) dst(%dma_wait3A_112 : memref<128x128xi32, #tpu.memory_space<hbm>>)
    return
  }
}

#map = affine_map<(d0, d1) -> (0, 0)>
module attributes {stable_mosaic.version = 14 : i64} {
  func.func @k(%arg0: i32, %arg1: i32, %arg2: memref<1x40960xi32, #tpu.memory_space<hbm>>, %arg3: memref<1x40960xi32, #tpu.memory_space<hbm>>, %arg4: memref<10000x128xi32, #tpu.memory_space<hbm>>, %arg5: memref<10000x128xi32, #tpu.memory_space<hbm>>, %arg6: memref<40960x128xi32, #tpu.memory_space<hbm>>, %arg7: memref<40960x128xi32, #tpu.memory_space<hbm>>, %arg8: memref<1280xi32, #tpu.memory_space<vmem>>, %arg9: memref<1280xi32, #tpu.memory_space<vmem>>, %arg10: memref<128x128xi32, #tpu.memory_space<vmem>>, %arg11: memref<128x128xi32, #tpu.memory_space<vmem>>, %arg12: memref<128x128xi32, #tpu.memory_space<vmem>>, %arg13: memref<128x128xi32, #tpu.memory_space<vmem>>, %arg14: memref<!tpu.dma_semaphore, #tpu.memory_space<semaphore_mem>>, %arg15: memref<!tpu.dma_semaphore, #tpu.memory_space<semaphore_mem>>, %arg16: memref<!tpu.dma_semaphore, #tpu.memory_space<semaphore_mem>>, %arg17: memref<!tpu.dma_semaphore, #tpu.memory_space<semaphore_mem>>, %arg18: memref<!tpu.dma_semaphore, #tpu.memory_space<semaphore_mem>>) attributes {dimension_semantics = [#tpu.dimension_semantics<core_parallel>, #tpu.dimension_semantics<subcore_parallel>], iteration_bounds = array<i64: 2, 16>, scalar_prefetch = 0 : i64, scratch_operands = 11 : i64, tpu.core_type = #tpu.core_type<sc_vector_subcore>, window_params = [{transform_indices = #map}, {transform_indices = #map}, {transform_indices = #map}, {transform_indices = #map}, {transform_indices = #map}, {transform_indices = #map}]} {
    %mul3A = arith.constant 2 : i32
    %mul3A_0 = arith.muli %arg1, %mul3A : i32
    %add3A = arith.addi %mul3A_0, %arg0 : i32
    %mul3A_1 = arith.constant 1280 : i32
    %mul3A_2 = arith.muli %add3A, %mul3A_1 : i32
    %dma_start3A = arith.constant 0 : i32
    %dma_start3A_3 = tpu.memref_slice %arg2[%dma_start3A, %mul3A_2] : memref<1x40960xi32, #tpu.memory_space<hbm>> -> memref<1x1280xi32, #tpu.memory_space<hbm>>
    %dma_start3A_4 = tpu.memref_squeeze %dma_start3A_3 : memref<1x1280xi32, #tpu.memory_space<hbm>> -> memref<1280xi32, #tpu.memory_space<hbm>>
    %dma_start3A_5 = tpu.memref_slice %arg2[%dma_start3A, %mul3A_2] : memref<1x40960xi32, #tpu.memory_space<hbm>> -> memref<1x1280xi32, #tpu.memory_space<hbm>>
    %dma_start3A_6 = tpu.memref_squeeze %dma_start3A_5 : memref<1x1280xi32, #tpu.memory_space<hbm>> -> memref<1280xi32, #tpu.memory_space<hbm>>
    tpu.enqueue_dma source(%dma_start3A_6 : memref<1280xi32, #tpu.memory_space<hbm>>) target(%arg8 : memref<1280xi32, #tpu.memory_space<vmem>>) target_semaphore(%arg14 : memref<!tpu.dma_semaphore, #tpu.memory_space<semaphore_mem>>)
    %dma_start3A_7 = arith.constant 0 : i32
    %dma_start3A_8 = tpu.memref_slice %arg3[%dma_start3A_7, %mul3A_2] : memref<1x40960xi32, #tpu.memory_space<hbm>> -> memref<1x1280xi32, #tpu.memory_space<hbm>>
    %dma_start3A_9 = tpu.memref_squeeze %dma_start3A_8 : memref<1x1280xi32, #tpu.memory_space<hbm>> -> memref<1280xi32, #tpu.memory_space<hbm>>
    %dma_start3A_10 = tpu.memref_slice %arg3[%dma_start3A_7, %mul3A_2] : memref<1x40960xi32, #tpu.memory_space<hbm>> -> memref<1x1280xi32, #tpu.memory_space<hbm>>
    %dma_start3A_11 = tpu.memref_squeeze %dma_start3A_10 : memref<1x1280xi32, #tpu.memory_space<hbm>> -> memref<1280xi32, #tpu.memory_space<hbm>>
    tpu.enqueue_dma source(%dma_start3A_11 : memref<1280xi32, #tpu.memory_space<hbm>>) target(%arg9 : memref<1280xi32, #tpu.memory_space<vmem>>) target_semaphore(%arg14 : memref<!tpu.dma_semaphore, #tpu.memory_space<semaphore_mem>>)
    %dma_wait3A = arith.constant 0 : i32
    %dma_wait3A_12 = tpu.memref_slice %arg2[%dma_wait3A, %mul3A_2] : memref<1x40960xi32, #tpu.memory_space<hbm>> -> memref<1x1280xi32, #tpu.memory_space<hbm>>
    %dma_wait3A_13 = tpu.memref_squeeze %dma_wait3A_12 : memref<1x1280xi32, #tpu.memory_space<hbm>> -> memref<1280xi32, #tpu.memory_space<hbm>>
    %dma_wait3A_14 = tpu.memref_slice %arg2[%dma_wait3A, %mul3A_2] : memref<1x40960xi32, #tpu.memory_space<hbm>> -> memref<1x1280xi32, #tpu.memory_space<hbm>>
    %dma_wait3A_15 = tpu.memref_squeeze %dma_wait3A_14 : memref<1x1280xi32, #tpu.memory_space<hbm>> -> memref<1280xi32, #tpu.memory_space<hbm>>
    tpu.wait_dma2 semaphore(%arg14 : memref<!tpu.dma_semaphore, #tpu.memory_space<semaphore_mem>>) src(%dma_wait3A_15 : memref<1280xi32, #tpu.memory_space<hbm>>) dst(%arg8 : memref<1280xi32, #tpu.memory_space<vmem>>)
    %dma_wait3A_16 = arith.constant 0 : i32
    %dma_wait3A_17 = tpu.memref_slice %arg3[%dma_wait3A_16, %mul3A_2] : memref<1x40960xi32, #tpu.memory_space<hbm>> -> memref<1x1280xi32, #tpu.memory_space<hbm>>
    %dma_wait3A_18 = tpu.memref_squeeze %dma_wait3A_17 : memref<1x1280xi32, #tpu.memory_space<hbm>> -> memref<1280xi32, #tpu.memory_space<hbm>>
    %dma_wait3A_19 = tpu.memref_slice %arg3[%dma_wait3A_16, %mul3A_2] : memref<1x40960xi32, #tpu.memory_space<hbm>> -> memref<1x1280xi32, #tpu.memory_space<hbm>>
    %dma_wait3A_20 = tpu.memref_squeeze %dma_wait3A_19 : memref<1x1280xi32, #tpu.memory_space<hbm>> -> memref<1280xi32, #tpu.memory_space<hbm>>
    tpu.wait_dma2 semaphore(%arg14 : memref<!tpu.dma_semaphore, #tpu.memory_space<semaphore_mem>>) src(%dma_wait3A_20 : memref<1280xi32, #tpu.memory_space<hbm>>) dst(%arg9 : memref<1280xi32, #tpu.memory_space<vmem>>)
    %dma_start3A_21 = arith.constant 0 : i32
    %dma_start3A_22 = tpu.memref_slice %arg8[%dma_start3A_21] : memref<1280xi32, #tpu.memory_space<vmem>> -> memref<128xi32, #tpu.memory_space<vmem>>
    %dma_start3A_23 = arith.constant 0 : i32
    %dma_start3A_24 = arith.constant 0 : i32
    %dma_start3A_25 = tpu.memref_slice %arg4[%dma_start3A_23, %dma_start3A_24] : memref<10000x128xi32, #tpu.memory_space<hbm>> -> memref<10000x128xi32, #tpu.memory_space<hbm>>
    tpu.enqueue_indirect_dma source(%dma_start3A_25 : memref<10000x128xi32, #tpu.memory_space<hbm>>) target(%arg10 : memref<128x128xi32, #tpu.memory_space<vmem>>) offsets(%dma_start3A_22 : memref<128xi32, #tpu.memory_space<vmem>>) semaphore(%arg15 : memref<!tpu.dma_semaphore, #tpu.memory_space<semaphore_mem>>)
    %dma_start3A_26 = arith.constant 0 : i32
    %dma_start3A_27 = tpu.memref_slice %arg9[%dma_start3A_26] : memref<1280xi32, #tpu.memory_space<vmem>> -> memref<128xi32, #tpu.memory_space<vmem>>
    %dma_start3A_28 = arith.constant 0 : i32
    %dma_start3A_29 = arith.constant 0 : i32
    %dma_start3A_30 = tpu.memref_slice %arg5[%dma_start3A_28, %dma_start3A_29] : memref<10000x128xi32, #tpu.memory_space<hbm>> -> memref<10000x128xi32, #tpu.memory_space<hbm>>
    tpu.enqueue_indirect_dma source(%dma_start3A_30 : memref<10000x128xi32, #tpu.memory_space<hbm>>) target(%arg11 : memref<128x128xi32, #tpu.memory_space<vmem>>) offsets(%dma_start3A_27 : memref<128xi32, #tpu.memory_space<vmem>>) semaphore(%arg15 : memref<!tpu.dma_semaphore, #tpu.memory_space<semaphore_mem>>)
    %dma_start3A_31 = arith.constant 128 : i32
    %dma_start3A_32 = tpu.memref_slice %arg8[%dma_start3A_31] : memref<1280xi32, #tpu.memory_space<vmem>> -> memref<128xi32, #tpu.memory_space<vmem>>
    %dma_start3A_33 = arith.constant 0 : i32
    %dma_start3A_34 = arith.constant 0 : i32
    %dma_start3A_35 = tpu.memref_slice %arg4[%dma_start3A_33, %dma_start3A_34] : memref<10000x128xi32, #tpu.memory_space<hbm>> -> memref<10000x128xi32, #tpu.memory_space<hbm>>
    tpu.enqueue_indirect_dma source(%dma_start3A_35 : memref<10000x128xi32, #tpu.memory_space<hbm>>) target(%arg12 : memref<128x128xi32, #tpu.memory_space<vmem>>) offsets(%dma_start3A_32 : memref<128xi32, #tpu.memory_space<vmem>>) semaphore(%arg16 : memref<!tpu.dma_semaphore, #tpu.memory_space<semaphore_mem>>)
    %dma_start3A_36 = arith.constant 128 : i32
    %dma_start3A_37 = tpu.memref_slice %arg9[%dma_start3A_36] : memref<1280xi32, #tpu.memory_space<vmem>> -> memref<128xi32, #tpu.memory_space<vmem>>
    %dma_start3A_38 = arith.constant 0 : i32
    %dma_start3A_39 = arith.constant 0 : i32
    %dma_start3A_40 = tpu.memref_slice %arg5[%dma_start3A_38, %dma_start3A_39] : memref<10000x128xi32, #tpu.memory_space<hbm>> -> memref<10000x128xi32, #tpu.memory_space<hbm>>
    tpu.enqueue_indirect_dma source(%dma_start3A_40 : memref<10000x128xi32, #tpu.memory_space<hbm>>) target(%arg13 : memref<128x128xi32, #tpu.memory_space<vmem>>) offsets(%dma_start3A_37 : memref<128xi32, #tpu.memory_space<vmem>>) semaphore(%arg16 : memref<!tpu.dma_semaphore, #tpu.memory_space<semaphore_mem>>)
    %scan3A = arith.constant 0 : i32
    %scan3A_41 = arith.constant 4 : i32
    %scan3A_42 = arith.addi %scan3A, %scan3A_41 : i32
    %scan3A_43 = arith.constant 1 : i32
    scf.for %scan3A_113 = %scan3A to %scan3A_42 step %scan3A_43  : i32 {
      %mul3A_114 = arith.constant 1 : i32
      %mul3A_115 = arith.muli %scan3A_113, %mul3A_114 : i32
      %add3A_116 = arith.constant 0 : i32
      %add3A_117 = arith.addi %add3A_116, %mul3A_115 : i32
      %mul3A_118 = arith.constant 2 : i32
      %mul3A_119 = arith.muli %add3A_117, %mul3A_118 : i32
      %dma_wait3A_120 = arith.constant 0 : i32
      %dma_wait3A_121 = arith.constant 0 : i32
      %dma_wait3A_122 = tpu.memref_slice %arg4[%dma_wait3A_120, %dma_wait3A_121] : memref<10000x128xi32, #tpu.memory_space<hbm>> -> memref<128x128xi32, #tpu.memory_space<hbm>>
      %dma_wait3A_123 = arith.constant 0 : i32
      %dma_wait3A_124 = arith.constant 0 : i32
      %dma_wait3A_125 = tpu.memref_slice %arg4[%dma_wait3A_123, %dma_wait3A_124] : memref<10000x128xi32, #tpu.memory_space<hbm>> -> memref<128x128xi32, #tpu.memory_space<hbm>>
      tpu.wait_dma2 semaphore(%arg15 : memref<!tpu.dma_semaphore, #tpu.memory_space<semaphore_mem>>) src(%dma_wait3A_125 : memref<128x128xi32, #tpu.memory_space<hbm>>) dst(%arg10 : memref<128x128xi32, #tpu.memory_space<vmem>>)
      %dma_wait3A_126 = arith.constant 0 : i32
      %dma_wait3A_127 = arith.constant 0 : i32
      %dma_wait3A_128 = tpu.memref_slice %arg5[%dma_wait3A_126, %dma_wait3A_127] : memref<10000x128xi32, #tpu.memory_space<hbm>> -> memref<128x128xi32, #tpu.memory_space<hbm>>
      %dma_wait3A_129 = arith.constant 0 : i32
      %dma_wait3A_130 = arith.constant 0 : i32
      %dma_wait3A_131 = tpu.memref_slice %arg5[%dma_wait3A_129, %dma_wait3A_130] : memref<10000x128xi32, #tpu.memory_space<hbm>> -> memref<128x128xi32, #tpu.memory_space<hbm>>
      tpu.wait_dma2 semaphore(%arg15 : memref<!tpu.dma_semaphore, #tpu.memory_space<semaphore_mem>>) src(%dma_wait3A_131 : memref<128x128xi32, #tpu.memory_space<hbm>>) dst(%arg11 : memref<128x128xi32, #tpu.memory_space<vmem>>)
      %add3A_132 = arith.constant 0 : i32
      %add3A_133 = arith.addi %mul3A_119, %add3A_132 : i32
      %mul3A_134 = arith.constant 128 : i32
      %mul3A_135 = arith.muli %add3A_133, %mul3A_134 : i32
      %add3A_136 = arith.addi %mul3A_2, %mul3A_135 : i32
      %dma_start3A_137 = arith.constant 0 : i32
      %dma_start3A_138 = tpu.memref_slice %arg6[%add3A_136, %dma_start3A_137] : memref<40960x128xi32, #tpu.memory_space<hbm>> -> memref<128x128xi32, #tpu.memory_space<hbm>>
      %dma_start3A_139 = arith.constant 0 : i32
      %dma_start3A_140 = tpu.memref_slice %arg6[%add3A_136, %dma_start3A_139] : memref<40960x128xi32, #tpu.memory_space<hbm>> -> memref<128x128xi32, #tpu.memory_space<hbm>>
      tpu.enqueue_dma source(%arg10 : memref<128x128xi32, #tpu.memory_space<vmem>>) target(%dma_start3A_140 : memref<128x128xi32, #tpu.memory_space<hbm>>) target_semaphore(%arg17 : memref<!tpu.dma_semaphore, #tpu.memory_space<semaphore_mem>>)
      %dma_start3A_141 = arith.constant 0 : i32
      %dma_start3A_142 = tpu.memref_slice %arg7[%add3A_136, %dma_start3A_141] : memref<40960x128xi32, #tpu.memory_space<hbm>> -> memref<128x128xi32, #tpu.memory_space<hbm>>
      %dma_start3A_143 = arith.constant 0 : i32
      %dma_start3A_144 = tpu.memref_slice %arg7[%add3A_136, %dma_start3A_143] : memref<40960x128xi32, #tpu.memory_space<hbm>> -> memref<128x128xi32, #tpu.memory_space<hbm>>
      tpu.enqueue_dma source(%arg11 : memref<128x128xi32, #tpu.memory_space<vmem>>) target(%dma_start3A_144 : memref<128x128xi32, #tpu.memory_space<hbm>>) target_semaphore(%arg17 : memref<!tpu.dma_semaphore, #tpu.memory_space<semaphore_mem>>)
      %dma_wait3A_145 = arith.constant 0 : i32
      %dma_wait3A_146 = arith.constant 0 : i32
      %dma_wait3A_147 = tpu.memref_slice %arg6[%dma_wait3A_145, %dma_wait3A_146] : memref<40960x128xi32, #tpu.memory_space<hbm>> -> memref<128x128xi32, #tpu.memory_space<hbm>>
      %dma_wait3A_148 = arith.constant 0 : i32
      %dma_wait3A_149 = arith.constant 0 : i32
      %dma_wait3A_150 = tpu.memref_slice %arg6[%dma_wait3A_148, %dma_wait3A_149] : memref<40960x128xi32, #tpu.memory_space<hbm>> -> memref<128x128xi32, #tpu.memory_space<hbm>>
      tpu.wait_dma2 semaphore(%arg17 : memref<!tpu.dma_semaphore, #tpu.memory_space<semaphore_mem>>) src(%arg10 : memref<128x128xi32, #tpu.memory_space<vmem>>) dst(%dma_wait3A_150 : memref<128x128xi32, #tpu.memory_space<hbm>>)
      %dma_wait3A_151 = arith.constant 0 : i32
      %dma_wait3A_152 = arith.constant 0 : i32
      %dma_wait3A_153 = tpu.memref_slice %arg7[%dma_wait3A_151, %dma_wait3A_152] : memref<40960x128xi32, #tpu.memory_space<hbm>> -> memref<128x128xi32, #tpu.memory_space<hbm>>
      %dma_wait3A_154 = arith.constant 0 : i32
      %dma_wait3A_155 = arith.constant 0 : i32
      %dma_wait3A_156 = tpu.memref_slice %arg7[%dma_wait3A_154, %dma_wait3A_155] : memref<40960x128xi32, #tpu.memory_space<hbm>> -> memref<128x128xi32, #tpu.memory_space<hbm>>
      tpu.wait_dma2 semaphore(%arg17 : memref<!tpu.dma_semaphore, #tpu.memory_space<semaphore_mem>>) src(%arg11 : memref<128x128xi32, #tpu.memory_space<vmem>>) dst(%dma_wait3A_156 : memref<128x128xi32, #tpu.memory_space<hbm>>)
      %add3A_157 = arith.constant 0 : i32
      %add3A_158 = arith.addi %mul3A_119, %add3A_157 : i32
      %add3A_159 = arith.constant 2 : i32
      %add3A_160 = arith.addi %add3A_158, %add3A_159 : i32
      %mul3A_161 = arith.constant 128 : i32
      %mul3A_162 = arith.muli %add3A_160, %mul3A_161 : i32
      %dma_start3A_163 = tpu.memref_slice %arg8[%mul3A_162] : memref<1280xi32, #tpu.memory_space<vmem>> -> memref<128xi32, #tpu.memory_space<vmem>>
      %dma_start3A_164 = arith.constant 0 : i32
      %dma_start3A_165 = arith.constant 0 : i32
      %dma_start3A_166 = tpu.memref_slice %arg4[%dma_start3A_164, %dma_start3A_165] : memref<10000x128xi32, #tpu.memory_space<hbm>> -> memref<10000x128xi32, #tpu.memory_space<hbm>>
      tpu.enqueue_indirect_dma source(%dma_start3A_166 : memref<10000x128xi32, #tpu.memory_space<hbm>>) target(%arg10 : memref<128x128xi32, #tpu.memory_space<vmem>>) offsets(%dma_start3A_163 : memref<128xi32, #tpu.memory_space<vmem>>) semaphore(%arg15 : memref<!tpu.dma_semaphore, #tpu.memory_space<semaphore_mem>>)
      %dma_start3A_167 = tpu.memref_slice %arg9[%mul3A_162] : memref<1280xi32, #tpu.memory_space<vmem>> -> memref<128xi32, #tpu.memory_space<vmem>>
      %dma_start3A_168 = arith.constant 0 : i32
      %dma_start3A_169 = arith.constant 0 : i32
      %dma_start3A_170 = tpu.memref_slice %arg5[%dma_start3A_168, %dma_start3A_169] : memref<10000x128xi32, #tpu.memory_space<hbm>> -> memref<10000x128xi32, #tpu.memory_space<hbm>>
      tpu.enqueue_indirect_dma source(%dma_start3A_170 : memref<10000x128xi32, #tpu.memory_space<hbm>>) target(%arg11 : memref<128x128xi32, #tpu.memory_space<vmem>>) offsets(%dma_start3A_167 : memref<128xi32, #tpu.memory_space<vmem>>) semaphore(%arg15 : memref<!tpu.dma_semaphore, #tpu.memory_space<semaphore_mem>>)
      %dma_wait3A_171 = arith.constant 0 : i32
      %dma_wait3A_172 = arith.constant 0 : i32
      %dma_wait3A_173 = tpu.memref_slice %arg4[%dma_wait3A_171, %dma_wait3A_172] : memref<10000x128xi32, #tpu.memory_space<hbm>> -> memref<128x128xi32, #tpu.memory_space<hbm>>
      %dma_wait3A_174 = arith.constant 0 : i32
      %dma_wait3A_175 = arith.constant 0 : i32
      %dma_wait3A_176 = tpu.memref_slice %arg4[%dma_wait3A_174, %dma_wait3A_175] : memref<10000x128xi32, #tpu.memory_space<hbm>> -> memref<128x128xi32, #tpu.memory_space<hbm>>
      tpu.wait_dma2 semaphore(%arg16 : memref<!tpu.dma_semaphore, #tpu.memory_space<semaphore_mem>>) src(%dma_wait3A_176 : memref<128x128xi32, #tpu.memory_space<hbm>>) dst(%arg12 : memref<128x128xi32, #tpu.memory_space<vmem>>)
      %dma_wait3A_177 = arith.constant 0 : i32
      %dma_wait3A_178 = arith.constant 0 : i32
      %dma_wait3A_179 = tpu.memref_slice %arg5[%dma_wait3A_177, %dma_wait3A_178] : memref<10000x128xi32, #tpu.memory_space<hbm>> -> memref<128x128xi32, #tpu.memory_space<hbm>>
      %dma_wait3A_180 = arith.constant 0 : i32
      %dma_wait3A_181 = arith.constant 0 : i32
      %dma_wait3A_182 = tpu.memref_slice %arg5[%dma_wait3A_180, %dma_wait3A_181] : memref<10000x128xi32, #tpu.memory_space<hbm>> -> memref<128x128xi32, #tpu.memory_space<hbm>>
      tpu.wait_dma2 semaphore(%arg16 : memref<!tpu.dma_semaphore, #tpu.memory_space<semaphore_mem>>) src(%dma_wait3A_182 : memref<128x128xi32, #tpu.memory_space<hbm>>) dst(%arg13 : memref<128x128xi32, #tpu.memory_space<vmem>>)
      %add3A_183 = arith.constant 1 : i32
      %add3A_184 = arith.addi %mul3A_119, %add3A_183 : i32
      %mul3A_185 = arith.constant 128 : i32
      %mul3A_186 = arith.muli %add3A_184, %mul3A_185 : i32
      %add3A_187 = arith.addi %mul3A_2, %mul3A_186 : i32
      %dma_start3A_188 = arith.constant 0 : i32
      %dma_start3A_189 = tpu.memref_slice %arg6[%add3A_187, %dma_start3A_188] : memref<40960x128xi32, #tpu.memory_space<hbm>> -> memref<128x128xi32, #tpu.memory_space<hbm>>
      %dma_start3A_190 = arith.constant 0 : i32
      %dma_start3A_191 = tpu.memref_slice %arg6[%add3A_187, %dma_start3A_190] : memref<40960x128xi32, #tpu.memory_space<hbm>> -> memref<128x128xi32, #tpu.memory_space<hbm>>
      tpu.enqueue_dma source(%arg12 : memref<128x128xi32, #tpu.memory_space<vmem>>) target(%dma_start3A_191 : memref<128x128xi32, #tpu.memory_space<hbm>>) target_semaphore(%arg18 : memref<!tpu.dma_semaphore, #tpu.memory_space<semaphore_mem>>)
      %dma_start3A_192 = arith.constant 0 : i32
      %dma_start3A_193 = tpu.memref_slice %arg7[%add3A_187, %dma_start3A_192] : memref<40960x128xi32, #tpu.memory_space<hbm>> -> memref<128x128xi32, #tpu.memory_space<hbm>>
      %dma_start3A_194 = arith.constant 0 : i32
      %dma_start3A_195 = tpu.memref_slice %arg7[%add3A_187, %dma_start3A_194] : memref<40960x128xi32, #tpu.memory_space<hbm>> -> memref<128x128xi32, #tpu.memory_space<hbm>>
      tpu.enqueue_dma source(%arg13 : memref<128x128xi32, #tpu.memory_space<vmem>>) target(%dma_start3A_195 : memref<128x128xi32, #tpu.memory_space<hbm>>) target_semaphore(%arg18 : memref<!tpu.dma_semaphore, #tpu.memory_space<semaphore_mem>>)
      %dma_wait3A_196 = arith.constant 0 : i32
      %dma_wait3A_197 = arith.constant 0 : i32
      %dma_wait3A_198 = tpu.memref_slice %arg6[%dma_wait3A_196, %dma_wait3A_197] : memref<40960x128xi32, #tpu.memory_space<hbm>> -> memref<128x128xi32, #tpu.memory_space<hbm>>
      %dma_wait3A_199 = arith.constant 0 : i32
      %dma_wait3A_200 = arith.constant 0 : i32
      %dma_wait3A_201 = tpu.memref_slice %arg6[%dma_wait3A_199, %dma_wait3A_200] : memref<40960x128xi32, #tpu.memory_space<hbm>> -> memref<128x128xi32, #tpu.memory_space<hbm>>
      tpu.wait_dma2 semaphore(%arg18 : memref<!tpu.dma_semaphore, #tpu.memory_space<semaphore_mem>>) src(%arg12 : memref<128x128xi32, #tpu.memory_space<vmem>>) dst(%dma_wait3A_201 : memref<128x128xi32, #tpu.memory_space<hbm>>)
      %dma_wait3A_202 = arith.constant 0 : i32
      %dma_wait3A_203 = arith.constant 0 : i32
      %dma_wait3A_204 = tpu.memref_slice %arg7[%dma_wait3A_202, %dma_wait3A_203] : memref<40960x128xi32, #tpu.memory_space<hbm>> -> memref<128x128xi32, #tpu.memory_space<hbm>>
      %dma_wait3A_205 = arith.constant 0 : i32
      %dma_wait3A_206 = arith.constant 0 : i32
      %dma_wait3A_207 = tpu.memref_slice %arg7[%dma_wait3A_205, %dma_wait3A_206] : memref<40960x128xi32, #tpu.memory_space<hbm>> -> memref<128x128xi32, #tpu.memory_space<hbm>>
      tpu.wait_dma2 semaphore(%arg18 : memref<!tpu.dma_semaphore, #tpu.memory_space<semaphore_mem>>) src(%arg13 : memref<128x128xi32, #tpu.memory_space<vmem>>) dst(%dma_wait3A_207 : memref<128x128xi32, #tpu.memory_space<hbm>>)
      %add3A_208 = arith.constant 1 : i32
      %add3A_209 = arith.addi %mul3A_119, %add3A_208 : i32
      %add3A_210 = arith.constant 2 : i32
      %add3A_211 = arith.addi %add3A_209, %add3A_210 : i32
      %mul3A_212 = arith.constant 128 : i32
      %mul3A_213 = arith.muli %add3A_211, %mul3A_212 : i32
      %dma_start3A_214 = tpu.memref_slice %arg8[%mul3A_213] : memref<1280xi32, #tpu.memory_space<vmem>> -> memref<128xi32, #tpu.memory_space<vmem>>
      %dma_start3A_215 = arith.constant 0 : i32
      %dma_start3A_216 = arith.constant 0 : i32
      %dma_start3A_217 = tpu.memref_slice %arg4[%dma_start3A_215, %dma_start3A_216] : memref<10000x128xi32, #tpu.memory_space<hbm>> -> memref<10000x128xi32, #tpu.memory_space<hbm>>
      tpu.enqueue_indirect_dma source(%dma_start3A_217 : memref<10000x128xi32, #tpu.memory_space<hbm>>) target(%arg12 : memref<128x128xi32, #tpu.memory_space<vmem>>) offsets(%dma_start3A_214 : memref<128xi32, #tpu.memory_space<vmem>>) semaphore(%arg16 : memref<!tpu.dma_semaphore, #tpu.memory_space<semaphore_mem>>)
      %dma_start3A_218 = tpu.memref_slice %arg9[%mul3A_213] : memref<1280xi32, #tpu.memory_space<vmem>> -> memref<128xi32, #tpu.memory_space<vmem>>
      %dma_start3A_219 = arith.constant 0 : i32
      %dma_start3A_220 = arith.constant 0 : i32
      %dma_start3A_221 = tpu.memref_slice %arg5[%dma_start3A_219, %dma_start3A_220] : memref<10000x128xi32, #tpu.memory_space<hbm>> -> memref<10000x128xi32, #tpu.memory_space<hbm>>
      tpu.enqueue_indirect_dma source(%dma_start3A_221 : memref<10000x128xi32, #tpu.memory_space<hbm>>) target(%arg13 : memref<128x128xi32, #tpu.memory_space<vmem>>) offsets(%dma_start3A_218 : memref<128xi32, #tpu.memory_space<vmem>>) semaphore(%arg16 : memref<!tpu.dma_semaphore, #tpu.memory_space<semaphore_mem>>)
    }
    %scan3A_44 = arith.constant 4 : i32
    %dma_wait3A_45 = arith.constant 0 : i32
    %dma_wait3A_46 = arith.constant 0 : i32
    %dma_wait3A_47 = tpu.memref_slice %arg4[%dma_wait3A_45, %dma_wait3A_46] : memref<10000x128xi32, #tpu.memory_space<hbm>> -> memref<128x128xi32, #tpu.memory_space<hbm>>
    %dma_wait3A_48 = arith.constant 0 : i32
    %dma_wait3A_49 = arith.constant 0 : i32
    %dma_wait3A_50 = tpu.memref_slice %arg4[%dma_wait3A_48, %dma_wait3A_49] : memref<10000x128xi32, #tpu.memory_space<hbm>> -> memref<128x128xi32, #tpu.memory_space<hbm>>
    tpu.wait_dma2 semaphore(%arg15 : memref<!tpu.dma_semaphore, #tpu.memory_space<semaphore_mem>>) src(%dma_wait3A_50 : memref<128x128xi32, #tpu.memory_space<hbm>>) dst(%arg10 : memref<128x128xi32, #tpu.memory_space<vmem>>)
    %dma_wait3A_51 = arith.constant 0 : i32
    %dma_wait3A_52 = arith.constant 0 : i32
    %dma_wait3A_53 = tpu.memref_slice %arg5[%dma_wait3A_51, %dma_wait3A_52] : memref<10000x128xi32, #tpu.memory_space<hbm>> -> memref<128x128xi32, #tpu.memory_space<hbm>>
    %dma_wait3A_54 = arith.constant 0 : i32
    %dma_wait3A_55 = arith.constant 0 : i32
    %dma_wait3A_56 = tpu.memref_slice %arg5[%dma_wait3A_54, %dma_wait3A_55] : memref<10000x128xi32, #tpu.memory_space<hbm>> -> memref<128x128xi32, #tpu.memory_space<hbm>>
    tpu.wait_dma2 semaphore(%arg15 : memref<!tpu.dma_semaphore, #tpu.memory_space<semaphore_mem>>) src(%dma_wait3A_56 : memref<128x128xi32, #tpu.memory_space<hbm>>) dst(%arg11 : memref<128x128xi32, #tpu.memory_space<vmem>>)
    %add3A_57 = arith.constant 1024 : i32
    %add3A_58 = arith.addi %mul3A_2, %add3A_57 : i32
    %dma_start3A_59 = arith.constant 0 : i32
    %dma_start3A_60 = tpu.memref_slice %arg6[%add3A_58, %dma_start3A_59] : memref<40960x128xi32, #tpu.memory_space<hbm>> -> memref<128x128xi32, #tpu.memory_space<hbm>>
    %dma_start3A_61 = arith.constant 0 : i32
    %dma_start3A_62 = tpu.memref_slice %arg6[%add3A_58, %dma_start3A_61] : memref<40960x128xi32, #tpu.memory_space<hbm>> -> memref<128x128xi32, #tpu.memory_space<hbm>>
    tpu.enqueue_dma source(%arg10 : memref<128x128xi32, #tpu.memory_space<vmem>>) target(%dma_start3A_62 : memref<128x128xi32, #tpu.memory_space<hbm>>) target_semaphore(%arg17 : memref<!tpu.dma_semaphore, #tpu.memory_space<semaphore_mem>>)
    %dma_start3A_63 = arith.constant 0 : i32
    %dma_start3A_64 = tpu.memref_slice %arg7[%add3A_58, %dma_start3A_63] : memref<40960x128xi32, #tpu.memory_space<hbm>> -> memref<128x128xi32, #tpu.memory_space<hbm>>
    %dma_start3A_65 = arith.constant 0 : i32
    %dma_start3A_66 = tpu.memref_slice %arg7[%add3A_58, %dma_start3A_65] : memref<40960x128xi32, #tpu.memory_space<hbm>> -> memref<128x128xi32, #tpu.memory_space<hbm>>
    tpu.enqueue_dma source(%arg11 : memref<128x128xi32, #tpu.memory_space<vmem>>) target(%dma_start3A_66 : memref<128x128xi32, #tpu.memory_space<hbm>>) target_semaphore(%arg17 : memref<!tpu.dma_semaphore, #tpu.memory_space<semaphore_mem>>)
    %dma_wait3A_67 = arith.constant 0 : i32
    %dma_wait3A_68 = arith.constant 0 : i32
    %dma_wait3A_69 = tpu.memref_slice %arg6[%dma_wait3A_67, %dma_wait3A_68] : memref<40960x128xi32, #tpu.memory_space<hbm>> -> memref<128x128xi32, #tpu.memory_space<hbm>>
    %dma_wait3A_70 = arith.constant 0 : i32
    %dma_wait3A_71 = arith.constant 0 : i32
    %dma_wait3A_72 = tpu.memref_slice %arg6[%dma_wait3A_70, %dma_wait3A_71] : memref<40960x128xi32, #tpu.memory_space<hbm>> -> memref<128x128xi32, #tpu.memory_space<hbm>>
    tpu.wait_dma2 semaphore(%arg17 : memref<!tpu.dma_semaphore, #tpu.memory_space<semaphore_mem>>) src(%arg10 : memref<128x128xi32, #tpu.memory_space<vmem>>) dst(%dma_wait3A_72 : memref<128x128xi32, #tpu.memory_space<hbm>>)
    %dma_wait3A_73 = arith.constant 0 : i32
    %dma_wait3A_74 = arith.constant 0 : i32
    %dma_wait3A_75 = tpu.memref_slice %arg7[%dma_wait3A_73, %dma_wait3A_74] : memref<40960x128xi32, #tpu.memory_space<hbm>> -> memref<128x128xi32, #tpu.memory_space<hbm>>
    %dma_wait3A_76 = arith.constant 0 : i32
    %dma_wait3A_77 = arith.constant 0 : i32
    %dma_wait3A_78 = tpu.memref_slice %arg7[%dma_wait3A_76, %dma_wait3A_77] : memref<40960x128xi32, #tpu.memory_space<hbm>> -> memref<128x128xi32, #tpu.memory_space<hbm>>
    tpu.wait_dma2 semaphore(%arg17 : memref<!tpu.dma_semaphore, #tpu.memory_space<semaphore_mem>>) src(%arg11 : memref<128x128xi32, #tpu.memory_space<vmem>>) dst(%dma_wait3A_78 : memref<128x128xi32, #tpu.memory_space<hbm>>)
    %dma_wait3A_79 = arith.constant 0 : i32
    %dma_wait3A_80 = arith.constant 0 : i32
    %dma_wait3A_81 = tpu.memref_slice %arg4[%dma_wait3A_79, %dma_wait3A_80] : memref<10000x128xi32, #tpu.memory_space<hbm>> -> memref<128x128xi32, #tpu.memory_space<hbm>>
    %dma_wait3A_82 = arith.constant 0 : i32
    %dma_wait3A_83 = arith.constant 0 : i32
    %dma_wait3A_84 = tpu.memref_slice %arg4[%dma_wait3A_82, %dma_wait3A_83] : memref<10000x128xi32, #tpu.memory_space<hbm>> -> memref<128x128xi32, #tpu.memory_space<hbm>>
    tpu.wait_dma2 semaphore(%arg16 : memref<!tpu.dma_semaphore, #tpu.memory_space<semaphore_mem>>) src(%dma_wait3A_84 : memref<128x128xi32, #tpu.memory_space<hbm>>) dst(%arg12 : memref<128x128xi32, #tpu.memory_space<vmem>>)
    %dma_wait3A_85 = arith.constant 0 : i32
    %dma_wait3A_86 = arith.constant 0 : i32
    %dma_wait3A_87 = tpu.memref_slice %arg5[%dma_wait3A_85, %dma_wait3A_86] : memref<10000x128xi32, #tpu.memory_space<hbm>> -> memref<128x128xi32, #tpu.memory_space<hbm>>
    %dma_wait3A_88 = arith.constant 0 : i32
    %dma_wait3A_89 = arith.constant 0 : i32
    %dma_wait3A_90 = tpu.memref_slice %arg5[%dma_wait3A_88, %dma_wait3A_89] : memref<10000x128xi32, #tpu.memory_space<hbm>> -> memref<128x128xi32, #tpu.memory_space<hbm>>
    tpu.wait_dma2 semaphore(%arg16 : memref<!tpu.dma_semaphore, #tpu.memory_space<semaphore_mem>>) src(%dma_wait3A_90 : memref<128x128xi32, #tpu.memory_space<hbm>>) dst(%arg13 : memref<128x128xi32, #tpu.memory_space<vmem>>)
    %add3A_91 = arith.constant 1152 : i32
    %add3A_92 = arith.addi %mul3A_2, %add3A_91 : i32
    %dma_start3A_93 = arith.constant 0 : i32
    %dma_start3A_94 = tpu.memref_slice %arg6[%add3A_92, %dma_start3A_93] : memref<40960x128xi32, #tpu.memory_space<hbm>> -> memref<128x128xi32, #tpu.memory_space<hbm>>
    %dma_start3A_95 = arith.constant 0 : i32
    %dma_start3A_96 = tpu.memref_slice %arg6[%add3A_92, %dma_start3A_95] : memref<40960x128xi32, #tpu.memory_space<hbm>> -> memref<128x128xi32, #tpu.memory_space<hbm>>
    tpu.enqueue_dma source(%arg12 : memref<128x128xi32, #tpu.memory_space<vmem>>) target(%dma_start3A_96 : memref<128x128xi32, #tpu.memory_space<hbm>>) target_semaphore(%arg18 : memref<!tpu.dma_semaphore, #tpu.memory_space<semaphore_mem>>)
    %dma_start3A_97 = arith.constant 0 : i32
    %dma_start3A_98 = tpu.memref_slice %arg7[%add3A_92, %dma_start3A_97] : memref<40960x128xi32, #tpu.memory_space<hbm>> -> memref<128x128xi32, #tpu.memory_space<hbm>>
    %dma_start3A_99 = arith.constant 0 : i32
    %dma_start3A_100 = tpu.memref_slice %arg7[%add3A_92, %dma_start3A_99] : memref<40960x128xi32, #tpu.memory_space<hbm>> -> memref<128x128xi32, #tpu.memory_space<hbm>>
    tpu.enqueue_dma source(%arg13 : memref<128x128xi32, #tpu.memory_space<vmem>>) target(%dma_start3A_100 : memref<128x128xi32, #tpu.memory_space<hbm>>) target_semaphore(%arg18 : memref<!tpu.dma_semaphore, #tpu.memory_space<semaphore_mem>>)
    %dma_wait3A_101 = arith.constant 0 : i32
    %dma_wait3A_102 = arith.constant 0 : i32
    %dma_wait3A_103 = tpu.memref_slice %arg6[%dma_wait3A_101, %dma_wait3A_102] : memref<40960x128xi32, #tpu.memory_space<hbm>> -> memref<128x128xi32, #tpu.memory_space<hbm>>
    %dma_wait3A_104 = arith.constant 0 : i32
    %dma_wait3A_105 = arith.constant 0 : i32
    %dma_wait3A_106 = tpu.memref_slice %arg6[%dma_wait3A_104, %dma_wait3A_105] : memref<40960x128xi32, #tpu.memory_space<hbm>> -> memref<128x128xi32, #tpu.memory_space<hbm>>
    tpu.wait_dma2 semaphore(%arg18 : memref<!tpu.dma_semaphore, #tpu.memory_space<semaphore_mem>>) src(%arg12 : memref<128x128xi32, #tpu.memory_space<vmem>>) dst(%dma_wait3A_106 : memref<128x128xi32, #tpu.memory_space<hbm>>)
    %dma_wait3A_107 = arith.constant 0 : i32
    %dma_wait3A_108 = arith.constant 0 : i32
    %dma_wait3A_109 = tpu.memref_slice %arg7[%dma_wait3A_107, %dma_wait3A_108] : memref<40960x128xi32, #tpu.memory_space<hbm>> -> memref<128x128xi32, #tpu.memory_space<hbm>>
    %dma_wait3A_110 = arith.constant 0 : i32
    %dma_wait3A_111 = arith.constant 0 : i32
    %dma_wait3A_112 = tpu.memref_slice %arg7[%dma_wait3A_110, %dma_wait3A_111] : memref<40960x128xi32, #tpu.memory_space<hbm>> -> memref<128x128xi32, #tpu.memory_space<hbm>>
    tpu.wait_dma2 semaphore(%arg18 : memref<!tpu.dma_semaphore, #tpu.memory_space<semaphore_mem>>) src(%arg13 : memref<128x128xi32, #tpu.memory_space<vmem>>) dst(%dma_wait3A_112 : memref<128x128xi32, #tpu.memory_space<hbm>>)
    return
  }
}

#map = affine_map<(d0, d1) -> (0, 0)>
module attributes {stable_mosaic.version = 14 : i64} {
  func.func @k(%arg0: i32, %arg1: i32, %arg2: memref<1x40960xi32, #tpu.memory_space<hbm>>, %arg3: memref<1x40960xi32, #tpu.memory_space<hbm>>, %arg4: memref<10000x128xi32, #tpu.memory_space<hbm>>, %arg5: memref<10000x128xi32, #tpu.memory_space<hbm>>, %arg6: memref<40960x128xi32, #tpu.memory_space<hbm>>, %arg7: memref<40960x128xi32, #tpu.memory_space<hbm>>, %arg8: memref<1280xi32, #tpu.memory_space<vmem>>, %arg9: memref<1280xi32, #tpu.memory_space<vmem>>, %arg10: memref<128x128xi32, #tpu.memory_space<vmem>>, %arg11: memref<128x128xi32, #tpu.memory_space<vmem>>, %arg12: memref<128x128xi32, #tpu.memory_space<vmem>>, %arg13: memref<128x128xi32, #tpu.memory_space<vmem>>, %arg14: memref<!tpu.dma_semaphore, #tpu.memory_space<semaphore_mem>>, %arg15: memref<!tpu.dma_semaphore, #tpu.memory_space<semaphore_mem>>, %arg16: memref<!tpu.dma_semaphore, #tpu.memory_space<semaphore_mem>>, %arg17: memref<!tpu.dma_semaphore, #tpu.memory_space<semaphore_mem>>, %arg18: memref<!tpu.dma_semaphore, #tpu.memory_space<semaphore_mem>>) attributes {dimension_semantics = [#tpu.dimension_semantics<core_parallel>, #tpu.dimension_semantics<subcore_parallel>], iteration_bounds = array<i64: 2, 16>, scalar_prefetch = 0 : i64, scratch_operands = 11 : i64, tpu.core_type = #tpu.core_type<sc_vector_subcore>, window_params = [{transform_indices = #map}, {transform_indices = #map}, {transform_indices = #map}, {transform_indices = #map}, {transform_indices = #map}, {transform_indices = #map}]} {
    %mul3A = arith.constant 2 : i32
    %mul3A_0 = arith.muli %arg1, %mul3A : i32
    %add3A = arith.addi %mul3A_0, %arg0 : i32
    %mul3A_1 = arith.constant 1280 : i32
    %mul3A_2 = arith.muli %add3A, %mul3A_1 : i32
    %dma_start3A = arith.constant 0 : i32
    %dma_start3A_3 = tpu.memref_slice %arg2[%dma_start3A, %mul3A_2] : memref<1x40960xi32, #tpu.memory_space<hbm>> -> memref<1x1280xi32, #tpu.memory_space<hbm>>
    %dma_start3A_4 = tpu.memref_squeeze %dma_start3A_3 : memref<1x1280xi32, #tpu.memory_space<hbm>> -> memref<1280xi32, #tpu.memory_space<hbm>>
    %dma_start3A_5 = tpu.memref_slice %arg2[%dma_start3A, %mul3A_2] : memref<1x40960xi32, #tpu.memory_space<hbm>> -> memref<1x1280xi32, #tpu.memory_space<hbm>>
    %dma_start3A_6 = tpu.memref_squeeze %dma_start3A_5 : memref<1x1280xi32, #tpu.memory_space<hbm>> -> memref<1280xi32, #tpu.memory_space<hbm>>
    tpu.enqueue_dma source(%dma_start3A_6 : memref<1280xi32, #tpu.memory_space<hbm>>) target(%arg8 : memref<1280xi32, #tpu.memory_space<vmem>>) target_semaphore(%arg14 : memref<!tpu.dma_semaphore, #tpu.memory_space<semaphore_mem>>)
    %dma_start3A_7 = arith.constant 0 : i32
    %dma_start3A_8 = tpu.memref_slice %arg3[%dma_start3A_7, %mul3A_2] : memref<1x40960xi32, #tpu.memory_space<hbm>> -> memref<1x1280xi32, #tpu.memory_space<hbm>>
    %dma_start3A_9 = tpu.memref_squeeze %dma_start3A_8 : memref<1x1280xi32, #tpu.memory_space<hbm>> -> memref<1280xi32, #tpu.memory_space<hbm>>
    %dma_start3A_10 = tpu.memref_slice %arg3[%dma_start3A_7, %mul3A_2] : memref<1x40960xi32, #tpu.memory_space<hbm>> -> memref<1x1280xi32, #tpu.memory_space<hbm>>
    %dma_start3A_11 = tpu.memref_squeeze %dma_start3A_10 : memref<1x1280xi32, #tpu.memory_space<hbm>> -> memref<1280xi32, #tpu.memory_space<hbm>>
    tpu.enqueue_dma source(%dma_start3A_11 : memref<1280xi32, #tpu.memory_space<hbm>>) target(%arg9 : memref<1280xi32, #tpu.memory_space<vmem>>) target_semaphore(%arg14 : memref<!tpu.dma_semaphore, #tpu.memory_space<semaphore_mem>>)
    %dma_wait3A = arith.constant 0 : i32
    %dma_wait3A_12 = tpu.memref_slice %arg2[%dma_wait3A, %mul3A_2] : memref<1x40960xi32, #tpu.memory_space<hbm>> -> memref<1x1280xi32, #tpu.memory_space<hbm>>
    %dma_wait3A_13 = tpu.memref_squeeze %dma_wait3A_12 : memref<1x1280xi32, #tpu.memory_space<hbm>> -> memref<1280xi32, #tpu.memory_space<hbm>>
    %dma_wait3A_14 = tpu.memref_slice %arg2[%dma_wait3A, %mul3A_2] : memref<1x40960xi32, #tpu.memory_space<hbm>> -> memref<1x1280xi32, #tpu.memory_space<hbm>>
    %dma_wait3A_15 = tpu.memref_squeeze %dma_wait3A_14 : memref<1x1280xi32, #tpu.memory_space<hbm>> -> memref<1280xi32, #tpu.memory_space<hbm>>
    tpu.wait_dma2 semaphore(%arg14 : memref<!tpu.dma_semaphore, #tpu.memory_space<semaphore_mem>>) src(%dma_wait3A_15 : memref<1280xi32, #tpu.memory_space<hbm>>) dst(%arg8 : memref<1280xi32, #tpu.memory_space<vmem>>)
    %dma_wait3A_16 = arith.constant 0 : i32
    %dma_wait3A_17 = tpu.memref_slice %arg3[%dma_wait3A_16, %mul3A_2] : memref<1x40960xi32, #tpu.memory_space<hbm>> -> memref<1x1280xi32, #tpu.memory_space<hbm>>
    %dma_wait3A_18 = tpu.memref_squeeze %dma_wait3A_17 : memref<1x1280xi32, #tpu.memory_space<hbm>> -> memref<1280xi32, #tpu.memory_space<hbm>>
    %dma_wait3A_19 = tpu.memref_slice %arg3[%dma_wait3A_16, %mul3A_2] : memref<1x40960xi32, #tpu.memory_space<hbm>> -> memref<1x1280xi32, #tpu.memory_space<hbm>>
    %dma_wait3A_20 = tpu.memref_squeeze %dma_wait3A_19 : memref<1x1280xi32, #tpu.memory_space<hbm>> -> memref<1280xi32, #tpu.memory_space<hbm>>
    tpu.wait_dma2 semaphore(%arg14 : memref<!tpu.dma_semaphore, #tpu.memory_space<semaphore_mem>>) src(%dma_wait3A_20 : memref<1280xi32, #tpu.memory_space<hbm>>) dst(%arg9 : memref<1280xi32, #tpu.memory_space<vmem>>)
    %dma_start3A_21 = arith.constant 0 : i32
    %dma_start3A_22 = tpu.memref_slice %arg8[%dma_start3A_21] : memref<1280xi32, #tpu.memory_space<vmem>> -> memref<128xi32, #tpu.memory_space<vmem>>
    %dma_start3A_23 = arith.constant 0 : i32
    %dma_start3A_24 = arith.constant 0 : i32
    %dma_start3A_25 = tpu.memref_slice %arg4[%dma_start3A_23, %dma_start3A_24] : memref<10000x128xi32, #tpu.memory_space<hbm>> -> memref<10000x128xi32, #tpu.memory_space<hbm>>
    tpu.enqueue_indirect_dma source(%dma_start3A_25 : memref<10000x128xi32, #tpu.memory_space<hbm>>) target(%arg10 : memref<128x128xi32, #tpu.memory_space<vmem>>) offsets(%dma_start3A_22 : memref<128xi32, #tpu.memory_space<vmem>>) semaphore(%arg15 : memref<!tpu.dma_semaphore, #tpu.memory_space<semaphore_mem>>)
    %dma_start3A_26 = arith.constant 0 : i32
    %dma_start3A_27 = tpu.memref_slice %arg9[%dma_start3A_26] : memref<1280xi32, #tpu.memory_space<vmem>> -> memref<128xi32, #tpu.memory_space<vmem>>
    %dma_start3A_28 = arith.constant 0 : i32
    %dma_start3A_29 = arith.constant 0 : i32
    %dma_start3A_30 = tpu.memref_slice %arg5[%dma_start3A_28, %dma_start3A_29] : memref<10000x128xi32, #tpu.memory_space<hbm>> -> memref<10000x128xi32, #tpu.memory_space<hbm>>
    tpu.enqueue_indirect_dma source(%dma_start3A_30 : memref<10000x128xi32, #tpu.memory_space<hbm>>) target(%arg11 : memref<128x128xi32, #tpu.memory_space<vmem>>) offsets(%dma_start3A_27 : memref<128xi32, #tpu.memory_space<vmem>>) semaphore(%arg15 : memref<!tpu.dma_semaphore, #tpu.memory_space<semaphore_mem>>)
    %dma_start3A_31 = arith.constant 128 : i32
    %dma_start3A_32 = tpu.memref_slice %arg8[%dma_start3A_31] : memref<1280xi32, #tpu.memory_space<vmem>> -> memref<128xi32, #tpu.memory_space<vmem>>
    %dma_start3A_33 = arith.constant 0 : i32
    %dma_start3A_34 = arith.constant 0 : i32
    %dma_start3A_35 = tpu.memref_slice %arg4[%dma_start3A_33, %dma_start3A_34] : memref<10000x128xi32, #tpu.memory_space<hbm>> -> memref<10000x128xi32, #tpu.memory_space<hbm>>
    tpu.enqueue_indirect_dma source(%dma_start3A_35 : memref<10000x128xi32, #tpu.memory_space<hbm>>) target(%arg12 : memref<128x128xi32, #tpu.memory_space<vmem>>) offsets(%dma_start3A_32 : memref<128xi32, #tpu.memory_space<vmem>>) semaphore(%arg16 : memref<!tpu.dma_semaphore, #tpu.memory_space<semaphore_mem>>)
    %dma_start3A_36 = arith.constant 128 : i32
    %dma_start3A_37 = tpu.memref_slice %arg9[%dma_start3A_36] : memref<1280xi32, #tpu.memory_space<vmem>> -> memref<128xi32, #tpu.memory_space<vmem>>
    %dma_start3A_38 = arith.constant 0 : i32
    %dma_start3A_39 = arith.constant 0 : i32
    %dma_start3A_40 = tpu.memref_slice %arg5[%dma_start3A_38, %dma_start3A_39] : memref<10000x128xi32, #tpu.memory_space<hbm>> -> memref<10000x128xi32, #tpu.memory_space<hbm>>
    tpu.enqueue_indirect_dma source(%dma_start3A_40 : memref<10000x128xi32, #tpu.memory_space<hbm>>) target(%arg13 : memref<128x128xi32, #tpu.memory_space<vmem>>) offsets(%dma_start3A_37 : memref<128xi32, #tpu.memory_space<vmem>>) semaphore(%arg16 : memref<!tpu.dma_semaphore, #tpu.memory_space<semaphore_mem>>)
    %scan3A = arith.constant 0 : i32
    %scan3A_41 = arith.constant 4 : i32
    %scan3A_42 = arith.addi %scan3A, %scan3A_41 : i32
    %scan3A_43 = arith.constant 1 : i32
    scf.for %scan3A_113 = %scan3A to %scan3A_42 step %scan3A_43  : i32 {
      %mul3A_114 = arith.constant 1 : i32
      %mul3A_115 = arith.muli %scan3A_113, %mul3A_114 : i32
      %add3A_116 = arith.constant 0 : i32
      %add3A_117 = arith.addi %add3A_116, %mul3A_115 : i32
      %mul3A_118 = arith.constant 2 : i32
      %mul3A_119 = arith.muli %add3A_117, %mul3A_118 : i32
      %dma_wait3A_120 = arith.constant 0 : i32
      %dma_wait3A_121 = arith.constant 0 : i32
      %dma_wait3A_122 = tpu.memref_slice %arg4[%dma_wait3A_120, %dma_wait3A_121] : memref<10000x128xi32, #tpu.memory_space<hbm>> -> memref<128x128xi32, #tpu.memory_space<hbm>>
      %dma_wait3A_123 = arith.constant 0 : i32
      %dma_wait3A_124 = arith.constant 0 : i32
      %dma_wait3A_125 = tpu.memref_slice %arg4[%dma_wait3A_123, %dma_wait3A_124] : memref<10000x128xi32, #tpu.memory_space<hbm>> -> memref<128x128xi32, #tpu.memory_space<hbm>>
      tpu.wait_dma2 semaphore(%arg15 : memref<!tpu.dma_semaphore, #tpu.memory_space<semaphore_mem>>) src(%dma_wait3A_125 : memref<128x128xi32, #tpu.memory_space<hbm>>) dst(%arg10 : memref<128x128xi32, #tpu.memory_space<vmem>>)
      %dma_wait3A_126 = arith.constant 0 : i32
      %dma_wait3A_127 = arith.constant 0 : i32
      %dma_wait3A_128 = tpu.memref_slice %arg5[%dma_wait3A_126, %dma_wait3A_127] : memref<10000x128xi32, #tpu.memory_space<hbm>> -> memref<128x128xi32, #tpu.memory_space<hbm>>
      %dma_wait3A_129 = arith.constant 0 : i32
      %dma_wait3A_130 = arith.constant 0 : i32
      %dma_wait3A_131 = tpu.memref_slice %arg5[%dma_wait3A_129, %dma_wait3A_130] : memref<10000x128xi32, #tpu.memory_space<hbm>> -> memref<128x128xi32, #tpu.memory_space<hbm>>
      tpu.wait_dma2 semaphore(%arg15 : memref<!tpu.dma_semaphore, #tpu.memory_space<semaphore_mem>>) src(%dma_wait3A_131 : memref<128x128xi32, #tpu.memory_space<hbm>>) dst(%arg11 : memref<128x128xi32, #tpu.memory_space<vmem>>)
      %add3A_132 = arith.constant 0 : i32
      %add3A_133 = arith.addi %mul3A_119, %add3A_132 : i32
      %mul3A_134 = arith.constant 128 : i32
      %mul3A_135 = arith.muli %add3A_133, %mul3A_134 : i32
      %add3A_136 = arith.addi %mul3A_2, %mul3A_135 : i32
      %dma_start3A_137 = arith.constant 0 : i32
      %dma_start3A_138 = tpu.memref_slice %arg6[%add3A_136, %dma_start3A_137] : memref<40960x128xi32, #tpu.memory_space<hbm>> -> memref<128x128xi32, #tpu.memory_space<hbm>>
      %dma_start3A_139 = arith.constant 0 : i32
      %dma_start3A_140 = tpu.memref_slice %arg6[%add3A_136, %dma_start3A_139] : memref<40960x128xi32, #tpu.memory_space<hbm>> -> memref<128x128xi32, #tpu.memory_space<hbm>>
      tpu.enqueue_dma source(%arg10 : memref<128x128xi32, #tpu.memory_space<vmem>>) target(%dma_start3A_140 : memref<128x128xi32, #tpu.memory_space<hbm>>) target_semaphore(%arg17 : memref<!tpu.dma_semaphore, #tpu.memory_space<semaphore_mem>>)
      %dma_start3A_141 = arith.constant 0 : i32
      %dma_start3A_142 = tpu.memref_slice %arg7[%add3A_136, %dma_start3A_141] : memref<40960x128xi32, #tpu.memory_space<hbm>> -> memref<128x128xi32, #tpu.memory_space<hbm>>
      %dma_start3A_143 = arith.constant 0 : i32
      %dma_start3A_144 = tpu.memref_slice %arg7[%add3A_136, %dma_start3A_143] : memref<40960x128xi32, #tpu.memory_space<hbm>> -> memref<128x128xi32, #tpu.memory_space<hbm>>
      tpu.enqueue_dma source(%arg11 : memref<128x128xi32, #tpu.memory_space<vmem>>) target(%dma_start3A_144 : memref<128x128xi32, #tpu.memory_space<hbm>>) target_semaphore(%arg17 : memref<!tpu.dma_semaphore, #tpu.memory_space<semaphore_mem>>)
      %dma_wait3A_145 = arith.constant 0 : i32
      %dma_wait3A_146 = arith.constant 0 : i32
      %dma_wait3A_147 = tpu.memref_slice %arg6[%dma_wait3A_145, %dma_wait3A_146] : memref<40960x128xi32, #tpu.memory_space<hbm>> -> memref<128x128xi32, #tpu.memory_space<hbm>>
      %dma_wait3A_148 = arith.constant 0 : i32
      %dma_wait3A_149 = arith.constant 0 : i32
      %dma_wait3A_150 = tpu.memref_slice %arg6[%dma_wait3A_148, %dma_wait3A_149] : memref<40960x128xi32, #tpu.memory_space<hbm>> -> memref<128x128xi32, #tpu.memory_space<hbm>>
      tpu.wait_dma2 semaphore(%arg17 : memref<!tpu.dma_semaphore, #tpu.memory_space<semaphore_mem>>) src(%arg10 : memref<128x128xi32, #tpu.memory_space<vmem>>) dst(%dma_wait3A_150 : memref<128x128xi32, #tpu.memory_space<hbm>>)
      %dma_wait3A_151 = arith.constant 0 : i32
      %dma_wait3A_152 = arith.constant 0 : i32
      %dma_wait3A_153 = tpu.memref_slice %arg7[%dma_wait3A_151, %dma_wait3A_152] : memref<40960x128xi32, #tpu.memory_space<hbm>> -> memref<128x128xi32, #tpu.memory_space<hbm>>
      %dma_wait3A_154 = arith.constant 0 : i32
      %dma_wait3A_155 = arith.constant 0 : i32
      %dma_wait3A_156 = tpu.memref_slice %arg7[%dma_wait3A_154, %dma_wait3A_155] : memref<40960x128xi32, #tpu.memory_space<hbm>> -> memref<128x128xi32, #tpu.memory_space<hbm>>
      tpu.wait_dma2 semaphore(%arg17 : memref<!tpu.dma_semaphore, #tpu.memory_space<semaphore_mem>>) src(%arg11 : memref<128x128xi32, #tpu.memory_space<vmem>>) dst(%dma_wait3A_156 : memref<128x128xi32, #tpu.memory_space<hbm>>)
      %add3A_157 = arith.constant 0 : i32
      %add3A_158 = arith.addi %mul3A_119, %add3A_157 : i32
      %add3A_159 = arith.constant 2 : i32
      %add3A_160 = arith.addi %add3A_158, %add3A_159 : i32
      %mul3A_161 = arith.constant 128 : i32
      %mul3A_162 = arith.muli %add3A_160, %mul3A_161 : i32
      %dma_start3A_163 = tpu.memref_slice %arg8[%mul3A_162] : memref<1280xi32, #tpu.memory_space<vmem>> -> memref<128xi32, #tpu.memory_space<vmem>>
      %dma_start3A_164 = arith.constant 0 : i32
      %dma_start3A_165 = arith.constant 0 : i32
      %dma_start3A_166 = tpu.memref_slice %arg4[%dma_start3A_164, %dma_start3A_165] : memref<10000x128xi32, #tpu.memory_space<hbm>> -> memref<10000x128xi32, #tpu.memory_space<hbm>>
      tpu.enqueue_indirect_dma source(%dma_start3A_166 : memref<10000x128xi32, #tpu.memory_space<hbm>>) target(%arg10 : memref<128x128xi32, #tpu.memory_space<vmem>>) offsets(%dma_start3A_163 : memref<128xi32, #tpu.memory_space<vmem>>) semaphore(%arg15 : memref<!tpu.dma_semaphore, #tpu.memory_space<semaphore_mem>>)
      %dma_start3A_167 = tpu.memref_slice %arg9[%mul3A_162] : memref<1280xi32, #tpu.memory_space<vmem>> -> memref<128xi32, #tpu.memory_space<vmem>>
      %dma_start3A_168 = arith.constant 0 : i32
      %dma_start3A_169 = arith.constant 0 : i32
      %dma_start3A_170 = tpu.memref_slice %arg5[%dma_start3A_168, %dma_start3A_169] : memref<10000x128xi32, #tpu.memory_space<hbm>> -> memref<10000x128xi32, #tpu.memory_space<hbm>>
      tpu.enqueue_indirect_dma source(%dma_start3A_170 : memref<10000x128xi32, #tpu.memory_space<hbm>>) target(%arg11 : memref<128x128xi32, #tpu.memory_space<vmem>>) offsets(%dma_start3A_167 : memref<128xi32, #tpu.memory_space<vmem>>) semaphore(%arg15 : memref<!tpu.dma_semaphore, #tpu.memory_space<semaphore_mem>>)
      %dma_wait3A_171 = arith.constant 0 : i32
      %dma_wait3A_172 = arith.constant 0 : i32
      %dma_wait3A_173 = tpu.memref_slice %arg4[%dma_wait3A_171, %dma_wait3A_172] : memref<10000x128xi32, #tpu.memory_space<hbm>> -> memref<128x128xi32, #tpu.memory_space<hbm>>
      %dma_wait3A_174 = arith.constant 0 : i32
      %dma_wait3A_175 = arith.constant 0 : i32
      %dma_wait3A_176 = tpu.memref_slice %arg4[%dma_wait3A_174, %dma_wait3A_175] : memref<10000x128xi32, #tpu.memory_space<hbm>> -> memref<128x128xi32, #tpu.memory_space<hbm>>
      tpu.wait_dma2 semaphore(%arg16 : memref<!tpu.dma_semaphore, #tpu.memory_space<semaphore_mem>>) src(%dma_wait3A_176 : memref<128x128xi32, #tpu.memory_space<hbm>>) dst(%arg12 : memref<128x128xi32, #tpu.memory_space<vmem>>)
      %dma_wait3A_177 = arith.constant 0 : i32
      %dma_wait3A_178 = arith.constant 0 : i32
      %dma_wait3A_179 = tpu.memref_slice %arg5[%dma_wait3A_177, %dma_wait3A_178] : memref<10000x128xi32, #tpu.memory_space<hbm>> -> memref<128x128xi32, #tpu.memory_space<hbm>>
      %dma_wait3A_180 = arith.constant 0 : i32
      %dma_wait3A_181 = arith.constant 0 : i32
      %dma_wait3A_182 = tpu.memref_slice %arg5[%dma_wait3A_180, %dma_wait3A_181] : memref<10000x128xi32, #tpu.memory_space<hbm>> -> memref<128x128xi32, #tpu.memory_space<hbm>>
      tpu.wait_dma2 semaphore(%arg16 : memref<!tpu.dma_semaphore, #tpu.memory_space<semaphore_mem>>) src(%dma_wait3A_182 : memref<128x128xi32, #tpu.memory_space<hbm>>) dst(%arg13 : memref<128x128xi32, #tpu.memory_space<vmem>>)
      %add3A_183 = arith.constant 1 : i32
      %add3A_184 = arith.addi %mul3A_119, %add3A_183 : i32
      %mul3A_185 = arith.constant 128 : i32
      %mul3A_186 = arith.muli %add3A_184, %mul3A_185 : i32
      %add3A_187 = arith.addi %mul3A_2, %mul3A_186 : i32
      %dma_start3A_188 = arith.constant 0 : i32
      %dma_start3A_189 = tpu.memref_slice %arg6[%add3A_187, %dma_start3A_188] : memref<40960x128xi32, #tpu.memory_space<hbm>> -> memref<128x128xi32, #tpu.memory_space<hbm>>
      %dma_start3A_190 = arith.constant 0 : i32
      %dma_start3A_191 = tpu.memref_slice %arg6[%add3A_187, %dma_start3A_190] : memref<40960x128xi32, #tpu.memory_space<hbm>> -> memref<128x128xi32, #tpu.memory_space<hbm>>
      tpu.enqueue_dma source(%arg12 : memref<128x128xi32, #tpu.memory_space<vmem>>) target(%dma_start3A_191 : memref<128x128xi32, #tpu.memory_space<hbm>>) target_semaphore(%arg18 : memref<!tpu.dma_semaphore, #tpu.memory_space<semaphore_mem>>)
      %dma_start3A_192 = arith.constant 0 : i32
      %dma_start3A_193 = tpu.memref_slice %arg7[%add3A_187, %dma_start3A_192] : memref<40960x128xi32, #tpu.memory_space<hbm>> -> memref<128x128xi32, #tpu.memory_space<hbm>>
      %dma_start3A_194 = arith.constant 0 : i32
      %dma_start3A_195 = tpu.memref_slice %arg7[%add3A_187, %dma_start3A_194] : memref<40960x128xi32, #tpu.memory_space<hbm>> -> memref<128x128xi32, #tpu.memory_space<hbm>>
      tpu.enqueue_dma source(%arg13 : memref<128x128xi32, #tpu.memory_space<vmem>>) target(%dma_start3A_195 : memref<128x128xi32, #tpu.memory_space<hbm>>) target_semaphore(%arg18 : memref<!tpu.dma_semaphore, #tpu.memory_space<semaphore_mem>>)
      %dma_wait3A_196 = arith.constant 0 : i32
      %dma_wait3A_197 = arith.constant 0 : i32
      %dma_wait3A_198 = tpu.memref_slice %arg6[%dma_wait3A_196, %dma_wait3A_197] : memref<40960x128xi32, #tpu.memory_space<hbm>> -> memref<128x128xi32, #tpu.memory_space<hbm>>
      %dma_wait3A_199 = arith.constant 0 : i32
      %dma_wait3A_200 = arith.constant 0 : i32
      %dma_wait3A_201 = tpu.memref_slice %arg6[%dma_wait3A_199, %dma_wait3A_200] : memref<40960x128xi32, #tpu.memory_space<hbm>> -> memref<128x128xi32, #tpu.memory_space<hbm>>
      tpu.wait_dma2 semaphore(%arg18 : memref<!tpu.dma_semaphore, #tpu.memory_space<semaphore_mem>>) src(%arg12 : memref<128x128xi32, #tpu.memory_space<vmem>>) dst(%dma_wait3A_201 : memref<128x128xi32, #tpu.memory_space<hbm>>)
      %dma_wait3A_202 = arith.constant 0 : i32
      %dma_wait3A_203 = arith.constant 0 : i32
      %dma_wait3A_204 = tpu.memref_slice %arg7[%dma_wait3A_202, %dma_wait3A_203] : memref<40960x128xi32, #tpu.memory_space<hbm>> -> memref<128x128xi32, #tpu.memory_space<hbm>>
      %dma_wait3A_205 = arith.constant 0 : i32
      %dma_wait3A_206 = arith.constant 0 : i32
      %dma_wait3A_207 = tpu.memref_slice %arg7[%dma_wait3A_205, %dma_wait3A_206] : memref<40960x128xi32, #tpu.memory_space<hbm>> -> memref<128x128xi32, #tpu.memory_space<hbm>>
      tpu.wait_dma2 semaphore(%arg18 : memref<!tpu.dma_semaphore, #tpu.memory_space<semaphore_mem>>) src(%arg13 : memref<128x128xi32, #tpu.memory_space<vmem>>) dst(%dma_wait3A_207 : memref<128x128xi32, #tpu.memory_space<hbm>>)
      %add3A_208 = arith.constant 1 : i32
      %add3A_209 = arith.addi %mul3A_119, %add3A_208 : i32
      %add3A_210 = arith.constant 2 : i32
      %add3A_211 = arith.addi %add3A_209, %add3A_210 : i32
      %mul3A_212 = arith.constant 128 : i32
      %mul3A_213 = arith.muli %add3A_211, %mul3A_212 : i32
      %dma_start3A_214 = tpu.memref_slice %arg8[%mul3A_213] : memref<1280xi32, #tpu.memory_space<vmem>> -> memref<128xi32, #tpu.memory_space<vmem>>
      %dma_start3A_215 = arith.constant 0 : i32
      %dma_start3A_216 = arith.constant 0 : i32
      %dma_start3A_217 = tpu.memref_slice %arg4[%dma_start3A_215, %dma_start3A_216] : memref<10000x128xi32, #tpu.memory_space<hbm>> -> memref<10000x128xi32, #tpu.memory_space<hbm>>
      tpu.enqueue_indirect_dma source(%dma_start3A_217 : memref<10000x128xi32, #tpu.memory_space<hbm>>) target(%arg12 : memref<128x128xi32, #tpu.memory_space<vmem>>) offsets(%dma_start3A_214 : memref<128xi32, #tpu.memory_space<vmem>>) semaphore(%arg16 : memref<!tpu.dma_semaphore, #tpu.memory_space<semaphore_mem>>)
      %dma_start3A_218 = tpu.memref_slice %arg9[%mul3A_213] : memref<1280xi32, #tpu.memory_space<vmem>> -> memref<128xi32, #tpu.memory_space<vmem>>
      %dma_start3A_219 = arith.constant 0 : i32
      %dma_start3A_220 = arith.constant 0 : i32
      %dma_start3A_221 = tpu.memref_slice %arg5[%dma_start3A_219, %dma_start3A_220] : memref<10000x128xi32, #tpu.memory_space<hbm>> -> memref<10000x128xi32, #tpu.memory_space<hbm>>
      tpu.enqueue_indirect_dma source(%dma_start3A_221 : memref<10000x128xi32, #tpu.memory_space<hbm>>) target(%arg13 : memref<128x128xi32, #tpu.memory_space<vmem>>) offsets(%dma_start3A_218 : memref<128xi32, #tpu.memory_space<vmem>>) semaphore(%arg16 : memref<!tpu.dma_semaphore, #tpu.memory_space<semaphore_mem>>)
    }
    %scan3A_44 = arith.constant 4 : i32
    %dma_wait3A_45 = arith.constant 0 : i32
    %dma_wait3A_46 = arith.constant 0 : i32
    %dma_wait3A_47 = tpu.memref_slice %arg4[%dma_wait3A_45, %dma_wait3A_46] : memref<10000x128xi32, #tpu.memory_space<hbm>> -> memref<128x128xi32, #tpu.memory_space<hbm>>
    %dma_wait3A_48 = arith.constant 0 : i32
    %dma_wait3A_49 = arith.constant 0 : i32
    %dma_wait3A_50 = tpu.memref_slice %arg4[%dma_wait3A_48, %dma_wait3A_49] : memref<10000x128xi32, #tpu.memory_space<hbm>> -> memref<128x128xi32, #tpu.memory_space<hbm>>
    tpu.wait_dma2 semaphore(%arg15 : memref<!tpu.dma_semaphore, #tpu.memory_space<semaphore_mem>>) src(%dma_wait3A_50 : memref<128x128xi32, #tpu.memory_space<hbm>>) dst(%arg10 : memref<128x128xi32, #tpu.memory_space<vmem>>)
    %dma_wait3A_51 = arith.constant 0 : i32
    %dma_wait3A_52 = arith.constant 0 : i32
    %dma_wait3A_53 = tpu.memref_slice %arg5[%dma_wait3A_51, %dma_wait3A_52] : memref<10000x128xi32, #tpu.memory_space<hbm>> -> memref<128x128xi32, #tpu.memory_space<hbm>>
    %dma_wait3A_54 = arith.constant 0 : i32
    %dma_wait3A_55 = arith.constant 0 : i32
    %dma_wait3A_56 = tpu.memref_slice %arg5[%dma_wait3A_54, %dma_wait3A_55] : memref<10000x128xi32, #tpu.memory_space<hbm>> -> memref<128x128xi32, #tpu.memory_space<hbm>>
    tpu.wait_dma2 semaphore(%arg15 : memref<!tpu.dma_semaphore, #tpu.memory_space<semaphore_mem>>) src(%dma_wait3A_56 : memref<128x128xi32, #tpu.memory_space<hbm>>) dst(%arg11 : memref<128x128xi32, #tpu.memory_space<vmem>>)
    %add3A_57 = arith.constant 1024 : i32
    %add3A_58 = arith.addi %mul3A_2, %add3A_57 : i32
    %dma_start3A_59 = arith.constant 0 : i32
    %dma_start3A_60 = tpu.memref_slice %arg6[%add3A_58, %dma_start3A_59] : memref<40960x128xi32, #tpu.memory_space<hbm>> -> memref<128x128xi32, #tpu.memory_space<hbm>>
    %dma_start3A_61 = arith.constant 0 : i32
    %dma_start3A_62 = tpu.memref_slice %arg6[%add3A_58, %dma_start3A_61] : memref<40960x128xi32, #tpu.memory_space<hbm>> -> memref<128x128xi32, #tpu.memory_space<hbm>>
    tpu.enqueue_dma source(%arg10 : memref<128x128xi32, #tpu.memory_space<vmem>>) target(%dma_start3A_62 : memref<128x128xi32, #tpu.memory_space<hbm>>) target_semaphore(%arg17 : memref<!tpu.dma_semaphore, #tpu.memory_space<semaphore_mem>>)
    %dma_start3A_63 = arith.constant 0 : i32
    %dma_start3A_64 = tpu.memref_slice %arg7[%add3A_58, %dma_start3A_63] : memref<40960x128xi32, #tpu.memory_space<hbm>> -> memref<128x128xi32, #tpu.memory_space<hbm>>
    %dma_start3A_65 = arith.constant 0 : i32
    %dma_start3A_66 = tpu.memref_slice %arg7[%add3A_58, %dma_start3A_65] : memref<40960x128xi32, #tpu.memory_space<hbm>> -> memref<128x128xi32, #tpu.memory_space<hbm>>
    tpu.enqueue_dma source(%arg11 : memref<128x128xi32, #tpu.memory_space<vmem>>) target(%dma_start3A_66 : memref<128x128xi32, #tpu.memory_space<hbm>>) target_semaphore(%arg17 : memref<!tpu.dma_semaphore, #tpu.memory_space<semaphore_mem>>)
    %dma_wait3A_67 = arith.constant 0 : i32
    %dma_wait3A_68 = arith.constant 0 : i32
    %dma_wait3A_69 = tpu.memref_slice %arg6[%dma_wait3A_67, %dma_wait3A_68] : memref<40960x128xi32, #tpu.memory_space<hbm>> -> memref<128x128xi32, #tpu.memory_space<hbm>>
    %dma_wait3A_70 = arith.constant 0 : i32
    %dma_wait3A_71 = arith.constant 0 : i32
    %dma_wait3A_72 = tpu.memref_slice %arg6[%dma_wait3A_70, %dma_wait3A_71] : memref<40960x128xi32, #tpu.memory_space<hbm>> -> memref<128x128xi32, #tpu.memory_space<hbm>>
    tpu.wait_dma2 semaphore(%arg17 : memref<!tpu.dma_semaphore, #tpu.memory_space<semaphore_mem>>) src(%arg10 : memref<128x128xi32, #tpu.memory_space<vmem>>) dst(%dma_wait3A_72 : memref<128x128xi32, #tpu.memory_space<hbm>>)
    %dma_wait3A_73 = arith.constant 0 : i32
    %dma_wait3A_74 = arith.constant 0 : i32
    %dma_wait3A_75 = tpu.memref_slice %arg7[%dma_wait3A_73, %dma_wait3A_74] : memref<40960x128xi32, #tpu.memory_space<hbm>> -> memref<128x128xi32, #tpu.memory_space<hbm>>
    %dma_wait3A_76 = arith.constant 0 : i32
    %dma_wait3A_77 = arith.constant 0 : i32
    %dma_wait3A_78 = tpu.memref_slice %arg7[%dma_wait3A_76, %dma_wait3A_77] : memref<40960x128xi32, #tpu.memory_space<hbm>> -> memref<128x128xi32, #tpu.memory_space<hbm>>
    tpu.wait_dma2 semaphore(%arg17 : memref<!tpu.dma_semaphore, #tpu.memory_space<semaphore_mem>>) src(%arg11 : memref<128x128xi32, #tpu.memory_space<vmem>>) dst(%dma_wait3A_78 : memref<128x128xi32, #tpu.memory_space<hbm>>)
    %dma_wait3A_79 = arith.constant 0 : i32
    %dma_wait3A_80 = arith.constant 0 : i32
    %dma_wait3A_81 = tpu.memref_slice %arg4[%dma_wait3A_79, %dma_wait3A_80] : memref<10000x128xi32, #tpu.memory_space<hbm>> -> memref<128x128xi32, #tpu.memory_space<hbm>>
    %dma_wait3A_82 = arith.constant 0 : i32
    %dma_wait3A_83 = arith.constant 0 : i32
    %dma_wait3A_84 = tpu.memref_slice %arg4[%dma_wait3A_82, %dma_wait3A_83] : memref<10000x128xi32, #tpu.memory_space<hbm>> -> memref<128x128xi32, #tpu.memory_space<hbm>>
    tpu.wait_dma2 semaphore(%arg16 : memref<!tpu.dma_semaphore, #tpu.memory_space<semaphore_mem>>) src(%dma_wait3A_84 : memref<128x128xi32, #tpu.memory_space<hbm>>) dst(%arg12 : memref<128x128xi32, #tpu.memory_space<vmem>>)
    %dma_wait3A_85 = arith.constant 0 : i32
    %dma_wait3A_86 = arith.constant 0 : i32
    %dma_wait3A_87 = tpu.memref_slice %arg5[%dma_wait3A_85, %dma_wait3A_86] : memref<10000x128xi32, #tpu.memory_space<hbm>> -> memref<128x128xi32, #tpu.memory_space<hbm>>
    %dma_wait3A_88 = arith.constant 0 : i32
    %dma_wait3A_89 = arith.constant 0 : i32
    %dma_wait3A_90 = tpu.memref_slice %arg5[%dma_wait3A_88, %dma_wait3A_89] : memref<10000x128xi32, #tpu.memory_space<hbm>> -> memref<128x128xi32, #tpu.memory_space<hbm>>
    tpu.wait_dma2 semaphore(%arg16 : memref<!tpu.dma_semaphore, #tpu.memory_space<semaphore_mem>>) src(%dma_wait3A_90 : memref<128x128xi32, #tpu.memory_space<hbm>>) dst(%arg13 : memref<128x128xi32, #tpu.memory_space<vmem>>)
    %add3A_91 = arith.constant 1152 : i32
    %add3A_92 = arith.addi %mul3A_2, %add3A_91 : i32
    %dma_start3A_93 = arith.constant 0 : i32
    %dma_start3A_94 = tpu.memref_slice %arg6[%add3A_92, %dma_start3A_93] : memref<40960x128xi32, #tpu.memory_space<hbm>> -> memref<128x128xi32, #tpu.memory_space<hbm>>
    %dma_start3A_95 = arith.constant 0 : i32
    %dma_start3A_96 = tpu.memref_slice %arg6[%add3A_92, %dma_start3A_95] : memref<40960x128xi32, #tpu.memory_space<hbm>> -> memref<128x128xi32, #tpu.memory_space<hbm>>
    tpu.enqueue_dma source(%arg12 : memref<128x128xi32, #tpu.memory_space<vmem>>) target(%dma_start3A_96 : memref<128x128xi32, #tpu.memory_space<hbm>>) target_semaphore(%arg18 : memref<!tpu.dma_semaphore, #tpu.memory_space<semaphore_mem>>)
    %dma_start3A_97 = arith.constant 0 : i32
    %dma_start3A_98 = tpu.memref_slice %arg7[%add3A_92, %dma_start3A_97] : memref<40960x128xi32, #tpu.memory_space<hbm>> -> memref<128x128xi32, #tpu.memory_space<hbm>>
    %dma_start3A_99 = arith.constant 0 : i32
    %dma_start3A_100 = tpu.memref_slice %arg7[%add3A_92, %dma_start3A_99] : memref<40960x128xi32, #tpu.memory_space<hbm>> -> memref<128x128xi32, #tpu.memory_space<hbm>>
    tpu.enqueue_dma source(%arg13 : memref<128x128xi32, #tpu.memory_space<vmem>>) target(%dma_start3A_100 : memref<128x128xi32, #tpu.memory_space<hbm>>) target_semaphore(%arg18 : memref<!tpu.dma_semaphore, #tpu.memory_space<semaphore_mem>>)
    %dma_wait3A_101 = arith.constant 0 : i32
    %dma_wait3A_102 = arith.constant 0 : i32
    %dma_wait3A_103 = tpu.memref_slice %arg6[%dma_wait3A_101, %dma_wait3A_102] : memref<40960x128xi32, #tpu.memory_space<hbm>> -> memref<128x128xi32, #tpu.memory_space<hbm>>
    %dma_wait3A_104 = arith.constant 0 : i32
    %dma_wait3A_105 = arith.constant 0 : i32
    %dma_wait3A_106 = tpu.memref_slice %arg6[%dma_wait3A_104, %dma_wait3A_105] : memref<40960x128xi32, #tpu.memory_space<hbm>> -> memref<128x128xi32, #tpu.memory_space<hbm>>
    tpu.wait_dma2 semaphore(%arg18 : memref<!tpu.dma_semaphore, #tpu.memory_space<semaphore_mem>>) src(%arg12 : memref<128x128xi32, #tpu.memory_space<vmem>>) dst(%dma_wait3A_106 : memref<128x128xi32, #tpu.memory_space<hbm>>)
    %dma_wait3A_107 = arith.constant 0 : i32
    %dma_wait3A_108 = arith.constant 0 : i32
    %dma_wait3A_109 = tpu.memref_slice %arg7[%dma_wait3A_107, %dma_wait3A_108] : memref<40960x128xi32, #tpu.memory_space<hbm>> -> memref<128x128xi32, #tpu.memory_space<hbm>>
    %dma_wait3A_110 = arith.constant 0 : i32
    %dma_wait3A_111 = arith.constant 0 : i32
    %dma_wait3A_112 = tpu.memref_slice %arg7[%dma_wait3A_110, %dma_wait3A_111] : memref<40960x128xi32, #tpu.memory_space<hbm>> -> memref<128x128xi32, #tpu.memory_space<hbm>>
    tpu.wait_dma2 semaphore(%arg18 : memref<!tpu.dma_semaphore, #tpu.memory_space<semaphore_mem>>) src(%arg13 : memref<128x128xi32, #tpu.memory_space<vmem>>) dst(%dma_wait3A_112 : memref<128x128xi32, #tpu.memory_space<hbm>>)
    return
  }
}

#map = affine_map<(d0, d1) -> (0, 0)>
module attributes {stable_mosaic.version = 14 : i64} {
  func.func @k(%arg0: i32, %arg1: i32, %arg2: memref<1x40960xi32, #tpu.memory_space<hbm>>, %arg3: memref<1x40960xi32, #tpu.memory_space<hbm>>, %arg4: memref<10000x128xi32, #tpu.memory_space<hbm>>, %arg5: memref<10000x128xi32, #tpu.memory_space<hbm>>, %arg6: memref<40960x128xi32, #tpu.memory_space<hbm>>, %arg7: memref<40960x128xi32, #tpu.memory_space<hbm>>, %arg8: memref<1280xi32, #tpu.memory_space<vmem>>, %arg9: memref<1280xi32, #tpu.memory_space<vmem>>, %arg10: memref<128x128xi32, #tpu.memory_space<vmem>>, %arg11: memref<128x128xi32, #tpu.memory_space<vmem>>, %arg12: memref<128x128xi32, #tpu.memory_space<vmem>>, %arg13: memref<128x128xi32, #tpu.memory_space<vmem>>, %arg14: memref<!tpu.dma_semaphore, #tpu.memory_space<semaphore_mem>>, %arg15: memref<!tpu.dma_semaphore, #tpu.memory_space<semaphore_mem>>, %arg16: memref<!tpu.dma_semaphore, #tpu.memory_space<semaphore_mem>>, %arg17: memref<!tpu.dma_semaphore, #tpu.memory_space<semaphore_mem>>, %arg18: memref<!tpu.dma_semaphore, #tpu.memory_space<semaphore_mem>>) attributes {dimension_semantics = [#tpu.dimension_semantics<core_parallel>, #tpu.dimension_semantics<subcore_parallel>], iteration_bounds = array<i64: 2, 16>, scalar_prefetch = 0 : i64, scratch_operands = 11 : i64, tpu.core_type = #tpu.core_type<sc_vector_subcore>, window_params = [{transform_indices = #map}, {transform_indices = #map}, {transform_indices = #map}, {transform_indices = #map}, {transform_indices = #map}, {transform_indices = #map}]} {
    %mul3A = arith.constant 2 : i32
    %mul3A_0 = arith.muli %arg1, %mul3A : i32
    %add3A = arith.addi %mul3A_0, %arg0 : i32
    %mul3A_1 = arith.constant 1280 : i32
    %mul3A_2 = arith.muli %add3A, %mul3A_1 : i32
    %dma_start3A = arith.constant 0 : i32
    %dma_start3A_3 = tpu.memref_slice %arg2[%dma_start3A, %mul3A_2] : memref<1x40960xi32, #tpu.memory_space<hbm>> -> memref<1x1280xi32, #tpu.memory_space<hbm>>
    %dma_start3A_4 = tpu.memref_squeeze %dma_start3A_3 : memref<1x1280xi32, #tpu.memory_space<hbm>> -> memref<1280xi32, #tpu.memory_space<hbm>>
    %dma_start3A_5 = tpu.memref_slice %arg2[%dma_start3A, %mul3A_2] : memref<1x40960xi32, #tpu.memory_space<hbm>> -> memref<1x1280xi32, #tpu.memory_space<hbm>>
    %dma_start3A_6 = tpu.memref_squeeze %dma_start3A_5 : memref<1x1280xi32, #tpu.memory_space<hbm>> -> memref<1280xi32, #tpu.memory_space<hbm>>
    tpu.enqueue_dma source(%dma_start3A_6 : memref<1280xi32, #tpu.memory_space<hbm>>) target(%arg8 : memref<1280xi32, #tpu.memory_space<vmem>>) target_semaphore(%arg14 : memref<!tpu.dma_semaphore, #tpu.memory_space<semaphore_mem>>)
    %dma_start3A_7 = arith.constant 0 : i32
    %dma_start3A_8 = tpu.memref_slice %arg3[%dma_start3A_7, %mul3A_2] : memref<1x40960xi32, #tpu.memory_space<hbm>> -> memref<1x1280xi32, #tpu.memory_space<hbm>>
    %dma_start3A_9 = tpu.memref_squeeze %dma_start3A_8 : memref<1x1280xi32, #tpu.memory_space<hbm>> -> memref<1280xi32, #tpu.memory_space<hbm>>
    %dma_start3A_10 = tpu.memref_slice %arg3[%dma_start3A_7, %mul3A_2] : memref<1x40960xi32, #tpu.memory_space<hbm>> -> memref<1x1280xi32, #tpu.memory_space<hbm>>
    %dma_start3A_11 = tpu.memref_squeeze %dma_start3A_10 : memref<1x1280xi32, #tpu.memory_space<hbm>> -> memref<1280xi32, #tpu.memory_space<hbm>>
    tpu.enqueue_dma source(%dma_start3A_11 : memref<1280xi32, #tpu.memory_space<hbm>>) target(%arg9 : memref<1280xi32, #tpu.memory_space<vmem>>) target_semaphore(%arg14 : memref<!tpu.dma_semaphore, #tpu.memory_space<semaphore_mem>>)
    %dma_wait3A = arith.constant 0 : i32
    %dma_wait3A_12 = tpu.memref_slice %arg2[%dma_wait3A, %mul3A_2] : memref<1x40960xi32, #tpu.memory_space<hbm>> -> memref<1x1280xi32, #tpu.memory_space<hbm>>
    %dma_wait3A_13 = tpu.memref_squeeze %dma_wait3A_12 : memref<1x1280xi32, #tpu.memory_space<hbm>> -> memref<1280xi32, #tpu.memory_space<hbm>>
    %dma_wait3A_14 = tpu.memref_slice %arg2[%dma_wait3A, %mul3A_2] : memref<1x40960xi32, #tpu.memory_space<hbm>> -> memref<1x1280xi32, #tpu.memory_space<hbm>>
    %dma_wait3A_15 = tpu.memref_squeeze %dma_wait3A_14 : memref<1x1280xi32, #tpu.memory_space<hbm>> -> memref<1280xi32, #tpu.memory_space<hbm>>
    tpu.wait_dma2 semaphore(%arg14 : memref<!tpu.dma_semaphore, #tpu.memory_space<semaphore_mem>>) src(%dma_wait3A_15 : memref<1280xi32, #tpu.memory_space<hbm>>) dst(%arg8 : memref<1280xi32, #tpu.memory_space<vmem>>)
    %dma_wait3A_16 = arith.constant 0 : i32
    %dma_wait3A_17 = tpu.memref_slice %arg3[%dma_wait3A_16, %mul3A_2] : memref<1x40960xi32, #tpu.memory_space<hbm>> -> memref<1x1280xi32, #tpu.memory_space<hbm>>
    %dma_wait3A_18 = tpu.memref_squeeze %dma_wait3A_17 : memref<1x1280xi32, #tpu.memory_space<hbm>> -> memref<1280xi32, #tpu.memory_space<hbm>>
    %dma_wait3A_19 = tpu.memref_slice %arg3[%dma_wait3A_16, %mul3A_2] : memref<1x40960xi32, #tpu.memory_space<hbm>> -> memref<1x1280xi32, #tpu.memory_space<hbm>>
    %dma_wait3A_20 = tpu.memref_squeeze %dma_wait3A_19 : memref<1x1280xi32, #tpu.memory_space<hbm>> -> memref<1280xi32, #tpu.memory_space<hbm>>
    tpu.wait_dma2 semaphore(%arg14 : memref<!tpu.dma_semaphore, #tpu.memory_space<semaphore_mem>>) src(%dma_wait3A_20 : memref<1280xi32, #tpu.memory_space<hbm>>) dst(%arg9 : memref<1280xi32, #tpu.memory_space<vmem>>)
    %dma_start3A_21 = arith.constant 0 : i32
    %dma_start3A_22 = tpu.memref_slice %arg8[%dma_start3A_21] : memref<1280xi32, #tpu.memory_space<vmem>> -> memref<128xi32, #tpu.memory_space<vmem>>
    %dma_start3A_23 = arith.constant 0 : i32
    %dma_start3A_24 = arith.constant 0 : i32
    %dma_start3A_25 = tpu.memref_slice %arg4[%dma_start3A_23, %dma_start3A_24] : memref<10000x128xi32, #tpu.memory_space<hbm>> -> memref<10000x128xi32, #tpu.memory_space<hbm>>
    tpu.enqueue_indirect_dma source(%dma_start3A_25 : memref<10000x128xi32, #tpu.memory_space<hbm>>) target(%arg10 : memref<128x128xi32, #tpu.memory_space<vmem>>) offsets(%dma_start3A_22 : memref<128xi32, #tpu.memory_space<vmem>>) semaphore(%arg15 : memref<!tpu.dma_semaphore, #tpu.memory_space<semaphore_mem>>)
    %dma_start3A_26 = arith.constant 0 : i32
    %dma_start3A_27 = tpu.memref_slice %arg9[%dma_start3A_26] : memref<1280xi32, #tpu.memory_space<vmem>> -> memref<128xi32, #tpu.memory_space<vmem>>
    %dma_start3A_28 = arith.constant 0 : i32
    %dma_start3A_29 = arith.constant 0 : i32
    %dma_start3A_30 = tpu.memref_slice %arg5[%dma_start3A_28, %dma_start3A_29] : memref<10000x128xi32, #tpu.memory_space<hbm>> -> memref<10000x128xi32, #tpu.memory_space<hbm>>
    tpu.enqueue_indirect_dma source(%dma_start3A_30 : memref<10000x128xi32, #tpu.memory_space<hbm>>) target(%arg11 : memref<128x128xi32, #tpu.memory_space<vmem>>) offsets(%dma_start3A_27 : memref<128xi32, #tpu.memory_space<vmem>>) semaphore(%arg15 : memref<!tpu.dma_semaphore, #tpu.memory_space<semaphore_mem>>)
    %dma_start3A_31 = arith.constant 128 : i32
    %dma_start3A_32 = tpu.memref_slice %arg8[%dma_start3A_31] : memref<1280xi32, #tpu.memory_space<vmem>> -> memref<128xi32, #tpu.memory_space<vmem>>
    %dma_start3A_33 = arith.constant 0 : i32
    %dma_start3A_34 = arith.constant 0 : i32
    %dma_start3A_35 = tpu.memref_slice %arg4[%dma_start3A_33, %dma_start3A_34] : memref<10000x128xi32, #tpu.memory_space<hbm>> -> memref<10000x128xi32, #tpu.memory_space<hbm>>
    tpu.enqueue_indirect_dma source(%dma_start3A_35 : memref<10000x128xi32, #tpu.memory_space<hbm>>) target(%arg12 : memref<128x128xi32, #tpu.memory_space<vmem>>) offsets(%dma_start3A_32 : memref<128xi32, #tpu.memory_space<vmem>>) semaphore(%arg16 : memref<!tpu.dma_semaphore, #tpu.memory_space<semaphore_mem>>)
    %dma_start3A_36 = arith.constant 128 : i32
    %dma_start3A_37 = tpu.memref_slice %arg9[%dma_start3A_36] : memref<1280xi32, #tpu.memory_space<vmem>> -> memref<128xi32, #tpu.memory_space<vmem>>
    %dma_start3A_38 = arith.constant 0 : i32
    %dma_start3A_39 = arith.constant 0 : i32
    %dma_start3A_40 = tpu.memref_slice %arg5[%dma_start3A_38, %dma_start3A_39] : memref<10000x128xi32, #tpu.memory_space<hbm>> -> memref<10000x128xi32, #tpu.memory_space<hbm>>
    tpu.enqueue_indirect_dma source(%dma_start3A_40 : memref<10000x128xi32, #tpu.memory_space<hbm>>) target(%arg13 : memref<128x128xi32, #tpu.memory_space<vmem>>) offsets(%dma_start3A_37 : memref<128xi32, #tpu.memory_space<vmem>>) semaphore(%arg16 : memref<!tpu.dma_semaphore, #tpu.memory_space<semaphore_mem>>)
    %scan3A = arith.constant 0 : i32
    %scan3A_41 = arith.constant 4 : i32
    %scan3A_42 = arith.addi %scan3A, %scan3A_41 : i32
    %scan3A_43 = arith.constant 1 : i32
    scf.for %scan3A_113 = %scan3A to %scan3A_42 step %scan3A_43  : i32 {
      %mul3A_114 = arith.constant 1 : i32
      %mul3A_115 = arith.muli %scan3A_113, %mul3A_114 : i32
      %add3A_116 = arith.constant 0 : i32
      %add3A_117 = arith.addi %add3A_116, %mul3A_115 : i32
      %mul3A_118 = arith.constant 2 : i32
      %mul3A_119 = arith.muli %add3A_117, %mul3A_118 : i32
      %dma_wait3A_120 = arith.constant 0 : i32
      %dma_wait3A_121 = arith.constant 0 : i32
      %dma_wait3A_122 = tpu.memref_slice %arg4[%dma_wait3A_120, %dma_wait3A_121] : memref<10000x128xi32, #tpu.memory_space<hbm>> -> memref<128x128xi32, #tpu.memory_space<hbm>>
      %dma_wait3A_123 = arith.constant 0 : i32
      %dma_wait3A_124 = arith.constant 0 : i32
      %dma_wait3A_125 = tpu.memref_slice %arg4[%dma_wait3A_123, %dma_wait3A_124] : memref<10000x128xi32, #tpu.memory_space<hbm>> -> memref<128x128xi32, #tpu.memory_space<hbm>>
      tpu.wait_dma2 semaphore(%arg15 : memref<!tpu.dma_semaphore, #tpu.memory_space<semaphore_mem>>) src(%dma_wait3A_125 : memref<128x128xi32, #tpu.memory_space<hbm>>) dst(%arg10 : memref<128x128xi32, #tpu.memory_space<vmem>>)
      %dma_wait3A_126 = arith.constant 0 : i32
      %dma_wait3A_127 = arith.constant 0 : i32
      %dma_wait3A_128 = tpu.memref_slice %arg5[%dma_wait3A_126, %dma_wait3A_127] : memref<10000x128xi32, #tpu.memory_space<hbm>> -> memref<128x128xi32, #tpu.memory_space<hbm>>
      %dma_wait3A_129 = arith.constant 0 : i32
      %dma_wait3A_130 = arith.constant 0 : i32
      %dma_wait3A_131 = tpu.memref_slice %arg5[%dma_wait3A_129, %dma_wait3A_130] : memref<10000x128xi32, #tpu.memory_space<hbm>> -> memref<128x128xi32, #tpu.memory_space<hbm>>
      tpu.wait_dma2 semaphore(%arg15 : memref<!tpu.dma_semaphore, #tpu.memory_space<semaphore_mem>>) src(%dma_wait3A_131 : memref<128x128xi32, #tpu.memory_space<hbm>>) dst(%arg11 : memref<128x128xi32, #tpu.memory_space<vmem>>)
      %add3A_132 = arith.constant 0 : i32
      %add3A_133 = arith.addi %mul3A_119, %add3A_132 : i32
      %mul3A_134 = arith.constant 128 : i32
      %mul3A_135 = arith.muli %add3A_133, %mul3A_134 : i32
      %add3A_136 = arith.addi %mul3A_2, %mul3A_135 : i32
      %dma_start3A_137 = arith.constant 0 : i32
      %dma_start3A_138 = tpu.memref_slice %arg6[%add3A_136, %dma_start3A_137] : memref<40960x128xi32, #tpu.memory_space<hbm>> -> memref<128x128xi32, #tpu.memory_space<hbm>>
      %dma_start3A_139 = arith.constant 0 : i32
      %dma_start3A_140 = tpu.memref_slice %arg6[%add3A_136, %dma_start3A_139] : memref<40960x128xi32, #tpu.memory_space<hbm>> -> memref<128x128xi32, #tpu.memory_space<hbm>>
      tpu.enqueue_dma source(%arg10 : memref<128x128xi32, #tpu.memory_space<vmem>>) target(%dma_start3A_140 : memref<128x128xi32, #tpu.memory_space<hbm>>) target_semaphore(%arg17 : memref<!tpu.dma_semaphore, #tpu.memory_space<semaphore_mem>>)
      %dma_start3A_141 = arith.constant 0 : i32
      %dma_start3A_142 = tpu.memref_slice %arg7[%add3A_136, %dma_start3A_141] : memref<40960x128xi32, #tpu.memory_space<hbm>> -> memref<128x128xi32, #tpu.memory_space<hbm>>
      %dma_start3A_143 = arith.constant 0 : i32
      %dma_start3A_144 = tpu.memref_slice %arg7[%add3A_136, %dma_start3A_143] : memref<40960x128xi32, #tpu.memory_space<hbm>> -> memref<128x128xi32, #tpu.memory_space<hbm>>
      tpu.enqueue_dma source(%arg11 : memref<128x128xi32, #tpu.memory_space<vmem>>) target(%dma_start3A_144 : memref<128x128xi32, #tpu.memory_space<hbm>>) target_semaphore(%arg17 : memref<!tpu.dma_semaphore, #tpu.memory_space<semaphore_mem>>)
      %dma_wait3A_145 = arith.constant 0 : i32
      %dma_wait3A_146 = arith.constant 0 : i32
      %dma_wait3A_147 = tpu.memref_slice %arg6[%dma_wait3A_145, %dma_wait3A_146] : memref<40960x128xi32, #tpu.memory_space<hbm>> -> memref<128x128xi32, #tpu.memory_space<hbm>>
      %dma_wait3A_148 = arith.constant 0 : i32
      %dma_wait3A_149 = arith.constant 0 : i32
      %dma_wait3A_150 = tpu.memref_slice %arg6[%dma_wait3A_148, %dma_wait3A_149] : memref<40960x128xi32, #tpu.memory_space<hbm>> -> memref<128x128xi32, #tpu.memory_space<hbm>>
      tpu.wait_dma2 semaphore(%arg17 : memref<!tpu.dma_semaphore, #tpu.memory_space<semaphore_mem>>) src(%arg10 : memref<128x128xi32, #tpu.memory_space<vmem>>) dst(%dma_wait3A_150 : memref<128x128xi32, #tpu.memory_space<hbm>>)
      %dma_wait3A_151 = arith.constant 0 : i32
      %dma_wait3A_152 = arith.constant 0 : i32
      %dma_wait3A_153 = tpu.memref_slice %arg7[%dma_wait3A_151, %dma_wait3A_152] : memref<40960x128xi32, #tpu.memory_space<hbm>> -> memref<128x128xi32, #tpu.memory_space<hbm>>
      %dma_wait3A_154 = arith.constant 0 : i32
      %dma_wait3A_155 = arith.constant 0 : i32
      %dma_wait3A_156 = tpu.memref_slice %arg7[%dma_wait3A_154, %dma_wait3A_155] : memref<40960x128xi32, #tpu.memory_space<hbm>> -> memref<128x128xi32, #tpu.memory_space<hbm>>
      tpu.wait_dma2 semaphore(%arg17 : memref<!tpu.dma_semaphore, #tpu.memory_space<semaphore_mem>>) src(%arg11 : memref<128x128xi32, #tpu.memory_space<vmem>>) dst(%dma_wait3A_156 : memref<128x128xi32, #tpu.memory_space<hbm>>)
      %add3A_157 = arith.constant 0 : i32
      %add3A_158 = arith.addi %mul3A_119, %add3A_157 : i32
      %add3A_159 = arith.constant 2 : i32
      %add3A_160 = arith.addi %add3A_158, %add3A_159 : i32
      %mul3A_161 = arith.constant 128 : i32
      %mul3A_162 = arith.muli %add3A_160, %mul3A_161 : i32
      %dma_start3A_163 = tpu.memref_slice %arg8[%mul3A_162] : memref<1280xi32, #tpu.memory_space<vmem>> -> memref<128xi32, #tpu.memory_space<vmem>>
      %dma_start3A_164 = arith.constant 0 : i32
      %dma_start3A_165 = arith.constant 0 : i32
      %dma_start3A_166 = tpu.memref_slice %arg4[%dma_start3A_164, %dma_start3A_165] : memref<10000x128xi32, #tpu.memory_space<hbm>> -> memref<10000x128xi32, #tpu.memory_space<hbm>>
      tpu.enqueue_indirect_dma source(%dma_start3A_166 : memref<10000x128xi32, #tpu.memory_space<hbm>>) target(%arg10 : memref<128x128xi32, #tpu.memory_space<vmem>>) offsets(%dma_start3A_163 : memref<128xi32, #tpu.memory_space<vmem>>) semaphore(%arg15 : memref<!tpu.dma_semaphore, #tpu.memory_space<semaphore_mem>>)
      %dma_start3A_167 = tpu.memref_slice %arg9[%mul3A_162] : memref<1280xi32, #tpu.memory_space<vmem>> -> memref<128xi32, #tpu.memory_space<vmem>>
      %dma_start3A_168 = arith.constant 0 : i32
      %dma_start3A_169 = arith.constant 0 : i32
      %dma_start3A_170 = tpu.memref_slice %arg5[%dma_start3A_168, %dma_start3A_169] : memref<10000x128xi32, #tpu.memory_space<hbm>> -> memref<10000x128xi32, #tpu.memory_space<hbm>>
      tpu.enqueue_indirect_dma source(%dma_start3A_170 : memref<10000x128xi32, #tpu.memory_space<hbm>>) target(%arg11 : memref<128x128xi32, #tpu.memory_space<vmem>>) offsets(%dma_start3A_167 : memref<128xi32, #tpu.memory_space<vmem>>) semaphore(%arg15 : memref<!tpu.dma_semaphore, #tpu.memory_space<semaphore_mem>>)
      %dma_wait3A_171 = arith.constant 0 : i32
      %dma_wait3A_172 = arith.constant 0 : i32
      %dma_wait3A_173 = tpu.memref_slice %arg4[%dma_wait3A_171, %dma_wait3A_172] : memref<10000x128xi32, #tpu.memory_space<hbm>> -> memref<128x128xi32, #tpu.memory_space<hbm>>
      %dma_wait3A_174 = arith.constant 0 : i32
      %dma_wait3A_175 = arith.constant 0 : i32
      %dma_wait3A_176 = tpu.memref_slice %arg4[%dma_wait3A_174, %dma_wait3A_175] : memref<10000x128xi32, #tpu.memory_space<hbm>> -> memref<128x128xi32, #tpu.memory_space<hbm>>
      tpu.wait_dma2 semaphore(%arg16 : memref<!tpu.dma_semaphore, #tpu.memory_space<semaphore_mem>>) src(%dma_wait3A_176 : memref<128x128xi32, #tpu.memory_space<hbm>>) dst(%arg12 : memref<128x128xi32, #tpu.memory_space<vmem>>)
      %dma_wait3A_177 = arith.constant 0 : i32
      %dma_wait3A_178 = arith.constant 0 : i32
      %dma_wait3A_179 = tpu.memref_slice %arg5[%dma_wait3A_177, %dma_wait3A_178] : memref<10000x128xi32, #tpu.memory_space<hbm>> -> memref<128x128xi32, #tpu.memory_space<hbm>>
      %dma_wait3A_180 = arith.constant 0 : i32
      %dma_wait3A_181 = arith.constant 0 : i32
      %dma_wait3A_182 = tpu.memref_slice %arg5[%dma_wait3A_180, %dma_wait3A_181] : memref<10000x128xi32, #tpu.memory_space<hbm>> -> memref<128x128xi32, #tpu.memory_space<hbm>>
      tpu.wait_dma2 semaphore(%arg16 : memref<!tpu.dma_semaphore, #tpu.memory_space<semaphore_mem>>) src(%dma_wait3A_182 : memref<128x128xi32, #tpu.memory_space<hbm>>) dst(%arg13 : memref<128x128xi32, #tpu.memory_space<vmem>>)
      %add3A_183 = arith.constant 1 : i32
      %add3A_184 = arith.addi %mul3A_119, %add3A_183 : i32
      %mul3A_185 = arith.constant 128 : i32
      %mul3A_186 = arith.muli %add3A_184, %mul3A_185 : i32
      %add3A_187 = arith.addi %mul3A_2, %mul3A_186 : i32
      %dma_start3A_188 = arith.constant 0 : i32
      %dma_start3A_189 = tpu.memref_slice %arg6[%add3A_187, %dma_start3A_188] : memref<40960x128xi32, #tpu.memory_space<hbm>> -> memref<128x128xi32, #tpu.memory_space<hbm>>
      %dma_start3A_190 = arith.constant 0 : i32
      %dma_start3A_191 = tpu.memref_slice %arg6[%add3A_187, %dma_start3A_190] : memref<40960x128xi32, #tpu.memory_space<hbm>> -> memref<128x128xi32, #tpu.memory_space<hbm>>
      tpu.enqueue_dma source(%arg12 : memref<128x128xi32, #tpu.memory_space<vmem>>) target(%dma_start3A_191 : memref<128x128xi32, #tpu.memory_space<hbm>>) target_semaphore(%arg18 : memref<!tpu.dma_semaphore, #tpu.memory_space<semaphore_mem>>)
      %dma_start3A_192 = arith.constant 0 : i32
      %dma_start3A_193 = tpu.memref_slice %arg7[%add3A_187, %dma_start3A_192] : memref<40960x128xi32, #tpu.memory_space<hbm>> -> memref<128x128xi32, #tpu.memory_space<hbm>>
      %dma_start3A_194 = arith.constant 0 : i32
      %dma_start3A_195 = tpu.memref_slice %arg7[%add3A_187, %dma_start3A_194] : memref<40960x128xi32, #tpu.memory_space<hbm>> -> memref<128x128xi32, #tpu.memory_space<hbm>>
      tpu.enqueue_dma source(%arg13 : memref<128x128xi32, #tpu.memory_space<vmem>>) target(%dma_start3A_195 : memref<128x128xi32, #tpu.memory_space<hbm>>) target_semaphore(%arg18 : memref<!tpu.dma_semaphore, #tpu.memory_space<semaphore_mem>>)
      %dma_wait3A_196 = arith.constant 0 : i32
      %dma_wait3A_197 = arith.constant 0 : i32
      %dma_wait3A_198 = tpu.memref_slice %arg6[%dma_wait3A_196, %dma_wait3A_197] : memref<40960x128xi32, #tpu.memory_space<hbm>> -> memref<128x128xi32, #tpu.memory_space<hbm>>
      %dma_wait3A_199 = arith.constant 0 : i32
      %dma_wait3A_200 = arith.constant 0 : i32
      %dma_wait3A_201 = tpu.memref_slice %arg6[%dma_wait3A_199, %dma_wait3A_200] : memref<40960x128xi32, #tpu.memory_space<hbm>> -> memref<128x128xi32, #tpu.memory_space<hbm>>
      tpu.wait_dma2 semaphore(%arg18 : memref<!tpu.dma_semaphore, #tpu.memory_space<semaphore_mem>>) src(%arg12 : memref<128x128xi32, #tpu.memory_space<vmem>>) dst(%dma_wait3A_201 : memref<128x128xi32, #tpu.memory_space<hbm>>)
      %dma_wait3A_202 = arith.constant 0 : i32
      %dma_wait3A_203 = arith.constant 0 : i32
      %dma_wait3A_204 = tpu.memref_slice %arg7[%dma_wait3A_202, %dma_wait3A_203] : memref<40960x128xi32, #tpu.memory_space<hbm>> -> memref<128x128xi32, #tpu.memory_space<hbm>>
      %dma_wait3A_205 = arith.constant 0 : i32
      %dma_wait3A_206 = arith.constant 0 : i32
      %dma_wait3A_207 = tpu.memref_slice %arg7[%dma_wait3A_205, %dma_wait3A_206] : memref<40960x128xi32, #tpu.memory_space<hbm>> -> memref<128x128xi32, #tpu.memory_space<hbm>>
      tpu.wait_dma2 semaphore(%arg18 : memref<!tpu.dma_semaphore, #tpu.memory_space<semaphore_mem>>) src(%arg13 : memref<128x128xi32, #tpu.memory_space<vmem>>) dst(%dma_wait3A_207 : memref<128x128xi32, #tpu.memory_space<hbm>>)
      %add3A_208 = arith.constant 1 : i32
      %add3A_209 = arith.addi %mul3A_119, %add3A_208 : i32
      %add3A_210 = arith.constant 2 : i32
      %add3A_211 = arith.addi %add3A_209, %add3A_210 : i32
      %mul3A_212 = arith.constant 128 : i32
      %mul3A_213 = arith.muli %add3A_211, %mul3A_212 : i32
      %dma_start3A_214 = tpu.memref_slice %arg8[%mul3A_213] : memref<1280xi32, #tpu.memory_space<vmem>> -> memref<128xi32, #tpu.memory_space<vmem>>
      %dma_start3A_215 = arith.constant 0 : i32
      %dma_start3A_216 = arith.constant 0 : i32
      %dma_start3A_217 = tpu.memref_slice %arg4[%dma_start3A_215, %dma_start3A_216] : memref<10000x128xi32, #tpu.memory_space<hbm>> -> memref<10000x128xi32, #tpu.memory_space<hbm>>
      tpu.enqueue_indirect_dma source(%dma_start3A_217 : memref<10000x128xi32, #tpu.memory_space<hbm>>) target(%arg12 : memref<128x128xi32, #tpu.memory_space<vmem>>) offsets(%dma_start3A_214 : memref<128xi32, #tpu.memory_space<vmem>>) semaphore(%arg16 : memref<!tpu.dma_semaphore, #tpu.memory_space<semaphore_mem>>)
      %dma_start3A_218 = tpu.memref_slice %arg9[%mul3A_213] : memref<1280xi32, #tpu.memory_space<vmem>> -> memref<128xi32, #tpu.memory_space<vmem>>
      %dma_start3A_219 = arith.constant 0 : i32
      %dma_start3A_220 = arith.constant 0 : i32
      %dma_start3A_221 = tpu.memref_slice %arg5[%dma_start3A_219, %dma_start3A_220] : memref<10000x128xi32, #tpu.memory_space<hbm>> -> memref<10000x128xi32, #tpu.memory_space<hbm>>
      tpu.enqueue_indirect_dma source(%dma_start3A_221 : memref<10000x128xi32, #tpu.memory_space<hbm>>) target(%arg13 : memref<128x128xi32, #tpu.memory_space<vmem>>) offsets(%dma_start3A_218 : memref<128xi32, #tpu.memory_space<vmem>>) semaphore(%arg16 : memref<!tpu.dma_semaphore, #tpu.memory_space<semaphore_mem>>)
    }
    %scan3A_44 = arith.constant 4 : i32
    %dma_wait3A_45 = arith.constant 0 : i32
    %dma_wait3A_46 = arith.constant 0 : i32
    %dma_wait3A_47 = tpu.memref_slice %arg4[%dma_wait3A_45, %dma_wait3A_46] : memref<10000x128xi32, #tpu.memory_space<hbm>> -> memref<128x128xi32, #tpu.memory_space<hbm>>
    %dma_wait3A_48 = arith.constant 0 : i32
    %dma_wait3A_49 = arith.constant 0 : i32
    %dma_wait3A_50 = tpu.memref_slice %arg4[%dma_wait3A_48, %dma_wait3A_49] : memref<10000x128xi32, #tpu.memory_space<hbm>> -> memref<128x128xi32, #tpu.memory_space<hbm>>
    tpu.wait_dma2 semaphore(%arg15 : memref<!tpu.dma_semaphore, #tpu.memory_space<semaphore_mem>>) src(%dma_wait3A_50 : memref<128x128xi32, #tpu.memory_space<hbm>>) dst(%arg10 : memref<128x128xi32, #tpu.memory_space<vmem>>)
    %dma_wait3A_51 = arith.constant 0 : i32
    %dma_wait3A_52 = arith.constant 0 : i32
    %dma_wait3A_53 = tpu.memref_slice %arg5[%dma_wait3A_51, %dma_wait3A_52] : memref<10000x128xi32, #tpu.memory_space<hbm>> -> memref<128x128xi32, #tpu.memory_space<hbm>>
    %dma_wait3A_54 = arith.constant 0 : i32
    %dma_wait3A_55 = arith.constant 0 : i32
    %dma_wait3A_56 = tpu.memref_slice %arg5[%dma_wait3A_54, %dma_wait3A_55] : memref<10000x128xi32, #tpu.memory_space<hbm>> -> memref<128x128xi32, #tpu.memory_space<hbm>>
    tpu.wait_dma2 semaphore(%arg15 : memref<!tpu.dma_semaphore, #tpu.memory_space<semaphore_mem>>) src(%dma_wait3A_56 : memref<128x128xi32, #tpu.memory_space<hbm>>) dst(%arg11 : memref<128x128xi32, #tpu.memory_space<vmem>>)
    %add3A_57 = arith.constant 1024 : i32
    %add3A_58 = arith.addi %mul3A_2, %add3A_57 : i32
    %dma_start3A_59 = arith.constant 0 : i32
    %dma_start3A_60 = tpu.memref_slice %arg6[%add3A_58, %dma_start3A_59] : memref<40960x128xi32, #tpu.memory_space<hbm>> -> memref<128x128xi32, #tpu.memory_space<hbm>>
    %dma_start3A_61 = arith.constant 0 : i32
    %dma_start3A_62 = tpu.memref_slice %arg6[%add3A_58, %dma_start3A_61] : memref<40960x128xi32, #tpu.memory_space<hbm>> -> memref<128x128xi32, #tpu.memory_space<hbm>>
    tpu.enqueue_dma source(%arg10 : memref<128x128xi32, #tpu.memory_space<vmem>>) target(%dma_start3A_62 : memref<128x128xi32, #tpu.memory_space<hbm>>) target_semaphore(%arg17 : memref<!tpu.dma_semaphore, #tpu.memory_space<semaphore_mem>>)
    %dma_start3A_63 = arith.constant 0 : i32
    %dma_start3A_64 = tpu.memref_slice %arg7[%add3A_58, %dma_start3A_63] : memref<40960x128xi32, #tpu.memory_space<hbm>> -> memref<128x128xi32, #tpu.memory_space<hbm>>
    %dma_start3A_65 = arith.constant 0 : i32
    %dma_start3A_66 = tpu.memref_slice %arg7[%add3A_58, %dma_start3A_65] : memref<40960x128xi32, #tpu.memory_space<hbm>> -> memref<128x128xi32, #tpu.memory_space<hbm>>
    tpu.enqueue_dma source(%arg11 : memref<128x128xi32, #tpu.memory_space<vmem>>) target(%dma_start3A_66 : memref<128x128xi32, #tpu.memory_space<hbm>>) target_semaphore(%arg17 : memref<!tpu.dma_semaphore, #tpu.memory_space<semaphore_mem>>)
    %dma_wait3A_67 = arith.constant 0 : i32
    %dma_wait3A_68 = arith.constant 0 : i32
    %dma_wait3A_69 = tpu.memref_slice %arg6[%dma_wait3A_67, %dma_wait3A_68] : memref<40960x128xi32, #tpu.memory_space<hbm>> -> memref<128x128xi32, #tpu.memory_space<hbm>>
    %dma_wait3A_70 = arith.constant 0 : i32
    %dma_wait3A_71 = arith.constant 0 : i32
    %dma_wait3A_72 = tpu.memref_slice %arg6[%dma_wait3A_70, %dma_wait3A_71] : memref<40960x128xi32, #tpu.memory_space<hbm>> -> memref<128x128xi32, #tpu.memory_space<hbm>>
    tpu.wait_dma2 semaphore(%arg17 : memref<!tpu.dma_semaphore, #tpu.memory_space<semaphore_mem>>) src(%arg10 : memref<128x128xi32, #tpu.memory_space<vmem>>) dst(%dma_wait3A_72 : memref<128x128xi32, #tpu.memory_space<hbm>>)
    %dma_wait3A_73 = arith.constant 0 : i32
    %dma_wait3A_74 = arith.constant 0 : i32
    %dma_wait3A_75 = tpu.memref_slice %arg7[%dma_wait3A_73, %dma_wait3A_74] : memref<40960x128xi32, #tpu.memory_space<hbm>> -> memref<128x128xi32, #tpu.memory_space<hbm>>
    %dma_wait3A_76 = arith.constant 0 : i32
    %dma_wait3A_77 = arith.constant 0 : i32
    %dma_wait3A_78 = tpu.memref_slice %arg7[%dma_wait3A_76, %dma_wait3A_77] : memref<40960x128xi32, #tpu.memory_space<hbm>> -> memref<128x128xi32, #tpu.memory_space<hbm>>
    tpu.wait_dma2 semaphore(%arg17 : memref<!tpu.dma_semaphore, #tpu.memory_space<semaphore_mem>>) src(%arg11 : memref<128x128xi32, #tpu.memory_space<vmem>>) dst(%dma_wait3A_78 : memref<128x128xi32, #tpu.memory_space<hbm>>)
    %dma_wait3A_79 = arith.constant 0 : i32
    %dma_wait3A_80 = arith.constant 0 : i32
    %dma_wait3A_81 = tpu.memref_slice %arg4[%dma_wait3A_79, %dma_wait3A_80] : memref<10000x128xi32, #tpu.memory_space<hbm>> -> memref<128x128xi32, #tpu.memory_space<hbm>>
    %dma_wait3A_82 = arith.constant 0 : i32
    %dma_wait3A_83 = arith.constant 0 : i32
    %dma_wait3A_84 = tpu.memref_slice %arg4[%dma_wait3A_82, %dma_wait3A_83] : memref<10000x128xi32, #tpu.memory_space<hbm>> -> memref<128x128xi32, #tpu.memory_space<hbm>>
    tpu.wait_dma2 semaphore(%arg16 : memref<!tpu.dma_semaphore, #tpu.memory_space<semaphore_mem>>) src(%dma_wait3A_84 : memref<128x128xi32, #tpu.memory_space<hbm>>) dst(%arg12 : memref<128x128xi32, #tpu.memory_space<vmem>>)
    %dma_wait3A_85 = arith.constant 0 : i32
    %dma_wait3A_86 = arith.constant 0 : i32
    %dma_wait3A_87 = tpu.memref_slice %arg5[%dma_wait3A_85, %dma_wait3A_86] : memref<10000x128xi32, #tpu.memory_space<hbm>> -> memref<128x128xi32, #tpu.memory_space<hbm>>
    %dma_wait3A_88 = arith.constant 0 : i32
    %dma_wait3A_89 = arith.constant 0 : i32
    %dma_wait3A_90 = tpu.memref_slice %arg5[%dma_wait3A_88, %dma_wait3A_89] : memref<10000x128xi32, #tpu.memory_space<hbm>> -> memref<128x128xi32, #tpu.memory_space<hbm>>
    tpu.wait_dma2 semaphore(%arg16 : memref<!tpu.dma_semaphore, #tpu.memory_space<semaphore_mem>>) src(%dma_wait3A_90 : memref<128x128xi32, #tpu.memory_space<hbm>>) dst(%arg13 : memref<128x128xi32, #tpu.memory_space<vmem>>)
    %add3A_91 = arith.constant 1152 : i32
    %add3A_92 = arith.addi %mul3A_2, %add3A_91 : i32
    %dma_start3A_93 = arith.constant 0 : i32
    %dma_start3A_94 = tpu.memref_slice %arg6[%add3A_92, %dma_start3A_93] : memref<40960x128xi32, #tpu.memory_space<hbm>> -> memref<128x128xi32, #tpu.memory_space<hbm>>
    %dma_start3A_95 = arith.constant 0 : i32
    %dma_start3A_96 = tpu.memref_slice %arg6[%add3A_92, %dma_start3A_95] : memref<40960x128xi32, #tpu.memory_space<hbm>> -> memref<128x128xi32, #tpu.memory_space<hbm>>
    tpu.enqueue_dma source(%arg12 : memref<128x128xi32, #tpu.memory_space<vmem>>) target(%dma_start3A_96 : memref<128x128xi32, #tpu.memory_space<hbm>>) target_semaphore(%arg18 : memref<!tpu.dma_semaphore, #tpu.memory_space<semaphore_mem>>)
    %dma_start3A_97 = arith.constant 0 : i32
    %dma_start3A_98 = tpu.memref_slice %arg7[%add3A_92, %dma_start3A_97] : memref<40960x128xi32, #tpu.memory_space<hbm>> -> memref<128x128xi32, #tpu.memory_space<hbm>>
    %dma_start3A_99 = arith.constant 0 : i32
    %dma_start3A_100 = tpu.memref_slice %arg7[%add3A_92, %dma_start3A_99] : memref<40960x128xi32, #tpu.memory_space<hbm>> -> memref<128x128xi32, #tpu.memory_space<hbm>>
    tpu.enqueue_dma source(%arg13 : memref<128x128xi32, #tpu.memory_space<vmem>>) target(%dma_start3A_100 : memref<128x128xi32, #tpu.memory_space<hbm>>) target_semaphore(%arg18 : memref<!tpu.dma_semaphore, #tpu.memory_space<semaphore_mem>>)
    %dma_wait3A_101 = arith.constant 0 : i32
    %dma_wait3A_102 = arith.constant 0 : i32
    %dma_wait3A_103 = tpu.memref_slice %arg6[%dma_wait3A_101, %dma_wait3A_102] : memref<40960x128xi32, #tpu.memory_space<hbm>> -> memref<128x128xi32, #tpu.memory_space<hbm>>
    %dma_wait3A_104 = arith.constant 0 : i32
    %dma_wait3A_105 = arith.constant 0 : i32
    %dma_wait3A_106 = tpu.memref_slice %arg6[%dma_wait3A_104, %dma_wait3A_105] : memref<40960x128xi32, #tpu.memory_space<hbm>> -> memref<128x128xi32, #tpu.memory_space<hbm>>
    tpu.wait_dma2 semaphore(%arg18 : memref<!tpu.dma_semaphore, #tpu.memory_space<semaphore_mem>>) src(%arg12 : memref<128x128xi32, #tpu.memory_space<vmem>>) dst(%dma_wait3A_106 : memref<128x128xi32, #tpu.memory_space<hbm>>)
    %dma_wait3A_107 = arith.constant 0 : i32
    %dma_wait3A_108 = arith.constant 0 : i32
    %dma_wait3A_109 = tpu.memref_slice %arg7[%dma_wait3A_107, %dma_wait3A_108] : memref<40960x128xi32, #tpu.memory_space<hbm>> -> memref<128x128xi32, #tpu.memory_space<hbm>>
    %dma_wait3A_110 = arith.constant 0 : i32
    %dma_wait3A_111 = arith.constant 0 : i32
    %dma_wait3A_112 = tpu.memref_slice %arg7[%dma_wait3A_110, %dma_wait3A_111] : memref<40960x128xi32, #tpu.memory_space<hbm>> -> memref<128x128xi32, #tpu.memory_space<hbm>>
    tpu.wait_dma2 semaphore(%arg18 : memref<!tpu.dma_semaphore, #tpu.memory_space<semaphore_mem>>) src(%arg13 : memref<128x128xi32, #tpu.memory_space<vmem>>) dst(%dma_wait3A_112 : memref<128x128xi32, #tpu.memory_space<hbm>>)
    return
  }
}

module attributes {stable_mosaic.version = 14 : i64} {
  func.func @_mlp1_body(%arg0: i32, %arg1: memref<1000x256xf32, #tpu.memory_space<vmem>>, %arg2: memref<256x256xf32, #tpu.memory_space<vmem>>, %arg3: memref<256x256xf32, #tpu.memory_space<vmem>>, %arg4: memref<1x256xf32, #tpu.memory_space<vmem>>, %arg5: memref<1000x128xi32, #tpu.memory_space<vmem>>, %arg6: memref<1000x128xi32, #tpu.memory_space<vmem>>) attributes {dimension_semantics = [#tpu.dimension_semantics<arbitrary>], iteration_bounds = array<i64: 10>, scalar_prefetch = 0 : i64, scratch_operands = 0 : i64, tpu.core_type = #tpu.core_type<tc>, window_params = [{transform_indices = @transform_0, window_bounds = array<i64: 1000, 256>}, {pipeline_mode = #tpu.pipeline_mode<synchronous>, transform_indices = @transform_1, window_bounds = array<i64: 256, 256>}, {pipeline_mode = #tpu.pipeline_mode<synchronous>, transform_indices = @transform_2, window_bounds = array<i64: 256, 256>}, {pipeline_mode = #tpu.pipeline_mode<synchronous>, transform_indices = @transform_3, window_bounds = array<i64: 1, 256>}, {transform_indices = @transform_4, window_bounds = array<i64: 1000, 128>}, {transform_indices = @transform_5, window_bounds = array<i64: 1000, 128>}]} {
    %get3A = arith.constant 0 : index
    %get3A_0 = arith.constant 0 : index
    %get3A_1 = vector.load %arg1[%get3A, %get3A_0] : memref<1000x256xf32, #tpu.memory_space<vmem>>, vector<1000x256xf32>
    %get3A_2 = arith.constant 0 : index
    %get3A_3 = arith.constant 0 : index
    %get3A_4 = vector.load %arg2[%get3A_2, %get3A_3] : memref<256x256xf32, #tpu.memory_space<vmem>>, vector<256x256xf32>
    %dot_general3A = arith.constant dense<0.000000e+00> : vector<1000x256xf32>
    %dot_general3A_5 = tpu.matmul %get3A_1, %get3A_4, %dot_general3A {dimension_numbers = #tpu.dot_dimension_numbers<[1], [0], [0], [1], [0, 0, 1, 1], [], []>, transpose_lhs_hint = false} : vector<1000x256xf32>, vector<256x256xf32>, vector<1000x256xf32> -> vector<1000x256xf32>
    %get3A_6 = arith.constant 0 : index
    %get3A_7 = arith.constant 0 : index
    %get3A_8 = vector.load %arg3[%get3A_6, %get3A_7] : memref<256x256xf32, #tpu.memory_space<vmem>>, vector<256x256xf32>
    %dot_general3A_9 = arith.constant dense<0.000000e+00> : vector<1000x256xf32>
    %dot_general3A_10 = tpu.matmul %get3A_1, %get3A_8, %dot_general3A_9 {dimension_numbers = #tpu.dot_dimension_numbers<[1], [0], [0], [1], [0, 0, 1, 1], [], []>, transpose_lhs_hint = false} : vector<1000x256xf32>, vector<256x256xf32>, vector<1000x256xf32> -> vector<1000x256xf32>
    %get3A_11 = arith.constant 0 : index
    %get3A_12 = arith.constant 0 : index
    %get3A_13 = vector.load %arg4[%get3A_11, %get3A_12] : memref<1x256xf32, #tpu.memory_space<vmem>>, vector<1x256xf32>
    %add3A = vector.broadcast %get3A_13 : vector<1x256xf32> to vector<1000x256xf32>
    %add3A_14 = arith.addf %dot_general3A_5, %add3A : vector<1000x256xf32>
    %bitcast_convert_type3A = tpu.bitcast %add3A_14 : vector<1000x256xf32> -> vector<1000x256xi32>
    %add3A_15 = arith.constant 32768 : i32
    %add3A_16 = vector.broadcast %add3A_15 : i32 to vector<1000x256xi32>
    %add3A_17 = arith.addi %bitcast_convert_type3A, %add3A_16 : vector<1000x256xi32>
    %shift_right_logical3A = arith.constant 16 : i32
    %shift_right_logical3A_18 = vector.broadcast %shift_right_logical3A : i32 to vector<1000x256xi32>
    %shift_right_logical3A_19 = arith.shrui %add3A_17, %shift_right_logical3A_18 : vector<1000x256xi32>
    %slice3A = vector.extract_strided_slice %shift_right_logical3A_19 {offsets = [0, 0], sizes = [1000, 128], strides = [1, 1]} : vector<1000x256xi32> to vector<1000x128xi32>
    %slice3A_20 = vector.extract_strided_slice %shift_right_logical3A_19 {offsets = [0, 128], sizes = [1000, 128], strides = [1, 1]} : vector<1000x256xi32> to vector<1000x128xi32>
    %shift_left3A = arith.constant 16 : i32
    %shift_left3A_21 = vector.broadcast %shift_left3A : i32 to vector<1000x128xi32>
    %shift_left3A_22 = arith.shli %slice3A_20, %shift_left3A_21 : vector<1000x128xi32>
    %or3A = arith.ori %slice3A, %shift_left3A_22 : vector<1000x128xi32>
    %bitcast_convert_type3A_23 = tpu.bitcast %or3A : vector<1000x128xi32> -> vector<1000x128xi32>
    %swap3A = arith.constant 0 : index
    %swap3A_24 = arith.constant 0 : index
    %swap3A_25 = vector.load %arg5[%swap3A, %swap3A_24] : memref<1000x128xi32, #tpu.memory_space<vmem>>, vector<1000x128xi32>
    tpu.vector_store %arg5[%swap3A, %swap3A_24], %bitcast_convert_type3A_23 {strides = array<i32>} : memref<1000x128xi32, #tpu.memory_space<vmem>>, vector<1000x128xi32>,
    %bitcast_convert_type3A_26 = tpu.bitcast %dot_general3A_10 : vector<1000x256xf32> -> vector<1000x256xi32>
    %add3A_27 = arith.constant 32768 : i32
    %add3A_28 = vector.broadcast %add3A_27 : i32 to vector<1000x256xi32>
    %add3A_29 = arith.addi %bitcast_convert_type3A_26, %add3A_28 : vector<1000x256xi32>
    %shift_right_logical3A_30 = arith.constant 16 : i32
    %shift_right_logical3A_31 = vector.broadcast %shift_right_logical3A_30 : i32 to vector<1000x256xi32>
    %shift_right_logical3A_32 = arith.shrui %add3A_29, %shift_right_logical3A_31 : vector<1000x256xi32>
    %slice3A_33 = vector.extract_strided_slice %shift_right_logical3A_32 {offsets = [0, 0], sizes = [1000, 128], strides = [1, 1]} : vector<1000x256xi32> to vector<1000x128xi32>
    %slice3A_34 = vector.extract_strided_slice %shift_right_logical3A_32 {offsets = [0, 128], sizes = [1000, 128], strides = [1, 1]} : vector<1000x256xi32> to vector<1000x128xi32>
    %shift_left3A_35 = arith.constant 16 : i32
    %shift_left3A_36 = vector.broadcast %shift_left3A_35 : i32 to vector<1000x128xi32>
    %shift_left3A_37 = arith.shli %slice3A_34, %shift_left3A_36 : vector<1000x128xi32>
    %or3A_38 = arith.ori %slice3A_33, %shift_left3A_37 : vector<1000x128xi32>
    %bitcast_convert_type3A_39 = tpu.bitcast %or3A_38 : vector<1000x128xi32> -> vector<1000x128xi32>
    %swap3A_40 = arith.constant 0 : index
    %swap3A_41 = arith.constant 0 : index
    %swap3A_42 = vector.load %arg6[%swap3A_40, %swap3A_41] : memref<1000x128xi32, #tpu.memory_space<vmem>>, vector<1000x128xi32>
    tpu.vector_store %arg6[%swap3A_40, %swap3A_41], %bitcast_convert_type3A_39 {strides = array<i32>} : memref<1000x128xi32, #tpu.memory_space<vmem>>, vector<1000x128xi32>,
    return
  }
  func.func @transform_0(%arg0: i32) -> (i32, i32) {
    %c0_i32 = arith.constant 0 : i32
    %c0_i32_0 = arith.constant 0 : i32
    return %arg0, %c0_i32 : i32, i32
  }
  func.func @transform_1(%arg0: i32) -> (i32, i32) {
    %c0_i32 = arith.constant 0 : i32
    %c0_i32_0 = arith.constant 0 : i32
    %c0_i32_1 = arith.constant 0 : i32
    return %c0_i32, %c0_i32_0 : i32, i32
  }
  func.func @transform_2(%arg0: i32) -> (i32, i32) {
    %c0_i32 = arith.constant 0 : i32
    %c0_i32_0 = arith.constant 0 : i32
    %c0_i32_1 = arith.constant 0 : i32
    return %c0_i32, %c0_i32_0 : i32, i32
  }
  func.func @transform_3(%arg0: i32) -> (i32, i32) {
    %c0_i32 = arith.constant 0 : i32
    %c0_i32_0 = arith.constant 0 : i32
    %c0_i32_1 = arith.constant 0 : i32
    return %c0_i32, %c0_i32_0 : i32, i32
  }
  func.func @transform_4(%arg0: i32) -> (i32, i32) {
    %c0_i32 = arith.constant 0 : i32
    %c0_i32_0 = arith.constant 0 : i32
    return %arg0, %c0_i32 : i32, i32
  }
  func.func @transform_5(%arg0: i32) -> (i32, i32) {
    %c0_i32 = arith.constant 0 : i32
    %c0_i32_0 = arith.constant 0 : i32
    return %arg0, %c0_i32 : i32, i32
  }
}

module attributes {stable_mosaic.version = 14 : i64} {
  func.func @_decode_body(%arg0: i32, %arg1: memref<2048x128xi32, #tpu.memory_space<vmem>>, %arg2: memref<2048x128xi32, #tpu.memory_space<vmem>>, %arg3: memref<256x128xbf16, #tpu.memory_space<vmem>>, %arg4: memref<1x1xf32, #tpu.memory_space<vmem>>, %arg5: memref<2048xf32, #tpu.memory_space<vmem>>) attributes {dimension_semantics = [#tpu.dimension_semantics<arbitrary>], iteration_bounds = array<i64: 20>, scalar_prefetch = 0 : i64, scratch_operands = 0 : i64, tpu.core_type = #tpu.core_type<tc>, window_params = [{transform_indices = @transform_0, window_bounds = array<i64: 2048, 128>}, {transform_indices = @transform_1, window_bounds = array<i64: 2048, 128>}, {pipeline_mode = #tpu.pipeline_mode<synchronous>, transform_indices = @transform_2, window_bounds = array<i64: 256, 128>}, {pipeline_mode = #tpu.pipeline_mode<synchronous>, transform_indices = @transform_3, window_bounds = array<i64: 1, 1>}, {transform_indices = @transform_4, window_bounds = array<i64: 2048>}]} {
    %get3A = arith.constant 0 : index
    %get3A_0 = arith.constant 0 : index
    %get3A_1 = vector.load %arg1[%get3A, %get3A_0] : memref<2048x128xi32, #tpu.memory_space<vmem>>, vector<2048x128xi32>
    %shift_left3A = arith.constant 16 : i32
    %shift_left3A_2 = vector.broadcast %shift_left3A : i32 to vector<2048x128xi32>
    %shift_left3A_3 = arith.shli %get3A_1, %shift_left3A_2 : vector<2048x128xi32>
    %bitcast_convert_type3A = tpu.bitcast %shift_left3A_3 : vector<2048x128xi32> -> vector<2048x128xf32>
    %and3A = arith.constant -65536 : i32
    %and3A_4 = vector.broadcast %and3A : i32 to vector<2048x128xi32>
    %and3A_5 = arith.andi %get3A_1, %and3A_4 : vector<2048x128xi32>
    %bitcast_convert_type3A_6 = tpu.bitcast %and3A_5 : vector<2048x128xi32> -> vector<2048x128xf32>
    %get3A_7 = arith.constant 0 : index
    %get3A_8 = arith.constant 0 : index
    %get3A_9 = vector.load %arg2[%get3A_7, %get3A_8] : memref<2048x128xi32, #tpu.memory_space<vmem>>, vector<2048x128xi32>
    %shift_left3A_10 = arith.constant 16 : i32
    %shift_left3A_11 = vector.broadcast %shift_left3A_10 : i32 to vector<2048x128xi32>
    %shift_left3A_12 = arith.shli %get3A_9, %shift_left3A_11 : vector<2048x128xi32>
    %bitcast_convert_type3A_13 = tpu.bitcast %shift_left3A_12 : vector<2048x128xi32> -> vector<2048x128xf32>
    %and3A_14 = arith.constant -65536 : i32
    %and3A_15 = vector.broadcast %and3A_14 : i32 to vector<2048x128xi32>
    %and3A_16 = arith.andi %get3A_9, %and3A_15 : vector<2048x128xi32>
    %bitcast_convert_type3A_17 = tpu.bitcast %and3A_16 : vector<2048x128xi32> -> vector<2048x128xf32>
    %add3A = arith.addf %bitcast_convert_type3A, %bitcast_convert_type3A_13 : vector<2048x128xf32>
    %max3A = arith.constant 0.000000e+00 : f32
    %max3A_18 = vector.broadcast %max3A : f32 to vector<2048x128xf32>
    %max3A_19 = arith.maximumf %add3A, %max3A_18 : vector<2048x128xf32>
    %convert_element_type3A = arith.truncf %max3A_19 : vector<2048x128xf32> to vector<2048x128xbf16>
    %add3A_20 = arith.addf %bitcast_convert_type3A_6, %bitcast_convert_type3A_17 : vector<2048x128xf32>
    %max3A_21 = arith.constant 0.000000e+00 : f32
    %max3A_22 = vector.broadcast %max3A_21 : f32 to vector<2048x128xf32>
    %max3A_23 = arith.maximumf %add3A_20, %max3A_22 : vector<2048x128xf32>
    %convert_element_type3A_24 = arith.truncf %max3A_23 : vector<2048x128xf32> to vector<2048x128xbf16>
    %concatenate3A = tpu.concatenate %convert_element_type3A, %convert_element_type3A_24 in 1 : vector<2048x128xbf16>, vector<2048x128xbf16> -> vector<2048x256xbf16>
    %get3A_25 = arith.constant 0 : index
    %get3A_26 = arith.constant 0 : index
    %get3A_27 = vector.load %arg3[%get3A_25, %get3A_26] : memref<256x128xbf16, #tpu.memory_space<vmem>>, vector<256x128xbf16>
    %dot_general3A = arith.constant dense<0.000000e+00> : vector<2048x128xf32>
    %dot_general3A_28 = tpu.matmul %concatenate3A, %get3A_27, %dot_general3A {dimension_numbers = #tpu.dot_dimension_numbers<[1], [0], [0], [1], [0, 0, 1, 1], [], []>, transpose_lhs_hint = false} : vector<2048x256xbf16>, vector<256x128xbf16>, vector<2048x128xf32> -> vector<2048x128xf32>
    %slice3A = vector.extract_strided_slice %dot_general3A_28 {offsets = [0, 0], sizes = [2048, 1], strides = [1, 1]} : vector<2048x128xf32> to vector<2048x1xf32>
    %squeeze3A = vector.shape_cast %slice3A : vector<2048x1xf32> to vector<2048xf32>
    %get3A_29 = arith.constant 0 : index
    %get3A_30 = arith.constant 0 : index
    %get3A_31 = vector.load %arg4[%get3A_29, %get3A_30] : memref<1x1xf32, #tpu.memory_space<vmem>>, vector<1x1xf32>
    %get3A_32 = vector.extract %get3A_31[0, 0] : f32 from vector<1x1xf32>
    %add3A_33 = vector.broadcast %get3A_32 : f32 to vector<2048xf32>
    %add3A_34 = arith.addf %squeeze3A, %add3A_33 : vector<2048xf32>
    %neg3A = arith.constant 0.000000e+00 : f32
    %neg3A_35 = vector.broadcast %neg3A : f32 to vector<2048xf32>
    %neg3A_36 = arith.subf %neg3A_35, %add3A_34 : vector<2048xf32>
    %exp3A = math.exp %neg3A_36 : vector<2048xf32>
    %add3A_37 = arith.constant 1.000000e+00 : f32
    %add3A_38 = vector.broadcast %add3A_37 : f32 to vector<2048xf32>
    %add3A_39 = arith.addf %add3A_38, %exp3A : vector<2048xf32>
    %div3A = arith.constant 1.000000e+00 : f32
    %div3A_40 = vector.broadcast %div3A : f32 to vector<2048xf32>
    %div3A_41 = arith.divf %div3A_40, %add3A_39 : vector<2048xf32>
    %swap3A = arith.constant 0 : index
    %swap3A_42 = vector.load %arg5[%swap3A] : memref<2048xf32, #tpu.memory_space<vmem>>, vector<2048xf32>
    tpu.vector_store %arg5[%swap3A], %div3A_41 {strides = array<i32>} : memref<2048xf32, #tpu.memory_space<vmem>>, vector<2048xf32>,
    return
  }
  func.func @transform_0(%arg0: i32) -> (i32, i32) {
    %c0_i32 = arith.constant 0 : i32
    %c0_i32_0 = arith.constant 0 : i32
    return %arg0, %c0_i32 : i32, i32
  }
  func.func @transform_1(%arg0: i32) -> (i32, i32) {
    %c0_i32 = arith.constant 0 : i32
    %c0_i32_0 = arith.constant 0 : i32
    return %arg0, %c0_i32 : i32, i32
  }
  func.func @transform_2(%arg0: i32) -> (i32, i32) {
    %c0_i32 = arith.constant 0 : i32
    %c0_i32_0 = arith.constant 0 : i32
    %c0_i32_1 = arith.constant 0 : i32
    return %c0_i32, %c0_i32_0 : i32, i32
  }
  func.func @transform_3(%arg0: i32) -> (i32, i32) {
    %c0_i32 = arith.constant 0 : i32
    %c0_i32_0 = arith.constant 0 : i32
    %c0_i32_1 = arith.constant 0 : i32
    return %c0_i32, %c0_i32_0 : i32, i32
  }
  func.func @transform_4(%arg0: i32) -> i32 {
    %c0_i32 = arith.constant 0 : i32
    return %arg0 : i32
  }
}

</mosaic_0001>

<sc_bundles>
// kernel: kernel.11.cloned.1.call-start
scs
__scs_entry_jumppad:
0x0: {  	(pc) =	sbr.rel $0x88, $3  }
0x1: {  	(tag) =	ssettag $0x0;
	lr =	simm.s32 $0x1  }
0x2: {  	[smem:$0x3F9B] =	sst lr;
	_ =	strace $0xD0000000  }
0x3: {  	_ = 	snop  }
0x4: {  	_ = 	snop  }
0x5: {  	_ = 	snop  }
0x6: {  	_ = 	snop  }
0x7: {  	_ = 	snop  }
__scs_overlays_trampoline_lowered:
0x8: {  	[smem:$0x3FAA] =	sst s0  }
0x9: {  	[smem:$0x3FAB] =	sst s1  }
0xa: {  	[smem:$0x3FAC] =	sst s2  }
0xb: {  	[smem:$0x3FAD] =	sst s3  }
0xc: {  	[smem:$0x3FAE] =	sst s4  }
0xd: {  	[smem:$0x3FAF] =	sst s5  }
0xe: {  	[smem:$0x3FB0] =	sst s6  }
0xf: {  	[smem:$0x3FB1] =	sst s7  }
0x10: {  	[smem:$0x3FB2] =	sst s8  }
0x11: {  	[smem:$0x3FB3] =	sst s9;
	s0 =	simm.s32 @!p0 $0x0  }
0x12: {  	s1 =	sld [smem:$0x3F99];
	s0 =	simm.s32 @p0 $0x1  }
0x13: {  	[smem:$0x3FB4] =	sst s0;
	s0 =	simm.s32 @!p1 $0x0  }
0x14: {  	s2 =	sld [smem:$0x3F98];
	s0 =	simm.s32 @p1 $0x1  }
0x15: {  	[smem:$0x3FB5] =	sst s0;
	s0 =	simm.s32 @!p2 $0x0  }
0x16: {  	s3 =	sld [smem:$0x3FDB];
	s0 =	simm.s32 @p2 $0x1  }
0x17: {  	s4 =	simm.s32 $0x1BF5;
	[smem:$0x3FB7] =	sst s0  }
0x18: {  	s0 =	sld [smem:$0x3F9A];
	_ =	swait.ge [sflag:s4], $0x0  }
0x19: {  	s7 =	sld [smem:$0x3F9B]  }
0x1a: {  	s8 =	sadd.s32 $0xFFFFE003, lr  }
0x1b: {  	s9 =	sadd.s32 $0xFFFFFEF7, lr;
	s5 =	simm.s32 $0xFFFFFFFF;
	p2 =	slt.u32 s8, $0xFFFFF086  }
0x1c: {  	p1 =	slt.u32 s9, $0xF7A;
	s5 =	simm.s32 @!p2 $0x0  }
0x1d: {  	s5 =	simm.s32 @p1 $0x1;
	p0 =	seq.s32 s7, s2  }
0x1e: {  	s7 =	smul.u32 @!p0 $0xF7A, s2;
	p2 =	seq.s32 @!p0 s5, $0x0  }
0x1f: {  	s9 =	smul.u32 $0xF7A, s1;
	s8 =	simm.s32 @!p0 $0x1BF5;
	p2 =	por !p2, p0  }
0x20: {  	[sflag:s8] =	ssyncset.s32 @!p0 $0xFFFFF086;
	s6 =	sadd.s32 @!p0 s3, s7;
	s7 =	simm.s32 @!p0 $0x108  }
0x21: {  	s3 =	sadd.s32 s3, s9;
	s6 =	sadd.s32 @!p0 $0x88, s6;
	s7 =	simm.s32 @p2 $0x1082  }
0x22: {  	[simem:s7], [sflag:s8] =	dma.local @!p0 [hbm:s6], $0xF7A  }
0x23: {  	s9 =	sor.u32 $0xD0000000, s2;
	s6 =	simm.s32 $0x108;
	_ =	swait.ge @!p0 [sflag:s8], $0x0  }
0x24: {  	s3 =	sadd.s32 $0x88, s3;
	s6 =	simm.s32 @!p1 $0x1082;
	[sflag:s4] =	ssyncset.s32 $0xFFFFF086  }
0x25: {  	[simem:s6], [sflag:s4] =	dma.local [hbm:s3], $0xF7A  }
0x26: {  	[smem:$0x3F9B] =	sst s1;
	(tag) =	ssettag s2;
	_ =	strace s9  }
0x27: {  	s1 =	sld [smem:$0x3FAB]  }
0x28: {  	s2 =	sld [smem:$0x3FAC]  }
0x29: {  	s4 =	sld [smem:$0x3FAE]  }
0x2a: {  	p0 =	seq.s32 s5, $0x0;
	s5 =	sld [smem:$0x3FAF]  }
0x2b: {  	s6 =	sld [smem:$0x3FB0]  }
0x2c: {  	s7 =	sld [smem:$0x3FB1]  }
0x2d: {  	s3 =	simm.s32 $0x108;
	s8 =	sld [smem:$0x3FB2]  }
0x2e: {  	s3 =	simm.s32 @!p0 $0x1082;
	s9 =	sld [smem:$0x3FB3]  }
0x2f: {  	lr =	sadd.s32 s0, s3;
	s0 =	sld [smem:$0x3FAA]  }
0x30: {  	s3 =	sld [smem:$0x3FAD]  }
0x31: {  	[smem:$0x3FB6] =	sst s10  }
0x32: {  	s10 =	sld [smem:$0x3FB4];
	_ =	sdelay $0x3  }
0x33: {  	p0 =	seq.s32 s10, $0x1;
	s10 =	sld [smem:$0x3FB6];
	_ =	sdelay $0x3  }
0x34: {  	[smem:$0x3FB6] =	sst s10  }
0x35: {  	s10 =	sld [smem:$0x3FB5];
	_ =	sdelay $0x3  }
0x36: {  	p1 =	seq.s32 s10, $0x1;
	s10 =	sld [smem:$0x3FB6];
	_ =	sdelay $0x3  }
0x37: {  	[smem:$0x3FB6] =	sst s10  }
0x38: {  	s10 =	sld [smem:$0x3FB7]  }
0x39: {  	_ = 	snop;
	(pc) =	sbr.ind lr, $3  }
0x3a: {  	_ = 	snop  }
0x3b: {  	_ = 	snop  }
0x3c: {  	p2 =	seq.s32 s10, $0x1;
	s10 =	sld [smem:$0x3FB6]  }
0x3d: {  	_ =	shalt  }
0x3e: {  	_ =	shalt  }
0x3f: {  	_ =	shalt  }
0x40: {  	_ =	shalt  }
0x41: {  	_ =	shalt  }
0x42: {  	_ =	shalt  }
0x43: {  	_ =	shalt  }
0x44: {  	_ =	shalt  }
0x45: {  	_ =	shalt  }
0x46: {  	_ =	shalt  }
0x47: {  	_ =	shalt  }
0x48: {  	_ =	shalt  }
0x49: {  	_ =	shalt  }
0x4a: {  	_ =	shalt  }
0x4b: {  	_ =	shalt  }
0x4c: {  	_ =	shalt  }
0x4d: {  	_ =	shalt  }
0x4e: {  	_ =	shalt  }
0x4f: {  	_ =	shalt  }
0x50: {  	_ =	shalt  }
0x51: {  	_ =	shalt  }
0x52: {  	_ =	shalt  }
0x53: {  	_ =	shalt  }
0x54: {  	_ =	shalt  }
0x55: {  	_ =	shalt  }
0x56: {  	_ =	shalt  }
0x57: {  	_ =	shalt  }
0x58: {  	_ =	shalt  }
0x59: {  	_ =	shalt  }
0x5a: {  	_ =	shalt  }
0x5b: {  	_ =	shalt  }
0x5c: {  	_ =	shalt  }
0x5d: {  	_ =	shalt  }
0x5e: {  	_ =	shalt  }
0x5f: {  	_ =	shalt  }
0x60: {  	_ =	shalt  }
0x61: {  	_ =	shalt  }
0x62: {  	_ =	shalt  }
0x63: {  	_ =	shalt  }
0x64: {  	_ =	shalt  }
0x65: {  	_ =	shalt  }
0x66: {  	_ =	shalt  }
0x67: {  	_ =	shalt  }
0x68: {  	_ =	shalt  }
0x69: {  	_ =	shalt  }
0x6a: {  	_ =	shalt  }
0x6b: {  	_ =	shalt  }
0x6c: {  	_ =	shalt  }
0x6d: {  	_ =	shalt  }
0x6e: {  	_ =	shalt  }
0x6f: {  	_ =	shalt  }
0x70: {  	_ =	shalt  }
0x71: {  	_ =	shalt  }
0x72: {  	_ =	shalt  }
0x73: {  	_ =	shalt  }
0x74: {  	_ =	shalt  }
0x75: {  	_ =	shalt  }
0x76: {  	_ =	shalt  }
0x77: {  	_ =	shalt  }
0x78: {  	_ =	shalt  }
0x79: {  	_ =	shalt  }
0x7a: {  	_ =	shalt  }
0x7b: {  	_ =	shalt  }
0x7c: {  	_ =	shalt  }
0x7d: {  	_ =	shalt  }
0x7e: {  	_ =	shalt  }
0x7f: {  	_ =	shalt  }
0x80: {  	_ =	shalt  }
0x81: {  	_ =	shalt  }
0x82: {  	_ =	shalt  }
0x83: {  	_ =	shalt  }
0x84: {  	_ =	shalt  }
0x85: {  	_ =	shalt  }
0x86: {  	_ =	shalt  }
0x87: {  	_ =	shalt  }
.Lfunc_end0:
.L_simem_size_0:
called_computation_lowered:
.L_overlay_start_0:
0x88: {  	s2 =	sld [smem:$0x3FD9]  }
0x89: {  	s3 =	sld [smem:$0x3FFE];
	_ =	sdelay $0x1  }
0x8a: {  	s1 =	srdreg.scid  }
0x8b: {  	s0 =	sand.u32 $0x1, s1  }
0x8c: {  	s17 =	sshll.u32 s0, $0xA;
	s2 =	sadd.s32 s3, s2  }
0x8d: {  	s2 =	sadd.s32 s2, s17  }
0x8e: {  	[smem:$0x3FC2] =	sst s2  }
0x8f: {  	_ = 	snop  }
0x90: {  	s2 =	sld [smem:$0x3FD0];
	(tm) =	ssettm $0x1  }
0x91: {  	s18 =	sld [smem:$0x3FFB];
	_ =	sdelay $0x3  }
0x92: {  	_ =	strace s18  }
0x93: {  	s3 =	sld [smem:$0x3FFC];
	_ =	sdelay $0x3  }
0x94: {  	_ =	strace s3  }
0x95: {  	s3 =	sld [smem:$0x3FFD];
	_ =	sdelay $0x3  }
0x96: {  	_ =	strace s3  }
0x97: {  	_ =	strace $0x8FFFFFFF  }
0x98: {  	s19 =	sld [smem:$0x3FDB];
	_ =	sdelay $0x1  }
0x99: {  	s4 =	simm.s32 $_scs_section_size  }
0x9a: {  	s5 =	simm.s32 $_size__tile_overlayer_lowered;
	s6 =	simm.s32 $_tile_overlayer_lowered  }
0x9b: {  	s22 =	simm.s32 $0x1BFF;
	s21 =	sshll.u32 s6, $0x1;
	s3 =	sadd.s32 s4, s19  }
0x9c: {  	s7 =	simm.s32 $0x0;
	s20 =	sshll.u32 s5, $0x1;
	s5 =	sadd.s32 s21, s3  }
0x9d: {  	[timem:s7], [sflag:s22] =	dma.local [hbm:s5], s20  }
0x9e: {  	_ =	swait.ge [sflag:s22], s20  }
0x9f: {  	s4 =	ssub.s32 $0x0, s20;
	[sflag:s22] =	ssyncset.done $0x0  }
0xa0: {  	[sflag:s22] =	ssyncadd.s32 s4;
	_ =	sdelay $0x1  }
0xa1: {  	s23 =	simm.s32 $0x1B8B  }
0xa2: {  	_ =	swait.ge [sflag:s23], $0x1  }
0xa3: {  	[sflag:s23] =	ssyncset.done $0x0  }
0xa4: {  	s25 =	simm.s32 $0x1B8E;
	s24 =	sld [smem:$0x3FFE];
	[sflag:s23] =	ssyncadd.s32 $0xFFFFFFFF  }
0xa5: {  	s26 =	simm.s32 $execute0_lowered;
	[smem:$0x3FD2] =	sst s25  }
0xa6: {  	s5 =	sshll.u32 s26, $0x1;
	_ =	strace $0x80000046;
	[dreg:$0x1] =	wrdreg $0xFFFFFFFF  }
0xa7: {  	s28 =	simm.s32 $_size_execute0_lowered;
	s3 =	sadd.s32 s3, s5;
	[dreg:$0x0] =	wrdreg $0x0  }
0xa8: {  	s5 =	sshll.u32 s28, $0x1;
	[dreg:$0x2] =	wrdreg s3  }
0xa9: {  	[dreg:$0x3] =	wrdreg s5  }
0xaa: {  	[dreg:$0x4] =	wrdreg $0xC0  }
0xab: {  	_ =	task [dreg:s7], $0x5FFFF  }
0xac: {  	[dreg:$0x1] =	wrdreg $0xFFFFFFFF  }
0xad: {  	[dreg:$0x0] =	wrdreg $0x60  }
0xae: {  	[dreg:$0x2] =	wrdreg s24  }
0xaf: {  	[dreg:$0x3] =	wrdreg s2  }
0xb0: {  	[dreg:$0x4] =	wrdreg $0x9  }
0xb1: {  	_ =	task.clear_ibuf [dreg:s7], $0x5FFFF;
	_ =	strace $0x90000046  }
0xb2: {  	s29 =	simm.s32 $0x9;
	_ =	strace $0x80000048  }
0xb3: {  	_ =	swait.ge [sflag:s29], $0x1  }
0xb4: {  	[sflag:s29] =	ssyncadd.s32 $0xFFFFFFFF  }
0xb5: {  	_ =	strace $0x90000048  }
0xb6: {  	_ =	sfence  }
0xb7: {  	s30 =	sld [smem:$0x0];
	_ =	sdelay $0x2  }
0xb8: {  	s31 =	sshll.u32 s1, $0xD;
	s1 =	sshrl.u32 s1, $0x2  }
0xb9: {  	s3 =	sand.u32 $0x4000, s31;
	s1 =	sadd.s32 s1, s30  }
0xba: {  	s0 =	sor.u32 s3, s0;
	s1 =	sshll.u32 s1, $0x11  }
0xbb: {  	s0 =	sor.u32 s1, s0  }
0xbc: {  	s0 =	sadd.s32 $0x8F2B, s0  }
0xbd: {  	[sflag:s0] =	ssyncadd.remote.s32 $0x1  }
0xbe: {  	_ =	sfence.sel $0xFFFF  }
0xbf: {  	[dreg:$0x0] =	wrdreg $0xFFFFFFFF;
	(pc) =	sbr.abs _section_cstart, $3  }
0xc0: {  	[dreg:$0x1] =	wrdreg $0xFFFFFFFF  }
0xc1: {  	_ =	task.clear_ibuf [dreg:s7], $0x2FFFF;
	_ =	strace $0x9FFFFFFF  }
0xc2: {  	(tm) =	ssettm $0x7FFFFFFF  }
0xc3: {  	_ =	shalt  }
tec
execute0_lowered:
.L_overlay_start_1:
0x0: {  	(tag) =	ssettag $0x1  }
0x1: {  	s0 =	srdreg.scid  }
0x2: {  	s16 =	stileid.u32;
	s5 =	rddreg [dreg:$0x0]  }
0x3: {  	s6 =	rddreg [dreg:$0x1];
	s2 =	simm.s32 $0x0;
	s17 =	simm.s32 $0x1  }
0x4: {  	s18 =	simm.s32 $0x80;
	s19 =	simm.s32 $0xA00;
	s20 =	simm.s32 $0x4A00  }
0x5: {  	s21 =	simm.s32 $0x8A00;
	s23 =	simm.s32 $0xCA00;
	s24 =	simm.s32 $0x2  }
0x6: {  	s28 =	simm.s32 $0x5;
	s29 =	simm.s32 $0x0;
	s12 =	smul.u32 $0x50000, s16  }
0x7: {  	s0 =	sand.u32 $0x1, s0;
	s1 =	sshll.u32 s16, $0x1;
	s30 =	smul.u32 $0xA000, s16  }
0x8: {  	[smem:$0x7FF] =	sst s2;
	s4 =	sadd.s32 $0x32800, s5;
	s15 =	smul.u32 $0x28000, s0  }
0x9: {  	s1 =	sor.u32 s0, s1;
	s9 =	ssub.s32 $0x2, s0;
	s0 =	smul.u32 $0x5000, s0  }
0xa: {  	s13 =	sadd.s32 $0x59A00, s5;
	s14 =	sadd.s32 $0xF9A00, s5;
	s3 =	smul.u32 $0x500, s1  }
0xb: {  	_ =	strace $0x80000047;
	s10 =	sshrl.u32 s9, $0x1;
	s1 =	smul.u32 $0x28000, s1  }
0xc: {  	s16 =	sadd.s32 s30, s13;
	s11 =	ssub.s32 s9, s10;
	s26 =	sadd.s32 s15, s12  }
0xd: {  	s31 =	sadd.s32 s0, s16;
	s16 =	simm.s32 $0x500;
	s7 =	sshrl.u32 s3, $0x3  }
0xe: {  	s3 =	sadd.s32 $0xB600, s5;
	s1 =	sshrl.u32 s1, $0x3;
	s11 =	smax.u32 s11, $0x1  }
0xf: {  	s8 =	sadd.s32 s7, s5;
	s6 =	sadd.s32 s6, s7;
	s25 =	sadd.s32 $0x4000, s1  }
0x10: {  	s1 =	sadd.s32 $0x4800, s1;
	s5 =	sadd.s32 $0x2A00, s8;
	s7 =	sadd.s32 s13, s25  }
0x11: {  	s9 =	sadd.s32 s13, s1;
	s10 =	sadd.s32 s14, s1;
	s1 =	sshrl.u32 s26, $0x3  }
0x12: {  	s8 =	sadd.s32 s14, s25;
	s12 =	sadd.s32 s1, s14;
	s14 =	sadd.s32 s30, s14  }
0x13: {  	s25 =	simm.s32 $0x4;
	s26 =	simm.s32 $0x3;
	s0 =	sadd.s32 s0, s14  }
0x14: {  	s13 =	sadd.s32 s1, s13;
	s14 =	sadd.s32 $0x800, s31;
	s15 =	sadd.s32 $0x800, s0  }
.LBB2_1:
0x15: {  	[tilespmem:s2], [sflag:$0x1] =	stream.linear.gather [hbm4b:s5+s2], $0x500, $0x38;
	[tilespmem:$0x10A00] =	vst v63  }
0x16: {  	_ = 	snop  }
0x17: {  	[tilespmem:s16], [sflag:$0x1] =	stream.linear.gather [hbm4b:s6+s2], $0x500, $0x38;
	[tilespmem:$0x10A00] =	vst v63  }
0x18: {  	_ =	swait.ge [sflag:s17], $0x500  }
0x19: {  	[sflag:s17] =	ssyncset.done $0x0  }
0x1a: {  	[sflag:s17] =	ssyncadd.s32 $0xFFFFFB00  }
0x1b: {  	_ =	swait.ge [sflag:s17], $0x500  }
0x1c: {  	[sflag:s17] =	ssyncset.done $0x0  }
0x1d: {  	[sflag:s17] =	ssyncadd.s32 $0xFFFFFB00  }
0x1e: {  	[tilespmem:s19], [sflag:$0x2] =	stream.indirect.gather [hbm4b:s3+s18], $0x80, s2, s18, $0xb8;
	[tilespmem:$0x10A00] =	vst v63  }
0x1f: {  	_ = 	snop  }
0x20: {  	[tilespmem:s20], [sflag:$0x2] =	stream.indirect.gather [hbm4b:s4+s18], $0x80, s16, s18, $0xb8;
	[tilespmem:$0x10A00] =	vst v63  }
0x21: {  	_ = 	snop  }
0x22: {  	[tilespmem:s21], [sflag:$0x3] =	stream.indirect.gather [hbm4b:s3+s18], $0x80, s18, s18, $0xb8;
	[tilespmem:$0x10A00] =	vst v63  }
0x23: {  	s0 =	simm.s32 $0x580  }
0x24: {  	[tilespmem:s23], [sflag:$0x3] =	stream.indirect.gather [hbm4b:s4+s18], $0x80, s0, s18, $0xb8;
	[tilespmem:$0x10A00] =	vst v63  }
0x25: {  	_ =	swait.ge [sflag:s24], $0x4000  }
0x26: {  	[sflag:s24] =	ssyncset.done $0x0  }
0x27: {  	[sflag:s24] =	ssyncadd.s32 $0xFFFFC000  }
0x28: {  	_ =	swait.ge [sflag:s24], $0x4000  }
0x29: {  	[sflag:s24] =	ssyncset.done $0x0  }
0x2a: {  	s22 =	sadd.s32 $0x0, s13;
	[sflag:s24] =	ssyncadd.s32 $0xFFFFC000  }
0x2b: {  	[hbm4b:s22+s2] =	stream.linear.scatter [tilespmem:s19], [sflag:$0x4], $0x4000, $0x38;
	[tilespmem:$0x10A00] =	vst v63  }
0x2c: {  	s1 =	sadd.s32 $0x0, s12  }
0x2d: {  	[hbm4b:s1+s2] =	stream.linear.scatter [tilespmem:s20], [sflag:$0x4], $0x4000, $0x38;
	[tilespmem:$0x10A00] =	vst v63  }
0x2e: {  	_ =	swait.ge [sflag:s25], $0x4000  }
0x2f: {  	[sflag:s25] =	ssyncset.done $0x0  }
0x30: {  	[sflag:s25] =	ssyncadd.s32 $0xFFFFC000  }
0x31: {  	_ =	swait.ge [sflag:s25], $0x4000  }
0x32: {  	[sflag:s25] =	ssyncset.done $0x0  }
0x33: {  	s22 =	simm.s32 $0x100;
	[sflag:s25] =	ssyncadd.s32 $0xFFFFC000  }
0x34: {  	[tilespmem:s19], [sflag:$0x2] =	stream.indirect.gather [hbm4b:s3+s18], $0x80, s22, s18, $0xb8;
	[tilespmem:$0x10A00] =	vst v63  }
0x35: {  	s1 =	simm.s32 $0x600  }
0x36: {  	[tilespmem:s20], [sflag:$0x2] =	stream.indirect.gather [hbm4b:s4+s18], $0x80, s1, s18, $0xb8;
	[tilespmem:$0x10A00] =	vst v63  }
0x37: {  	_ =	swait.ge [sflag:s26], $0x4000  }
0x38: {  	[sflag:s26] =	ssyncset.done $0x0  }
0x39: {  	[sflag:s26] =	ssyncadd.s32 $0xFFFFC000  }
0x3a: {  	_ =	swait.ge [sflag:s26], $0x4000  }
0x3b: {  	[sflag:s26] =	ssyncset.done $0x0  }
0x3c: {  	s22 =	sadd.s32 $0x0, s14;
	[sflag:s26] =	ssyncadd.s32 $0xFFFFC000  }
0x3d: {  	[hbm4b:s22+s2] =	stream.linear.scatter [tilespmem:s21], [sflag:$0x5], $0x4000, $0x38;
	[tilespmem:$0x10A00] =	vst v63  }
0x3e: {  	s1 =	sadd.s32 $0x0, s15  }
0x3f: {  	[hbm4b:s1+s2] =	stream.linear.scatter [tilespmem:s23], [sflag:$0x5], $0x4000, $0x38;
	[tilespmem:$0x10A00] =	vst v63  }
0x40: {  	_ =	swait.ge [sflag:s28], $0x4000  }
0x41: {  	[sflag:s28] =	ssyncset.done $0x0  }
0x42: {  	[sflag:s28] =	ssyncadd.s32 $0xFFFFC000  }
0x43: {  	s30 =	simm.s32 $0x1000;
	_ =	swait.ge [sflag:s28], $0x4000  }
0x44: {  	s31 =	simm.s32 $0x200;
	s0 =	simm.s32 $0x680;
	[sflag:s28] =	ssyncset.done $0x0  }
0x45: {  	s22 =	simm.s32 $0x180;
	s1 =	simm.s32 $0x700;
	[sflag:s28] =	ssyncadd.s32 $0xFFFFC000  }
0x46: {  	[tilespmem:s21], [sflag:$0x3] =	stream.indirect.gather [hbm4b:s3+s18], $0x80, s22, s18, $0xb8;
	[tilespmem:$0x10A00] =	vst v63  }
.LBB2_2:
0x47: {  	[tilespmem:s23], [sflag:$0x3] =	stream.indirect.gather [hbm4b:s4+s18], $0x80, s0, s18, $0xb8;
	[tilespmem:$0x10A00] =	vst v63  }
0x48: {  	s0 =	smov.u32 s30  }
0x49: {  	p0 =	sne.s32 s30, $0x3000;
	s30 =	sadd.s32 $0x1000, s30;
	_ =	swait.ge [sflag:s24], $0x4000  }
0x4a: {  	[sflag:s24] =	ssyncset.done $0x0  }
0x4b: {  	[sflag:s24] =	ssyncadd.s32 $0xFFFFC000  }
0x4c: {  	_ =	swait.ge [sflag:s24], $0x4000  }
0x4d: {  	[sflag:s24] =	ssyncset.done $0x0  }
0x4e: {  	s22 =	sadd.s32 s0, s13;
	[sflag:s24] =	ssyncadd.s32 $0xFFFFC000  }
0x4f: {  	[hbm4b:s22+s2] =	stream.linear.scatter [tilespmem:s19], [sflag:$0x4], $0x4000, $0x38;
	[tilespmem:$0x10A00] =	vst v63  }
0x50: {  	s22 =	sadd.s32 s0, s12  }
0x51: {  	[hbm4b:s22+s2] =	stream.linear.scatter [tilespmem:s20], [sflag:$0x4], $0x4000, $0x38;
	[tilespmem:$0x10A00] =	vst v63  }
0x52: {  	_ =	swait.ge [sflag:s25], $0x4000  }
0x53: {  	[sflag:s25] =	ssyncset.done $0x0  }
0x54: {  	[sflag:s25] =	ssyncadd.s32 $0xFFFFC000  }
0x55: {  	_ =	swait.ge [sflag:s25], $0x4000  }
0x56: {  	[sflag:s25] =	ssyncset.done $0x0  }
0x57: {  	[sflag:s25] =	ssyncadd.s32 $0xFFFFC000  }
0x58: {  	[tilespmem:s19], [sflag:$0x2] =	stream.indirect.gather [hbm4b:s3+s18], $0x80, s31, s18, $0xb8;
	[tilespmem:$0x10A00] =	vst v63  }
0x59: {  	_ = 	snop  }
0x5a: {  	[tilespmem:s20], [sflag:$0x2] =	stream.indirect.gather [hbm4b:s4+s18], $0x80, s1, s18, $0xb8;
	[tilespmem:$0x10A00] =	vst v63  }
0x5b: {  	_ =	swait.ge [sflag:s26], $0x4000  }
0x5c: {  	[sflag:s26] =	ssyncset.done $0x0  }
0x5d: {  	[sflag:s26] =	ssyncadd.s32 $0xFFFFC000  }
0x5e: {  	_ =	swait.ge [sflag:s26], $0x4000  }
0x5f: {  	[sflag:s26] =	ssyncset.done $0x0  }
0x60: {  	s22 =	sadd.s32 s0, s14;
	[sflag:s26] =	ssyncadd.s32 $0xFFFFC000  }
0x61: {  	[hbm4b:s22+s2] =	stream.linear.scatter [tilespmem:s21], [sflag:$0x5], $0x4000, $0x38;
	[tilespmem:$0x10A00] =	vst v63  }
0x62: {  	s0 =	sadd.s32 s0, s15  }
0x63: {  	[hbm4b:s0+s2] =	stream.linear.scatter [tilespmem:s23], [sflag:$0x5], $0x4000, $0x38;
	[tilespmem:$0x10A00] =	vst v63  }
0x64: {  	_ =	swait.ge [sflag:s28], $0x4000  }
0x65: {  	[sflag:s28] =	ssyncset.done $0x0  }
0x66: {  	[sflag:s28] =	ssyncadd.s32 $0xFFFFC000  }
.Ltmp0:
0x67: {  	_ =	swait.ge [sflag:s28], $0x4000;
	(pc) =	sbr.rel @p0 .LBB2_2-.Ltmp0, $4  }
0x68: {  	[sflag:s28] =	ssyncset.done $0x0  }
0x69: {  	s0 =	sadd.s32 $0x80, s31;
	[sflag:s28] =	ssyncadd.s32 $0xFFFFC000  }
0x6a: {  	[tilespmem:s21], [sflag:$0x3] =	stream.indirect.gather [hbm4b:s3+s18], $0x80, s0, s18, $0xb8;
	[tilespmem:$0x10A00] =	vst v63  }
0x6b: {  	s31 =	sadd.s32 $0x100, s31;
	s0 =	sadd.s32 $0x80, s1;
	s1 =	sadd.s32 $0x100, s1  }
0x6c: {  	[tilespmem:s23], [sflag:$0x3] =	stream.indirect.gather [hbm4b:s4+s18], $0x80, s0, s18, $0xb8;
	[tilespmem:$0x10A00] =	vst v63  }
0x6d: {  	_ =	swait.ge [sflag:s24], $0x4000  }
0x6e: {  	[sflag:s24] =	ssyncset.done $0x0  }
0x6f: {  	[sflag:s24] =	ssyncadd.s32 $0xFFFFC000  }
0x70: {  	_ =	swait.ge [sflag:s24], $0x4000  }
0x71: {  	[sflag:s24] =	ssyncset.done $0x0  }
0x72: {  	[sflag:s24] =	ssyncadd.s32 $0xFFFFC000  }
0x73: {  	[hbm4b:s7+s2] =	stream.linear.scatter [tilespmem:s19], [sflag:$0x4], $0x4000, $0x38;
	[tilespmem:$0x10A00] =	vst v63  }
0x74: {  	_ = 	snop  }
0x75: {  	[hbm4b:s8+s2] =	stream.linear.scatter [tilespmem:s20], [sflag:$0x4], $0x4000, $0x38;
	[tilespmem:$0x10A00] =	vst v63  }
0x76: {  	_ =	swait.ge [sflag:s25], $0x4000  }
0x77: {  	[sflag:s25] =	ssyncset.done $0x0  }
0x78: {  	[sflag:s25] =	ssyncadd.s32 $0xFFFFC000  }
0x79: {  	_ =	swait.ge [sflag:s25], $0x4000  }
0x7a: {  	[sflag:s25] =	ssyncset.done $0x0  }
0x7b: {  	[sflag:s25] =	ssyncadd.s32 $0xFFFFC000  }
0x7c: {  	_ =	swait.ge [sflag:s26], $0x4000  }
0x7d: {  	[sflag:s26] =	ssyncset.done $0x0  }
0x7e: {  	[sflag:s26] =	ssyncadd.s32 $0xFFFFC000  }
0x7f: {  	_ =	swait.ge [sflag:s26], $0x4000  }
0x80: {  	[sflag:s26] =	ssyncset.done $0x0  }
0x81: {  	[sflag:s26] =	ssyncadd.s32 $0xFFFFC000  }
0x82: {  	[hbm4b:s9+s2] =	stream.linear.scatter [tilespmem:s21], [sflag:$0x5], $0x4000, $0x38;
	[tilespmem:$0x10A00] =	vst v63  }
0x83: {  	s29 =	sadd.s32 $0x1, s29  }
0x84: {  	[hbm4b:s10+s2] =	stream.linear.scatter [tilespmem:s23], [sflag:$0x5], $0x4000, $0x38;
	[tilespmem:$0x10A00] =	vst v63  }
0x85: {  	p0 =	sne.s32 s29, s11;
	_ =	swait.ge [sflag:s28], $0x4000  }
.Ltmp1:
0x86: {  	[sflag:s28] =	ssyncset.done $0x0;
	(pc) =	sbr.rel @p0 .LBB2_1-.Ltmp1, $4  }
0x87: {  	[sflag:s28] =	ssyncadd.s32 $0xFFFFC000  }
0x88: {  	_ =	swait.ge [sflag:s28], $0x4000  }
0x89: {  	[sflag:s28] =	ssyncset.done $0x0  }
0x8a: {  	[sflag:s28] =	ssyncadd.s32 $0xFFFFC000  }
0x8b: {  	_ =	sfence.sel $0x180000  }
0x8c: {  	[bflag:$0x0] =	sbarrier.arrive $0xFFFF  }
0x8d: {  	_ =	strace $0x90000047  }
0x8e: {  	s0 =	stileid.u32;
	[bflag:$0x2] =	sbarrier.arrive $0xFFFF  }
0x8f: {  	p0 =	sne.s32 s0, $0x0;
	s0 =	rddreg [dreg:$0x2]  }
0x90: {  	s0 =	sadd.s32 @!p0 $0x100000, s0  }
0x91: {  	[sflag:s0] =	ssyncadd.tile.s32 @!p0 $0x1;
	_ =	shalt  }
.Lfunc_end2:
_tile_overlayer_lowered:
.L_overlay_start_2:
0x92: {  	(tag) =	ssettag $0x2  }
0x93: {  	s0 =	rddreg [dreg:$0x0];
	s2 =	stileid.u32  }
0x94: {  	s1 =	rddreg [dreg:$0x1];
	p0 =	sne.s32 s2, $0x0  }
0x95: {  	s3 =	rddreg [dreg:$0x2];
	[bflag:$0x3] =	sbarrier.arrive $0xFFFF;
	s2 =	simm.s32 @!p0 $0x1C06  }
0x96: {  	[timem:s3], [sflag:s2] =	dma.local @!p0 [hbm:s0], s1  }
0x97: {  	s0 =	simm.s32 @!p0 $0x6  }
0x98: {  	_ =	swait.ge @!p0 [sflag:s0], s1  }
0x99: {  	s1 =	ssub.s32 @!p0 $0x0, s1;
	[sflag:s0] =	ssyncset.done @!p0 $0x0  }
0x9a: {  	[sflag:s0] =	ssyncadd.s32 @!p0 s1  }
0x9b: {  	[bflag:$0x3] =	sbarrier.arrive $0xFFFF  }
0x9c: {  	_ =	shalt  }

// kernel: kernel.14.cloned.1.call-start
scs
__scs_entry_jumppad:
0x0: {  	(pc) =	sbr.rel $0x88, $3  }
0x1: {  	(tag) =	ssettag $0x0;
	lr =	simm.s32 $0x1  }
0x2: {  	[smem:$0x3F9B] =	sst lr;
	_ =	strace $0xD0000000  }
0x3: {  	_ = 	snop  }
0x4: {  	_ = 	snop  }
0x5: {  	_ = 	snop  }
0x6: {  	_ = 	snop  }
0x7: {  	_ = 	snop  }
__scs_overlays_trampoline_lowered:
0x8: {  	[smem:$0x3FAA] =	sst s0  }
0x9: {  	[smem:$0x3FAB] =	sst s1  }
0xa: {  	[smem:$0x3FAC] =	sst s2  }
0xb: {  	[smem:$0x3FAD] =	sst s3  }
0xc: {  	[smem:$0x3FAE] =	sst s4  }
0xd: {  	[smem:$0x3FAF] =	sst s5  }
0xe: {  	[smem:$0x3FB0] =	sst s6  }
0xf: {  	[smem:$0x3FB1] =	sst s7  }
0x10: {  	[smem:$0x3FB2] =	sst s8  }
0x11: {  	[smem:$0x3FB3] =	sst s9;
	s0 =	simm.s32 @!p0 $0x0  }
0x12: {  	s1 =	sld [smem:$0x3F99];
	s0 =	simm.s32 @p0 $0x1  }
0x13: {  	[smem:$0x3FB4] =	sst s0;
	s0 =	simm.s32 @!p1 $0x0  }
0x14: {  	s2 =	sld [smem:$0x3F98];
	s0 =	simm.s32 @p1 $0x1  }
0x15: {  	[smem:$0x3FB5] =	sst s0;
	s0 =	simm.s32 @!p2 $0x0  }
0x16: {  	s3 =	sld [smem:$0x3FDB];
	s0 =	simm.s32 @p2 $0x1  }
0x17: {  	s4 =	simm.s32 $0x1BF5;
	[smem:$0x3FB7] =	sst s0  }
0x18: {  	s0 =	sld [smem:$0x3F9A];
	_ =	swait.ge [sflag:s4], $0x0  }
0x19: {  	s7 =	sld [smem:$0x3F9B]  }
0x1a: {  	s8 =	sadd.s32 $0xFFFFE003, lr  }
0x1b: {  	s9 =	sadd.s32 $0xFFFFFEF7, lr;
	s5 =	simm.s32 $0xFFFFFFFF;
	p2 =	slt.u32 s8, $0xFFFFF086  }
0x1c: {  	p1 =	slt.u32 s9, $0xF7A;
	s5 =	simm.s32 @!p2 $0x0  }
0x1d: {  	s5 =	simm.s32 @p1 $0x1;
	p0 =	seq.s32 s7, s2  }
0x1e: {  	s7 =	smul.u32 @!p0 $0xF7A, s2;
	p2 =	seq.s32 @!p0 s5, $0x0  }
0x1f: {  	s9 =	smul.u32 $0xF7A, s1;
	s8 =	simm.s32 @!p0 $0x1BF5;
	p2 =	por !p2, p0  }
0x20: {  	[sflag:s8] =	ssyncset.s32 @!p0 $0xFFFFF086;
	s6 =	sadd.s32 @!p0 s3, s7;
	s7 =	simm.s32 @!p0 $0x108  }
0x21: {  	s3 =	sadd.s32 s3, s9;
	s6 =	sadd.s32 @!p0 $0x88, s6;
	s7 =	simm.s32 @p2 $0x1082  }
0x22: {  	[simem:s7], [sflag:s8] =	dma.local @!p0 [hbm:s6], $0xF7A  }
0x23: {  	s9 =	sor.u32 $0xD0000000, s2;
	s6 =	simm.s32 $0x108;
	_ =	swait.ge @!p0 [sflag:s8], $0x0  }
0x24: {  	s3 =	sadd.s32 $0x88, s3;
	s6 =	simm.s32 @!p1 $0x1082;
	[sflag:s4] =	ssyncset.s32 $0xFFFFF086  }
0x25: {  	[simem:s6], [sflag:s4] =	dma.local [hbm:s3], $0xF7A  }
0x26: {  	[smem:$0x3F9B] =	sst s1;
	(tag) =	ssettag s2;
	_ =	strace s9  }
0x27: {  	s1 =	sld [smem:$0x3FAB]  }
0x28: {  	s2 =	sld [smem:$0x3FAC]  }
0x29: {  	s4 =	sld [smem:$0x3FAE]  }
0x2a: {  	p0 =	seq.s32 s5, $0x0;
	s5 =	sld [smem:$0x3FAF]  }
0x2b: {  	s6 =	sld [smem:$0x3FB0]  }
0x2c: {  	s7 =	sld [smem:$0x3FB1]  }
0x2d: {  	s3 =	simm.s32 $0x108;
	s8 =	sld [smem:$0x3FB2]  }
0x2e: {  	s3 =	simm.s32 @!p0 $0x1082;
	s9 =	sld [smem:$0x3FB3]  }
0x2f: {  	lr =	sadd.s32 s0, s3;
	s0 =	sld [smem:$0x3FAA]  }
0x30: {  	s3 =	sld [smem:$0x3FAD]  }
0x31: {  	[smem:$0x3FB6] =	sst s10  }
0x32: {  	s10 =	sld [smem:$0x3FB4];
	_ =	sdelay $0x3  }
0x33: {  	p0 =	seq.s32 s10, $0x1;
	s10 =	sld [smem:$0x3FB6];
	_ =	sdelay $0x3  }
0x34: {  	[smem:$0x3FB6] =	sst s10  }
0x35: {  	s10 =	sld [smem:$0x3FB5];
	_ =	sdelay $0x3  }
0x36: {  	p1 =	seq.s32 s10, $0x1;
	s10 =	sld [smem:$0x3FB6];
	_ =	sdelay $0x3  }
0x37: {  	[smem:$0x3FB6] =	sst s10  }
0x38: {  	s10 =	sld [smem:$0x3FB7]  }
0x39: {  	_ = 	snop;
	(pc) =	sbr.ind lr, $3  }
0x3a: {  	_ = 	snop  }
0x3b: {  	_ = 	snop  }
0x3c: {  	p2 =	seq.s32 s10, $0x1;
	s10 =	sld [smem:$0x3FB6]  }
0x3d: {  	_ =	shalt  }
0x3e: {  	_ =	shalt  }
0x3f: {  	_ =	shalt  }
0x40: {  	_ =	shalt  }
0x41: {  	_ =	shalt  }
0x42: {  	_ =	shalt  }
0x43: {  	_ =	shalt  }
0x44: {  	_ =	shalt  }
0x45: {  	_ =	shalt  }
0x46: {  	_ =	shalt  }
0x47: {  	_ =	shalt  }
0x48: {  	_ =	shalt  }
0x49: {  	_ =	shalt  }
0x4a: {  	_ =	shalt  }
0x4b: {  	_ =	shalt  }
0x4c: {  	_ =	shalt  }
0x4d: {  	_ =	shalt  }
0x4e: {  	_ =	shalt  }
0x4f: {  	_ =	shalt  }
0x50: {  	_ =	shalt  }
0x51: {  	_ =	shalt  }
0x52: {  	_ =	shalt  }
0x53: {  	_ =	shalt  }
0x54: {  	_ =	shalt  }
0x55: {  	_ =	shalt  }
0x56: {  	_ =	shalt  }
0x57: {  	_ =	shalt  }
0x58: {  	_ =	shalt  }
0x59: {  	_ =	shalt  }
0x5a: {  	_ =	shalt  }
0x5b: {  	_ =	shalt  }
0x5c: {  	_ =	shalt  }
0x5d: {  	_ =	shalt  }
0x5e: {  	_ =	shalt  }
0x5f: {  	_ =	shalt  }
0x60: {  	_ =	shalt  }
0x61: {  	_ =	shalt  }
0x62: {  	_ =	shalt  }
0x63: {  	_ =	shalt  }
0x64: {  	_ =	shalt  }
0x65: {  	_ =	shalt  }
0x66: {  	_ =	shalt  }
0x67: {  	_ =	shalt  }
0x68: {  	_ =	shalt  }
0x69: {  	_ =	shalt  }
0x6a: {  	_ =	shalt  }
0x6b: {  	_ =	shalt  }
0x6c: {  	_ =	shalt  }
0x6d: {  	_ =	shalt  }
0x6e: {  	_ =	shalt  }
0x6f: {  	_ =	shalt  }
0x70: {  	_ =	shalt  }
0x71: {  	_ =	shalt  }
0x72: {  	_ =	shalt  }
0x73: {  	_ =	shalt  }
0x74: {  	_ =	shalt  }
0x75: {  	_ =	shalt  }
0x76: {  	_ =	shalt  }
0x77: {  	_ =	shalt  }
0x78: {  	_ =	shalt  }
0x79: {  	_ =	shalt  }
0x7a: {  	_ =	shalt  }
0x7b: {  	_ =	shalt  }
0x7c: {  	_ =	shalt  }
0x7d: {  	_ =	shalt  }
0x7e: {  	_ =	shalt  }
0x7f: {  	_ =	shalt  }
0x80: {  	_ =	shalt  }
0x81: {  	_ =	shalt  }
0x82: {  	_ =	shalt  }
0x83: {  	_ =	shalt  }
0x84: {  	_ =	shalt  }
0x85: {  	_ =	shalt  }
0x86: {  	_ =	shalt  }
0x87: {  	_ =	shalt  }
.Lfunc_end0:
.L_simem_size_0:
called_computation.1_lowered:
.L_overlay_start_0:
0x88: {  	s2 =	sld [smem:$0x3FD9]  }
0x89: {  	s3 =	sld [smem:$0x3FFE];
	_ =	sdelay $0x1  }
0x8a: {  	s1 =	srdreg.scid  }
0x8b: {  	s0 =	sand.u32 $0x1, s1  }
0x8c: {  	s17 =	sshll.u32 s0, $0xA;
	s2 =	sadd.s32 s3, s2  }
0x8d: {  	s2 =	sadd.s32 s2, s17  }
0x8e: {  	[smem:$0x3FC2] =	sst s2  }
0x8f: {  	_ = 	snop  }
0x90: {  	(tm) =	ssettm $0x1  }
0x91: {  	s18 =	sld [smem:$0x3FFB];
	_ =	sdelay $0x3  }
0x92: {  	_ =	strace s18  }
0x93: {  	s2 =	sld [smem:$0x3FFC];
	_ =	sdelay $0x3  }
0x94: {  	_ =	strace s2  }
0x95: {  	s2 =	sld [smem:$0x3FFD];
	_ =	sdelay $0x3  }
0x96: {  	_ =	strace s2  }
0x97: {  	_ =	strace $0x8FFFFFFF  }
0x98: {  	s19 =	sld [smem:$0x3FDB];
	_ =	sdelay $0x1  }
0x99: {  	s20 =	simm.s32 $_scs_section_size  }
0x9a: {  	s4 =	simm.s32 $_size__tile_overlayer_lowered;
	s5 =	simm.s32 $_tile_overlayer_lowered  }
0x9b: {  	s6 =	simm.s32 $0x1BFF;
	s21 =	sshll.u32 s5, $0x1;
	s3 =	sadd.s32 s20, s19  }
0x9c: {  	s22 =	simm.s32 $0x0;
	s4 =	sshll.u32 s4, $0x1;
	s5 =	sadd.s32 s21, s3  }
0x9d: {  	[timem:s22], [sflag:s6] =	dma.local [hbm:s5], s4  }
0x9e: {  	_ =	swait.ge [sflag:s6], s4  }
0x9f: {  	s4 =	ssub.s32 $0x0, s4;
	[sflag:s6] =	ssyncset.done $0x0  }
0xa0: {  	[sflag:s6] =	ssyncadd.s32 s4;
	_ =	sdelay $0x1  }
0xa1: {  	s23 =	simm.s32 $0x1B8B  }
0xa2: {  	_ =	swait.ge [sflag:s23], $0x1  }
0xa3: {  	[sflag:s23] =	ssyncset.done $0x0  }
0xa4: {  	[sflag:s23] =	ssyncadd.s32 $0xFFFFFFFF  }
0xa5: {  	s4 =	sld [smem:$0x0]  }
0xa6: {  	s5 =	sand.u32 $0xFFFFFFFE, s1  }
0xa7: {  	p0 =	sne.s32 s1, s5  }
0xa8: {  	s5 =	sshll.u32 @p0 s5, $0xE  }
0xa9: {  	s5 =	sadd.s32 @p0 $0x11B8D, s5;
	s6 =	sshll.u32 @p0 s4, $0x11  }
0xaa: {  	s5 =	sor.u32 @p0 s6, s5  }
0xab: {  	[sflag:s5] =	ssyncadd.remote.s32 @p0 $0x1;
	_ =	sdelay $0x1  }
0xac: {  	s5 =	simm.s32 @p0 $0x1B8D  }
0xad: {  	_ =	swait.eq @p0 [sflag:s5], $0x1  }
0xae: {  	[sflag:s5] =	ssyncadd.s32 @p0 $0xFFFFFFFF  }
0xaf: {  	s6 =	sshll.u32 @!p0 s1, $0xE  }
0xb0: {  	s6 =	sor.u32 @!p0 $0x4000, s6;
	s5 =	simm.s32 @!p0 $0x1B8D  }
0xb1: {  	s4 =	sshll.u32 @!p0 s4, $0x11;
	s6 =	sadd.s32 @!p0 $0x11B8D, s6;
	_ =	swait.eq @!p0 [sflag:s5], $0x1  }
0xb2: {  	s4 =	sor.u32 @!p0 s4, s6;
	[sflag:s5] =	ssyncadd.s32 @!p0 $0xFFFFFFFF  }
0xb3: {  	s25 =	simm.s32 $0x1B8E;
	s24 =	sld [smem:$0x3FFE];
	[sflag:s4] =	ssyncadd.remote.s32 @!p0 $0x1  }
0xb4: {  	s26 =	simm.s32 $execute0_lowered;
	[smem:$0x3FD2] =	sst s25  }
0xb5: {  	s5 =	sshll.u32 s26, $0x1;
	_ =	strace $0x80000049;
	[dreg:$0x1] =	wrdreg $0xFFFFFFFF  }
0xb6: {  	s28 =	simm.s32 $_size_execute0_lowered;
	s3 =	sadd.s32 s3, s5;
	[dreg:$0x0] =	wrdreg $0x0  }
0xb7: {  	s5 =	sshll.u32 s28, $0x1;
	[dreg:$0x2] =	wrdreg s3  }
0xb8: {  	[dreg:$0x3] =	wrdreg s5  }
0xb9: {  	[dreg:$0x4] =	wrdreg $0xC0  }
0xba: {  	_ =	task [dreg:s22], $0x5FFFF  }
0xbb: {  	[dreg:$0x1] =	wrdreg $0xFFFFFFFF  }
0xbc: {  	[dreg:$0x0] =	wrdreg $0x60  }
0xbd: {  	[dreg:$0x2] =	wrdreg s24  }
0xbe: {  	[dreg:$0x3] =	wrdreg $0xA  }
0xbf: {  	_ =	task.clear_ibuf [dreg:s22], $0x4FFFF;
	_ =	strace $0x90000049  }
0xc0: {  	s29 =	simm.s32 $0xA;
	_ =	strace $0x8000004B  }
0xc1: {  	_ =	swait.ge [sflag:s29], $0x1  }
0xc2: {  	[sflag:s29] =	ssyncadd.s32 $0xFFFFFFFF  }
0xc3: {  	_ =	strace $0x9000004B  }
0xc4: {  	_ =	sfence  }
0xc5: {  	s30 =	sld [smem:$0x0];
	_ =	sdelay $0x2  }
0xc6: {  	s31 =	sshll.u32 s1, $0xD;
	s1 =	sshrl.u32 s1, $0x2  }
0xc7: {  	s4 =	sand.u32 $0x4000, s31;
	s1 =	sadd.s32 s1, s30  }
0xc8: {  	s0 =	sor.u32 s4, s0;
	s1 =	sshll.u32 s1, $0x11  }
0xc9: {  	s0 =	sor.u32 s1, s0  }
0xca: {  	s0 =	sadd.s32 $0x8F2B, s0  }
0xcb: {  	[sflag:s0] =	ssyncadd.remote.s32 $0x1  }
0xcc: {  	_ =	sfence.sel $0xFFFF  }
0xcd: {  	[dreg:$0x0] =	wrdreg $0xFFFFFFFF;
	(pc) =	sbr.abs _section_cstart, $3  }
0xce: {  	[dreg:$0x1] =	wrdreg $0xFFFFFFFF  }
0xcf: {  	_ =	task.clear_ibuf [dreg:s22], $0x2FFFF;
	_ =	strace $0x9FFFFFFF  }
0xd0: {  	(tm) =	ssettm $0x7FFFFFFF  }
0xd1: {  	_ =	shalt  }
tec
execute0_lowered:
.L_overlay_start_1:
0x0: {  	(tag) =	ssettag $0x1  }
0x1: {  	s0 =	srdreg.scid;
	s16 =	stileid.u32  }
0x2: {  	s5 =	rddreg [dreg:$0x0];
	s2 =	simm.s32 $0x0;
	s17 =	simm.s32 $0x1  }
0x3: {  	s18 =	simm.s32 $0x80;
	s19 =	simm.s32 $0xA00;
	s20 =	simm.s32 $0x4A00  }
0x4: {  	s21 =	simm.s32 $0x8A00;
	s23 =	simm.s32 $0xCA00;
	s24 =	simm.s32 $0x2  }
0x5: {  	s28 =	simm.s32 $0x5;
	s29 =	simm.s32 $0x0;
	s12 =	smul.u32 $0x50000, s16  }
0x6: {  	s0 =	sand.u32 $0x1, s0;
	s1 =	sshll.u32 s16, $0x1;
	s30 =	smul.u32 $0xA000, s16  }
0x7: {  	[smem:$0x7FF] =	sst s2;
	s13 =	sadd.s32 $0x199A00, s5;
	s15 =	smul.u32 $0x28000, s0  }
0x8: {  	s1 =	sor.u32 s0, s1;
	s7 =	ssub.s32 $0x2, s0;
	s0 =	smul.u32 $0x5000, s0  }
0x9: {  	s4 =	sadd.s32 $0x32800, s5;
	s14 =	sadd.s32 $0x239A00, s5;
	s3 =	smul.u32 $0x500, s1  }
0xa: {  	_ =	strace $0x8000004A;
	s8 =	sshrl.u32 s7, $0x1;
	s1 =	smul.u32 $0x28000, s1  }
0xb: {  	s16 =	sadd.s32 s30, s13;
	s11 =	ssub.s32 s7, s8;
	s26 =	sadd.s32 s15, s12  }
0xc: {  	s31 =	sadd.s32 s0, s16;
	s16 =	simm.s32 $0x500;
	s3 =	sshrl.u32 s3, $0x3  }
0xd: {  	s1 =	sshrl.u32 s1, $0x3;
	s11 =	smax.u32 s11, $0x1;
	s6 =	sadd.s32 s3, s5  }
0xe: {  	s3 =	sadd.s32 $0xB600, s5;
	s25 =	sadd.s32 $0x4000, s1;
	s1 =	sadd.s32 $0x4800, s1  }
0xf: {  	s5 =	sadd.s32 $0x5200, s6;
	s6 =	sadd.s32 $0x3E00, s6;
	s7 =	sadd.s32 s13, s25  }
0x10: {  	s9 =	sadd.s32 s13, s1;
	s10 =	sadd.s32 s14, s1;
	s1 =	sshrl.u32 s26, $0x3  }
0x11: {  	s8 =	sadd.s32 s14, s25;
	s12 =	sadd.s32 s1, s14;
	s14 =	sadd.s32 s30, s14  }
0x12: {  	s25 =	simm.s32 $0x4;
	s26 =	simm.s32 $0x3;
	s0 =	sadd.s32 s0, s14  }
0x13: {  	s13 =	sadd.s32 s1, s13;
	s14 =	sadd.s32 $0x800, s31;
	s15 =	sadd.s32 $0x800, s0  }
.LBB2_1:
0x14: {  	[tilespmem:s2], [sflag:$0x1] =	stream.linear.gather [hbm4b:s5+s2], $0x500, $0x38;
	[tilespmem:$0x10A00] =	vst v63  }
0x15: {  	_ = 	snop  }
0x16: {  	[tilespmem:s16], [sflag:$0x1] =	stream.linear.gather [hbm4b:s6+s2], $0x500, $0x38;
	[tilespmem:$0x10A00] =	vst v63  }
0x17: {  	_ =	swait.ge [sflag:s17], $0x500  }
0x18: {  	[sflag:s17] =	ssyncset.done $0x0  }
0x19: {  	[sflag:s17] =	ssyncadd.s32 $0xFFFFFB00  }
0x1a: {  	_ =	swait.ge [sflag:s17], $0x500  }
0x1b: {  	[sflag:s17] =	ssyncset.done $0x0  }
0x1c: {  	[sflag:s17] =	ssyncadd.s32 $0xFFFFFB00  }
0x1d: {  	[tilespmem:s19], [sflag:$0x2] =	stream.indirect.gather [hbm4b:s3+s18], $0x80, s2, s18, $0xb8;
	[tilespmem:$0x10A00] =	vst v63  }
0x1e: {  	_ = 	snop  }
0x1f: {  	[tilespmem:s20], [sflag:$0x2] =	stream.indirect.gather [hbm4b:s4+s18], $0x80, s16, s18, $0xb8;
	[tilespmem:$0x10A00] =	vst v63  }
0x20: {  	_ = 	snop  }
0x21: {  	[tilespmem:s21], [sflag:$0x3] =	stream.indirect.gather [hbm4b:s3+s18], $0x80, s18, s18, $0xb8;
	[tilespmem:$0x10A00] =	vst v63  }
0x22: {  	s0 =	simm.s32 $0x580  }
0x23: {  	[tilespmem:s23], [sflag:$0x3] =	stream.indirect.gather [hbm4b:s4+s18], $0x80, s0, s18, $0xb8;
	[tilespmem:$0x10A00] =	vst v63  }
0x24: {  	_ =	swait.ge [sflag:s24], $0x4000  }
0x25: {  	[sflag:s24] =	ssyncset.done $0x0  }
0x26: {  	[sflag:s24] =	ssyncadd.s32 $0xFFFFC000  }
0x27: {  	_ =	swait.ge [sflag:s24], $0x4000  }
0x28: {  	[sflag:s24] =	ssyncset.done $0x0  }
0x29: {  	s22 =	sadd.s32 $0x0, s13;
	[sflag:s24] =	ssyncadd.s32 $0xFFFFC000  }
0x2a: {  	[hbm4b:s22+s2] =	stream.linear.scatter [tilespmem:s19], [sflag:$0x4], $0x4000, $0x38;
	[tilespmem:$0x10A00] =	vst v63  }
0x2b: {  	s1 =	sadd.s32 $0x0, s12  }
0x2c: {  	[hbm4b:s1+s2] =	stream.linear.scatter [tilespmem:s20], [sflag:$0x4], $0x4000, $0x38;
	[tilespmem:$0x10A00] =	vst v63  }
0x2d: {  	_ =	swait.ge [sflag:s25], $0x4000  }
0x2e: {  	[sflag:s25] =	ssyncset.done $0x0  }
0x2f: {  	[sflag:s25] =	ssyncadd.s32 $0xFFFFC000  }
0x30: {  	_ =	swait.ge [sflag:s25], $0x4000  }
0x31: {  	[sflag:s25] =	ssyncset.done $0x0  }
0x32: {  	s22 =	simm.s32 $0x100;
	[sflag:s25] =	ssyncadd.s32 $0xFFFFC000  }
0x33: {  	[tilespmem:s19], [sflag:$0x2] =	stream.indirect.gather [hbm4b:s3+s18], $0x80, s22, s18, $0xb8;
	[tilespmem:$0x10A00] =	vst v63  }
0x34: {  	s1 =	simm.s32 $0x600  }
0x35: {  	[tilespmem:s20], [sflag:$0x2] =	stream.indirect.gather [hbm4b:s4+s18], $0x80, s1, s18, $0xb8;
	[tilespmem:$0x10A00] =	vst v63  }
0x36: {  	_ =	swait.ge [sflag:s26], $0x4000  }
0x37: {  	[sflag:s26] =	ssyncset.done $0x0  }
0x38: {  	[sflag:s26] =	ssyncadd.s32 $0xFFFFC000  }
0x39: {  	_ =	swait.ge [sflag:s26], $0x4000  }
0x3a: {  	[sflag:s26] =	ssyncset.done $0x0  }
0x3b: {  	s22 =	sadd.s32 $0x0, s14;
	[sflag:s26] =	ssyncadd.s32 $0xFFFFC000  }
0x3c: {  	[hbm4b:s22+s2] =	stream.linear.scatter [tilespmem:s21], [sflag:$0x5], $0x4000, $0x38;
	[tilespmem:$0x10A00] =	vst v63  }
0x3d: {  	s1 =	sadd.s32 $0x0, s15  }
0x3e: {  	[hbm4b:s1+s2] =	stream.linear.scatter [tilespmem:s23], [sflag:$0x5], $0x4000, $0x38;
	[tilespmem:$0x10A00] =	vst v63  }
0x3f: {  	_ =	swait.ge [sflag:s28], $0x4000  }
0x40: {  	[sflag:s28] =	ssyncset.done $0x0  }
0x41: {  	[sflag:s28] =	ssyncadd.s32 $0xFFFFC000  }
0x42: {  	s30 =	simm.s32 $0x1000;
	_ =	swait.ge [sflag:s28], $0x4000  }
0x43: {  	s31 =	simm.s32 $0x200;
	s0 =	simm.s32 $0x680;
	[sflag:s28] =	ssyncset.done $0x0  }
0x44: {  	s22 =	simm.s32 $0x180;
	s1 =	simm.s32 $0x700;
	[sflag:s28] =	ssyncadd.s32 $0xFFFFC000  }
0x45: {  	[tilespmem:s21], [sflag:$0x3] =	stream.indirect.gather [hbm4b:s3+s18], $0x80, s22, s18, $0xb8;
	[tilespmem:$0x10A00] =	vst v63  }
.LBB2_2:
0x46: {  	[tilespmem:s23], [sflag:$0x3] =	stream.indirect.gather [hbm4b:s4+s18], $0x80, s0, s18, $0xb8;
	[tilespmem:$0x10A00] =	vst v63  }
0x47: {  	s0 =	smov.u32 s30  }
0x48: {  	p0 =	sne.s32 s30, $0x3000;
	s30 =	sadd.s32 $0x1000, s30;
	_ =	swait.ge [sflag:s24], $0x4000  }
0x49: {  	[sflag:s24] =	ssyncset.done $0x0  }
0x4a: {  	[sflag:s24] =	ssyncadd.s32 $0xFFFFC000  }
0x4b: {  	_ =	swait.ge [sflag:s24], $0x4000  }
0x4c: {  	[sflag:s24] =	ssyncset.done $0x0  }
0x4d: {  	s22 =	sadd.s32 s0, s13;
	[sflag:s24] =	ssyncadd.s32 $0xFFFFC000  }
0x4e: {  	[hbm4b:s22+s2] =	stream.linear.scatter [tilespmem:s19], [sflag:$0x4], $0x4000, $0x38;
	[tilespmem:$0x10A00] =	vst v63  }
0x4f: {  	s22 =	sadd.s32 s0, s12  }
0x50: {  	[hbm4b:s22+s2] =	stream.linear.scatter [tilespmem:s20], [sflag:$0x4], $0x4000, $0x38;
	[tilespmem:$0x10A00] =	vst v63  }
0x51: {  	_ =	swait.ge [sflag:s25], $0x4000  }
0x52: {  	[sflag:s25] =	ssyncset.done $0x0  }
0x53: {  	[sflag:s25] =	ssyncadd.s32 $0xFFFFC000  }
0x54: {  	_ =	swait.ge [sflag:s25], $0x4000  }
0x55: {  	[sflag:s25] =	ssyncset.done $0x0  }
0x56: {  	[sflag:s25] =	ssyncadd.s32 $0xFFFFC000  }
0x57: {  	[tilespmem:s19], [sflag:$0x2] =	stream.indirect.gather [hbm4b:s3+s18], $0x80, s31, s18, $0xb8;
	[tilespmem:$0x10A00] =	vst v63  }
0x58: {  	_ = 	snop  }
0x59: {  	[tilespmem:s20], [sflag:$0x2] =	stream.indirect.gather [hbm4b:s4+s18], $0x80, s1, s18, $0xb8;
	[tilespmem:$0x10A00] =	vst v63  }
0x5a: {  	_ =	swait.ge [sflag:s26], $0x4000  }
0x5b: {  	[sflag:s26] =	ssyncset.done $0x0  }
0x5c: {  	[sflag:s26] =	ssyncadd.s32 $0xFFFFC000  }
0x5d: {  	_ =	swait.ge [sflag:s26], $0x4000  }
0x5e: {  	[sflag:s26] =	ssyncset.done $0x0  }
0x5f: {  	s22 =	sadd.s32 s0, s14;
	[sflag:s26] =	ssyncadd.s32 $0xFFFFC000  }
0x60: {  	[hbm4b:s22+s2] =	stream.linear.scatter [tilespmem:s21], [sflag:$0x5], $0x4000, $0x38;
	[tilespmem:$0x10A00] =	vst v63  }
0x61: {  	s0 =	sadd.s32 s0, s15  }
0x62: {  	[hbm4b:s0+s2] =	stream.linear.scatter [tilespmem:s23], [sflag:$0x5], $0x4000, $0x38;
	[tilespmem:$0x10A00] =	vst v63  }
0x63: {  	_ =	swait.ge [sflag:s28], $0x4000  }
0x64: {  	[sflag:s28] =	ssyncset.done $0x0  }
0x65: {  	[sflag:s28] =	ssyncadd.s32 $0xFFFFC000  }
.Ltmp0:
0x66: {  	_ =	swait.ge [sflag:s28], $0x4000;
	(pc) =	sbr.rel @p0 .LBB2_2-.Ltmp0, $4  }
0x67: {  	[sflag:s28] =	ssyncset.done $0x0  }
0x68: {  	s0 =	sadd.s32 $0x80, s31;
	[sflag:s28] =	ssyncadd.s32 $0xFFFFC000  }
0x69: {  	[tilespmem:s21], [sflag:$0x3] =	stream.indirect.gather [hbm4b:s3+s18], $0x80, s0, s18, $0xb8;
	[tilespmem:$0x10A00] =	vst v63  }
0x6a: {  	s31 =	sadd.s32 $0x100, s31;
	s0 =	sadd.s32 $0x80, s1;
	s1 =	sadd.s32 $0x100, s1  }
0x6b: {  	[tilespmem:s23], [sflag:$0x3] =	stream.indirect.gather [hbm4b:s4+s18], $0x80, s0, s18, $0xb8;
	[tilespmem:$0x10A00] =	vst v63  }
0x6c: {  	_ =	swait.ge [sflag:s24], $0x4000  }
0x6d: {  	[sflag:s24] =	ssyncset.done $0x0  }
0x6e: {  	[sflag:s24] =	ssyncadd.s32 $0xFFFFC000  }
0x6f: {  	_ =	swait.ge [sflag:s24], $0x4000  }
0x70: {  	[sflag:s24] =	ssyncset.done $0x0  }
0x71: {  	[sflag:s24] =	ssyncadd.s32 $0xFFFFC000  }
0x72: {  	[hbm4b:s7+s2] =	stream.linear.scatter [tilespmem:s19], [sflag:$0x4], $0x4000, $0x38;
	[tilespmem:$0x10A00] =	vst v63  }
0x73: {  	_ = 	snop  }
0x74: {  	[hbm4b:s8+s2] =	stream.linear.scatter [tilespmem:s20], [sflag:$0x4], $0x4000, $0x38;
	[tilespmem:$0x10A00] =	vst v63  }
0x75: {  	_ =	swait.ge [sflag:s25], $0x4000  }
0x76: {  	[sflag:s25] =	ssyncset.done $0x0  }
0x77: {  	[sflag:s25] =	ssyncadd.s32 $0xFFFFC000  }
0x78: {  	_ =	swait.ge [sflag:s25], $0x4000  }
0x79: {  	[sflag:s25] =	ssyncset.done $0x0  }
0x7a: {  	[sflag:s25] =	ssyncadd.s32 $0xFFFFC000  }
0x7b: {  	_ =	swait.ge [sflag:s26], $0x4000  }
0x7c: {  	[sflag:s26] =	ssyncset.done $0x0  }
0x7d: {  	[sflag:s26] =	ssyncadd.s32 $0xFFFFC000  }
0x7e: {  	_ =	swait.ge [sflag:s26], $0x4000  }
0x7f: {  	[sflag:s26] =	ssyncset.done $0x0  }
0x80: {  	[sflag:s26] =	ssyncadd.s32 $0xFFFFC000  }
0x81: {  	[hbm4b:s9+s2] =	stream.linear.scatter [tilespmem:s21], [sflag:$0x5], $0x4000, $0x38;
	[tilespmem:$0x10A00] =	vst v63  }
0x82: {  	s29 =	sadd.s32 $0x1, s29  }
0x83: {  	[hbm4b:s10+s2] =	stream.linear.scatter [tilespmem:s23], [sflag:$0x5], $0x4000, $0x38;
	[tilespmem:$0x10A00] =	vst v63  }
0x84: {  	p0 =	sne.s32 s29, s11;
	_ =	swait.ge [sflag:s28], $0x4000  }
.Ltmp1:
0x85: {  	[sflag:s28] =	ssyncset.done $0x0;
	(pc) =	sbr.rel @p0 .LBB2_1-.Ltmp1, $4  }
0x86: {  	[sflag:s28] =	ssyncadd.s32 $0xFFFFC000  }
0x87: {  	_ =	swait.ge [sflag:s28], $0x4000  }
0x88: {  	[sflag:s28] =	ssyncset.done $0x0  }
0x89: {  	[sflag:s28] =	ssyncadd.s32 $0xFFFFC000  }
0x8a: {  	_ =	sfence.sel $0x180000  }
0x8b: {  	[bflag:$0x0] =	sbarrier.arrive $0xFFFF  }
0x8c: {  	_ =	strace $0x9000004A  }
0x8d: {  	s0 =	stileid.u32;
	[bflag:$0x2] =	sbarrier.arrive $0xFFFF  }
0x8e: {  	p0 =	sne.s32 s0, $0x0;
	s0 =	rddreg [dreg:$0x1]  }
0x8f: {  	s0 =	sadd.s32 @!p0 $0x100000, s0  }
0x90: {  	[sflag:s0] =	ssyncadd.tile.s32 @!p0 $0x1;
	_ =	shalt  }
.Lfunc_end2:
_tile_overlayer_lowered:
.L_overlay_start_2:
0x91: {  	(tag) =	ssettag $0x2  }
0x92: {  	s0 =	rddreg [dreg:$0x0];
	s2 =	stileid.u32  }
0x93: {  	s1 =	rddreg [dreg:$0x1];
	p0 =	sne.s32 s2, $0x0  }
0x94: {  	s3 =	rddreg [dreg:$0x2];
	[bflag:$0x3] =	sbarrier.arrive $0xFFFF;
	s2 =	simm.s32 @!p0 $0x1C06  }
0x95: {  	[timem:s3], [sflag:s2] =	dma.local @!p0 [hbm:s0], s1  }
0x96: {  	s0 =	simm.s32 @!p0 $0x6  }
0x97: {  	_ =	swait.ge @!p0 [sflag:s0], s1  }
0x98: {  	s1 =	ssub.s32 @!p0 $0x0, s1;
	[sflag:s0] =	ssyncset.done @!p0 $0x0  }
0x99: {  	[sflag:s0] =	ssyncadd.s32 @!p0 s1  }
0x9a: {  	[bflag:$0x3] =	sbarrier.arrive $0xFFFF  }
0x9b: {  	_ =	shalt  }

// kernel: kernel.17.cloned.1.call-start
scs
__scs_entry_jumppad:
0x0: {  	(pc) =	sbr.rel $0x88, $3  }
0x1: {  	(tag) =	ssettag $0x0;
	lr =	simm.s32 $0x1  }
0x2: {  	[smem:$0x3F9B] =	sst lr;
	_ =	strace $0xD0000000  }
0x3: {  	_ = 	snop  }
0x4: {  	_ = 	snop  }
0x5: {  	_ = 	snop  }
0x6: {  	_ = 	snop  }
0x7: {  	_ = 	snop  }
__scs_overlays_trampoline_lowered:
0x8: {  	[smem:$0x3FAA] =	sst s0  }
0x9: {  	[smem:$0x3FAB] =	sst s1  }
0xa: {  	[smem:$0x3FAC] =	sst s2  }
0xb: {  	[smem:$0x3FAD] =	sst s3  }
0xc: {  	[smem:$0x3FAE] =	sst s4  }
0xd: {  	[smem:$0x3FAF] =	sst s5  }
0xe: {  	[smem:$0x3FB0] =	sst s6  }
0xf: {  	[smem:$0x3FB1] =	sst s7  }
0x10: {  	[smem:$0x3FB2] =	sst s8  }
0x11: {  	[smem:$0x3FB3] =	sst s9;
	s0 =	simm.s32 @!p0 $0x0  }
0x12: {  	s1 =	sld [smem:$0x3F99];
	s0 =	simm.s32 @p0 $0x1  }
0x13: {  	[smem:$0x3FB4] =	sst s0;
	s0 =	simm.s32 @!p1 $0x0  }
0x14: {  	s2 =	sld [smem:$0x3F98];
	s0 =	simm.s32 @p1 $0x1  }
0x15: {  	[smem:$0x3FB5] =	sst s0;
	s0 =	simm.s32 @!p2 $0x0  }
0x16: {  	s3 =	sld [smem:$0x3FDB];
	s0 =	simm.s32 @p2 $0x1  }
0x17: {  	s4 =	simm.s32 $0x1BF5;
	[smem:$0x3FB7] =	sst s0  }
0x18: {  	s0 =	sld [smem:$0x3F9A];
	_ =	swait.ge [sflag:s4], $0x0  }
0x19: {  	s7 =	sld [smem:$0x3F9B]  }
0x1a: {  	s8 =	sadd.s32 $0xFFFFE003, lr  }
0x1b: {  	s9 =	sadd.s32 $0xFFFFFEF7, lr;
	s5 =	simm.s32 $0xFFFFFFFF;
	p2 =	slt.u32 s8, $0xFFFFF086  }
0x1c: {  	p1 =	slt.u32 s9, $0xF7A;
	s5 =	simm.s32 @!p2 $0x0  }
0x1d: {  	s5 =	simm.s32 @p1 $0x1;
	p0 =	seq.s32 s7, s2  }
0x1e: {  	s7 =	smul.u32 @!p0 $0xF7A, s2;
	p2 =	seq.s32 @!p0 s5, $0x0  }
0x1f: {  	s9 =	smul.u32 $0xF7A, s1;
	s8 =	simm.s32 @!p0 $0x1BF5;
	p2 =	por !p2, p0  }
0x20: {  	[sflag:s8] =	ssyncset.s32 @!p0 $0xFFFFF086;
	s6 =	sadd.s32 @!p0 s3, s7;
	s7 =	simm.s32 @!p0 $0x108  }
0x21: {  	s3 =	sadd.s32 s3, s9;
	s6 =	sadd.s32 @!p0 $0x88, s6;
	s7 =	simm.s32 @p2 $0x1082  }
0x22: {  	[simem:s7], [sflag:s8] =	dma.local @!p0 [hbm:s6], $0xF7A  }
0x23: {  	s9 =	sor.u32 $0xD0000000, s2;
	s6 =	simm.s32 $0x108;
	_ =	swait.ge @!p0 [sflag:s8], $0x0  }
0x24: {  	s3 =	sadd.s32 $0x88, s3;
	s6 =	simm.s32 @!p1 $0x1082;
	[sflag:s4] =	ssyncset.s32 $0xFFFFF086  }
0x25: {  	[simem:s6], [sflag:s4] =	dma.local [hbm:s3], $0xF7A  }
0x26: {  	[smem:$0x3F9B] =	sst s1;
	(tag) =	ssettag s2;
	_ =	strace s9  }
0x27: {  	s1 =	sld [smem:$0x3FAB]  }
0x28: {  	s2 =	sld [smem:$0x3FAC]  }
0x29: {  	s4 =	sld [smem:$0x3FAE]  }
0x2a: {  	p0 =	seq.s32 s5, $0x0;
	s5 =	sld [smem:$0x3FAF]  }
0x2b: {  	s6 =	sld [smem:$0x3FB0]  }
0x2c: {  	s7 =	sld [smem:$0x3FB1]  }
0x2d: {  	s3 =	simm.s32 $0x108;
	s8 =	sld [smem:$0x3FB2]  }
0x2e: {  	s3 =	simm.s32 @!p0 $0x1082;
	s9 =	sld [smem:$0x3FB3]  }
0x2f: {  	lr =	sadd.s32 s0, s3;
	s0 =	sld [smem:$0x3FAA]  }
0x30: {  	s3 =	sld [smem:$0x3FAD]  }
0x31: {  	[smem:$0x3FB6] =	sst s10  }
0x32: {  	s10 =	sld [smem:$0x3FB4];
	_ =	sdelay $0x3  }
0x33: {  	p0 =	seq.s32 s10, $0x1;
	s10 =	sld [smem:$0x3FB6];
	_ =	sdelay $0x3  }
0x34: {  	[smem:$0x3FB6] =	sst s10  }
0x35: {  	s10 =	sld [smem:$0x3FB5];
	_ =	sdelay $0x3  }
0x36: {  	p1 =	seq.s32 s10, $0x1;
	s10 =	sld [smem:$0x3FB6];
	_ =	sdelay $0x3  }
0x37: {  	[smem:$0x3FB6] =	sst s10  }
0x38: {  	s10 =	sld [smem:$0x3FB7]  }
0x39: {  	_ = 	snop;
	(pc) =	sbr.ind lr, $3  }
0x3a: {  	_ = 	snop  }
0x3b: {  	_ = 	snop  }
0x3c: {  	p2 =	seq.s32 s10, $0x1;
	s10 =	sld [smem:$0x3FB6]  }
0x3d: {  	_ =	shalt  }
0x3e: {  	_ =	shalt  }
0x3f: {  	_ =	shalt  }
0x40: {  	_ =	shalt  }
0x41: {  	_ =	shalt  }
0x42: {  	_ =	shalt  }
0x43: {  	_ =	shalt  }
0x44: {  	_ =	shalt  }
0x45: {  	_ =	shalt  }
0x46: {  	_ =	shalt  }
0x47: {  	_ =	shalt  }
0x48: {  	_ =	shalt  }
0x49: {  	_ =	shalt  }
0x4a: {  	_ =	shalt  }
0x4b: {  	_ =	shalt  }
0x4c: {  	_ =	shalt  }
0x4d: {  	_ =	shalt  }
0x4e: {  	_ =	shalt  }
0x4f: {  	_ =	shalt  }
0x50: {  	_ =	shalt  }
0x51: {  	_ =	shalt  }
0x52: {  	_ =	shalt  }
0x53: {  	_ =	shalt  }
0x54: {  	_ =	shalt  }
0x55: {  	_ =	shalt  }
0x56: {  	_ =	shalt  }
0x57: {  	_ =	shalt  }
0x58: {  	_ =	shalt  }
0x59: {  	_ =	shalt  }
0x5a: {  	_ =	shalt  }
0x5b: {  	_ =	shalt  }
0x5c: {  	_ =	shalt  }
0x5d: {  	_ =	shalt  }
0x5e: {  	_ =	shalt  }
0x5f: {  	_ =	shalt  }
0x60: {  	_ =	shalt  }
0x61: {  	_ =	shalt  }
0x62: {  	_ =	shalt  }
0x63: {  	_ =	shalt  }
0x64: {  	_ =	shalt  }
0x65: {  	_ =	shalt  }
0x66: {  	_ =	shalt  }
0x67: {  	_ =	shalt  }
0x68: {  	_ =	shalt  }
0x69: {  	_ =	shalt  }
0x6a: {  	_ =	shalt  }
0x6b: {  	_ =	shalt  }
0x6c: {  	_ =	shalt  }
0x6d: {  	_ =	shalt  }
0x6e: {  	_ =	shalt  }
0x6f: {  	_ =	shalt  }
0x70: {  	_ =	shalt  }
0x71: {  	_ =	shalt  }
0x72: {  	_ =	shalt  }
0x73: {  	_ =	shalt  }
0x74: {  	_ =	shalt  }
0x75: {  	_ =	shalt  }
0x76: {  	_ =	shalt  }
0x77: {  	_ =	shalt  }
0x78: {  	_ =	shalt  }
0x79: {  	_ =	shalt  }
0x7a: {  	_ =	shalt  }
0x7b: {  	_ =	shalt  }
0x7c: {  	_ =	shalt  }
0x7d: {  	_ =	shalt  }
0x7e: {  	_ =	shalt  }
0x7f: {  	_ =	shalt  }
0x80: {  	_ =	shalt  }
0x81: {  	_ =	shalt  }
0x82: {  	_ =	shalt  }
0x83: {  	_ =	shalt  }
0x84: {  	_ =	shalt  }
0x85: {  	_ =	shalt  }
0x86: {  	_ =	shalt  }
0x87: {  	_ =	shalt  }
.Lfunc_end0:
.L_simem_size_0:
called_computation.2_lowered:
.L_overlay_start_0:
0x88: {  	s2 =	sld [smem:$0x3FD9]  }
0x89: {  	s3 =	sld [smem:$0x3FFE];
	_ =	sdelay $0x1  }
0x8a: {  	s1 =	srdreg.scid  }
0x8b: {  	s0 =	sand.u32 $0x1, s1  }
0x8c: {  	s17 =	sshll.u32 s0, $0xA;
	s2 =	sadd.s32 s3, s2  }
0x8d: {  	s2 =	sadd.s32 s2, s17  }
0x8e: {  	[smem:$0x3FC2] =	sst s2  }
0x8f: {  	_ = 	snop  }
0x90: {  	(tm) =	ssettm $0x1  }
0x91: {  	s18 =	sld [smem:$0x3FFB];
	_ =	sdelay $0x3  }
0x92: {  	_ =	strace s18  }
0x93: {  	s2 =	sld [smem:$0x3FFC];
	_ =	sdelay $0x3  }
0x94: {  	_ =	strace s2  }
0x95: {  	s2 =	sld [smem:$0x3FFD];
	_ =	sdelay $0x3  }
0x96: {  	_ =	strace s2  }
0x97: {  	_ =	strace $0x8FFFFFFF  }
0x98: {  	s19 =	sld [smem:$0x3FDB];
	_ =	sdelay $0x1  }
0x99: {  	s20 =	simm.s32 $_scs_section_size  }
0x9a: {  	s4 =	simm.s32 $_size__tile_overlayer_lowered;
	s5 =	simm.s32 $_tile_overlayer_lowered  }
0x9b: {  	s6 =	simm.s32 $0x1BFF;
	s21 =	sshll.u32 s5, $0x1;
	s3 =	sadd.s32 s20, s19  }
0x9c: {  	s22 =	simm.s32 $0x0;
	s4 =	sshll.u32 s4, $0x1;
	s5 =	sadd.s32 s21, s3  }
0x9d: {  	[timem:s22], [sflag:s6] =	dma.local [hbm:s5], s4  }
0x9e: {  	_ =	swait.ge [sflag:s6], s4  }
0x9f: {  	s4 =	ssub.s32 $0x0, s4;
	[sflag:s6] =	ssyncset.done $0x0  }
0xa0: {  	[sflag:s6] =	ssyncadd.s32 s4;
	_ =	sdelay $0x1  }
0xa1: {  	s23 =	simm.s32 $0x1B8B  }
0xa2: {  	_ =	swait.ge [sflag:s23], $0x1  }
0xa3: {  	[sflag:s23] =	ssyncset.done $0x0  }
0xa4: {  	[sflag:s23] =	ssyncadd.s32 $0xFFFFFFFF  }
0xa5: {  	s4 =	sld [smem:$0x0]  }
0xa6: {  	s5 =	sand.u32 $0xFFFFFFFE, s1  }
0xa7: {  	p0 =	sne.s32 s1, s5  }
0xa8: {  	s5 =	sshll.u32 @p0 s5, $0xE  }
0xa9: {  	s5 =	sadd.s32 @p0 $0x11B8D, s5;
	s6 =	sshll.u32 @p0 s4, $0x11  }
0xaa: {  	s5 =	sor.u32 @p0 s6, s5  }
0xab: {  	[sflag:s5] =	ssyncadd.remote.s32 @p0 $0x1;
	_ =	sdelay $0x1  }
0xac: {  	s5 =	simm.s32 @p0 $0x1B8D  }
0xad: {  	_ =	swait.eq @p0 [sflag:s5], $0x1  }
0xae: {  	[sflag:s5] =	ssyncadd.s32 @p0 $0xFFFFFFFF  }
0xaf: {  	s6 =	sshll.u32 @!p0 s1, $0xE  }
0xb0: {  	s6 =	sor.u32 @!p0 $0x4000, s6;
	s5 =	simm.s32 @!p0 $0x1B8D  }
0xb1: {  	s4 =	sshll.u32 @!p0 s4, $0x11;
	s6 =	sadd.s32 @!p0 $0x11B8D, s6;
	_ =	swait.eq @!p0 [sflag:s5], $0x1  }
0xb2: {  	s4 =	sor.u32 @!p0 s4, s6;
	[sflag:s5] =	ssyncadd.s32 @!p0 $0xFFFFFFFF  }
0xb3: {  	s25 =	simm.s32 $0x1B8E;
	s24 =	sld [smem:$0x3FFE];
	[sflag:s4] =	ssyncadd.remote.s32 @!p0 $0x1  }
0xb4: {  	s26 =	simm.s32 $execute0_lowered;
	[smem:$0x3FD2] =	sst s25  }
0xb5: {  	s5 =	sshll.u32 s26, $0x1;
	_ =	strace $0x8000004C;
	[dreg:$0x1] =	wrdreg $0xFFFFFFFF  }
0xb6: {  	s28 =	simm.s32 $_size_execute0_lowered;
	s3 =	sadd.s32 s3, s5;
	[dreg:$0x0] =	wrdreg $0x0  }
0xb7: {  	s5 =	sshll.u32 s28, $0x1;
	[dreg:$0x2] =	wrdreg s3  }
0xb8: {  	[dreg:$0x3] =	wrdreg s5  }
0xb9: {  	[dreg:$0x4] =	wrdreg $0xC0  }
0xba: {  	_ =	task [dreg:s22], $0x5FFFF  }
0xbb: {  	[dreg:$0x1] =	wrdreg $0xFFFFFFFF  }
0xbc: {  	[dreg:$0x0] =	wrdreg $0x60  }
0xbd: {  	[dreg:$0x2] =	wrdreg s24  }
0xbe: {  	[dreg:$0x3] =	wrdreg $0xB  }
0xbf: {  	_ =	task.clear_ibuf [dreg:s22], $0x4FFFF;
	_ =	strace $0x9000004C  }
0xc0: {  	s29 =	simm.s32 $0xB;
	_ =	strace $0x8000004E  }
0xc1: {  	_ =	swait.ge [sflag:s29], $0x1  }
0xc2: {  	[sflag:s29] =	ssyncadd.s32 $0xFFFFFFFF  }
0xc3: {  	_ =	strace $0x9000004E  }
0xc4: {  	_ =	sfence  }
0xc5: {  	s30 =	sld [smem:$0x0];
	_ =	sdelay $0x2  }
0xc6: {  	s31 =	sshll.u32 s1, $0xD;
	s1 =	sshrl.u32 s1, $0x2  }
0xc7: {  	s4 =	sand.u32 $0x4000, s31;
	s1 =	sadd.s32 s1, s30  }
0xc8: {  	s0 =	sor.u32 s4, s0;
	s1 =	sshll.u32 s1, $0x11  }
0xc9: {  	s0 =	sor.u32 s1, s0  }
0xca: {  	s0 =	sadd.s32 $0x8F2B, s0  }
0xcb: {  	[sflag:s0] =	ssyncadd.remote.s32 $0x1  }
0xcc: {  	_ =	sfence.sel $0xFFFF  }
0xcd: {  	[dreg:$0x0] =	wrdreg $0xFFFFFFFF;
	(pc) =	sbr.abs _section_cstart, $3  }
0xce: {  	[dreg:$0x1] =	wrdreg $0xFFFFFFFF  }
0xcf: {  	_ =	task.clear_ibuf [dreg:s22], $0x2FFFF;
	_ =	strace $0x9FFFFFFF  }
0xd0: {  	(tm) =	ssettm $0x7FFFFFFF  }
0xd1: {  	_ =	shalt  }
tec
execute0_lowered:
.L_overlay_start_1:
0x0: {  	(tag) =	ssettag $0x1  }
0x1: {  	s0 =	srdreg.scid;
	s16 =	stileid.u32  }
0x2: {  	s5 =	rddreg [dreg:$0x0];
	s2 =	simm.s32 $0x0;
	s17 =	simm.s32 $0x1  }
0x3: {  	s18 =	simm.s32 $0x80;
	s19 =	simm.s32 $0xA00;
	s20 =	simm.s32 $0x4A00  }
0x4: {  	s21 =	simm.s32 $0x8A00;
	s23 =	simm.s32 $0xCA00;
	s24 =	simm.s32 $0x2  }
0x5: {  	s28 =	simm.s32 $0x5;
	s29 =	simm.s32 $0x0;
	s12 =	smul.u32 $0x50000, s16  }
0x6: {  	s0 =	sand.u32 $0x1, s0;
	s1 =	sshll.u32 s16, $0x1;
	s30 =	smul.u32 $0xA000, s16  }
0x7: {  	[smem:$0x7FF] =	sst s2;
	s13 =	sadd.s32 $0x2D9A00, s5;
	s15 =	smul.u32 $0x28000, s0  }
0x8: {  	s1 =	sor.u32 s0, s1;
	s7 =	ssub.s32 $0x2, s0;
	s0 =	smul.u32 $0x5000, s0  }
0x9: {  	s4 =	sadd.s32 $0x32800, s5;
	s14 =	sadd.s32 $0x379A00, s5;
	s3 =	smul.u32 $0x500, s1  }
0xa: {  	_ =	strace $0x8000004D;
	s8 =	sshrl.u32 s7, $0x1;
	s1 =	smul.u32 $0x28000, s1  }
0xb: {  	s16 =	sadd.s32 s30, s13;
	s11 =	ssub.s32 s7, s8;
	s26 =	sadd.s32 s15, s12  }
0xc: {  	s31 =	sadd.s32 s0, s16;
	s16 =	simm.s32 $0x500;
	s3 =	sshrl.u32 s3, $0x3  }
0xd: {  	s1 =	sshrl.u32 s1, $0x3;
	s11 =	smax.u32 s11, $0x1;
	s6 =	sadd.s32 s3, s5  }
0xe: {  	s3 =	sadd.s32 $0xB600, s5;
	s25 =	sadd.s32 $0x4000, s1;
	s1 =	sadd.s32 $0x4800, s1  }
0xf: {  	s5 =	sadd.s32 $0x7A00, s6;
	s6 =	sadd.s32 $0x6600, s6;
	s7 =	sadd.s32 s13, s25  }
0x10: {  	s9 =	sadd.s32 s13, s1;
	s10 =	sadd.s32 s14, s1;
	s1 =	sshrl.u32 s26, $0x3  }
0x11: {  	s8 =	sadd.s32 s14, s25;
	s12 =	sadd.s32 s1, s14;
	s14 =	sadd.s32 s30, s14  }
0x12: {  	s25 =	simm.s32 $0x4;
	s26 =	simm.s32 $0x3;
	s0 =	sadd.s32 s0, s14  }
0x13: {  	s13 =	sadd.s32 s1, s13;
	s14 =	sadd.s32 $0x800, s31;
	s15 =	sadd.s32 $0x800, s0  }
.LBB2_1:
0x14: {  	[tilespmem:s2], [sflag:$0x1] =	stream.linear.gather [hbm4b:s5+s2], $0x500, $0x38;
	[tilespmem:$0x10A00] =	vst v63  }
0x15: {  	_ = 	snop  }
0x16: {  	[tilespmem:s16], [sflag:$0x1] =	stream.linear.gather [hbm4b:s6+s2], $0x500, $0x38;
	[tilespmem:$0x10A00] =	vst v63  }
0x17: {  	_ =	swait.ge [sflag:s17], $0x500  }
0x18: {  	[sflag:s17] =	ssyncset.done $0x0  }
0x19: {  	[sflag:s17] =	ssyncadd.s32 $0xFFFFFB00  }
0x1a: {  	_ =	swait.ge [sflag:s17], $0x500  }
0x1b: {  	[sflag:s17] =	ssyncset.done $0x0  }
0x1c: {  	[sflag:s17] =	ssyncadd.s32 $0xFFFFFB00  }
0x1d: {  	[tilespmem:s19], [sflag:$0x2] =	stream.indirect.gather [hbm4b:s3+s18], $0x80, s2, s18, $0xb8;
	[tilespmem:$0x10A00] =	vst v63  }
0x1e: {  	_ = 	snop  }
0x1f: {  	[tilespmem:s20], [sflag:$0x2] =	stream.indirect.gather [hbm4b:s4+s18], $0x80, s16, s18, $0xb8;
	[tilespmem:$0x10A00] =	vst v63  }
0x20: {  	_ = 	snop  }
0x21: {  	[tilespmem:s21], [sflag:$0x3] =	stream.indirect.gather [hbm4b:s3+s18], $0x80, s18, s18, $0xb8;
	[tilespmem:$0x10A00] =	vst v63  }
0x22: {  	s0 =	simm.s32 $0x580  }
0x23: {  	[tilespmem:s23], [sflag:$0x3] =	stream.indirect.gather [hbm4b:s4+s18], $0x80, s0, s18, $0xb8;
	[tilespmem:$0x10A00] =	vst v63  }
0x24: {  	_ =	swait.ge [sflag:s24], $0x4000  }
0x25: {  	[sflag:s24] =	ssyncset.done $0x0  }
0x26: {  	[sflag:s24] =	ssyncadd.s32 $0xFFFFC000  }
0x27: {  	_ =	swait.ge [sflag:s24], $0x4000  }
0x28: {  	[sflag:s24] =	ssyncset.done $0x0  }
0x29: {  	s22 =	sadd.s32 $0x0, s13;
	[sflag:s24] =	ssyncadd.s32 $0xFFFFC000  }
0x2a: {  	[hbm4b:s22+s2] =	stream.linear.scatter [tilespmem:s19], [sflag:$0x4], $0x4000, $0x38;
	[tilespmem:$0x10A00] =	vst v63  }
0x2b: {  	s1 =	sadd.s32 $0x0, s12  }
0x2c: {  	[hbm4b:s1+s2] =	stream.linear.scatter [tilespmem:s20], [sflag:$0x4], $0x4000, $0x38;
	[tilespmem:$0x10A00] =	vst v63  }
0x2d: {  	_ =	swait.ge [sflag:s25], $0x4000  }
0x2e: {  	[sflag:s25] =	ssyncset.done $0x0  }
0x2f: {  	[sflag:s25] =	ssyncadd.s32 $0xFFFFC000  }
0x30: {  	_ =	swait.ge [sflag:s25], $0x4000  }
0x31: {  	[sflag:s25] =	ssyncset.done $0x0  }
0x32: {  	s22 =	simm.s32 $0x100;
	[sflag:s25] =	ssyncadd.s32 $0xFFFFC000  }
0x33: {  	[tilespmem:s19], [sflag:$0x2] =	stream.indirect.gather [hbm4b:s3+s18], $0x80, s22, s18, $0xb8;
	[tilespmem:$0x10A00] =	vst v63  }
0x34: {  	s1 =	simm.s32 $0x600  }
0x35: {  	[tilespmem:s20], [sflag:$0x2] =	stream.indirect.gather [hbm4b:s4+s18], $0x80, s1, s18, $0xb8;
	[tilespmem:$0x10A00] =	vst v63  }
0x36: {  	_ =	swait.ge [sflag:s26], $0x4000  }
0x37: {  	[sflag:s26] =	ssyncset.done $0x0  }
0x38: {  	[sflag:s26] =	ssyncadd.s32 $0xFFFFC000  }
0x39: {  	_ =	swait.ge [sflag:s26], $0x4000  }
0x3a: {  	[sflag:s26] =	ssyncset.done $0x0  }
0x3b: {  	s22 =	sadd.s32 $0x0, s14;
	[sflag:s26] =	ssyncadd.s32 $0xFFFFC000  }
0x3c: {  	[hbm4b:s22+s2] =	stream.linear.scatter [tilespmem:s21], [sflag:$0x5], $0x4000, $0x38;
	[tilespmem:$0x10A00] =	vst v63  }
0x3d: {  	s1 =	sadd.s32 $0x0, s15  }
0x3e: {  	[hbm4b:s1+s2] =	stream.linear.scatter [tilespmem:s23], [sflag:$0x5], $0x4000, $0x38;
	[tilespmem:$0x10A00] =	vst v63  }
0x3f: {  	_ =	swait.ge [sflag:s28], $0x4000  }
0x40: {  	[sflag:s28] =	ssyncset.done $0x0  }
0x41: {  	[sflag:s28] =	ssyncadd.s32 $0xFFFFC000  }
0x42: {  	s30 =	simm.s32 $0x1000;
	_ =	swait.ge [sflag:s28], $0x4000  }
0x43: {  	s31 =	simm.s32 $0x200;
	s0 =	simm.s32 $0x680;
	[sflag:s28] =	ssyncset.done $0x0  }
0x44: {  	s22 =	simm.s32 $0x180;
	s1 =	simm.s32 $0x700;
	[sflag:s28] =	ssyncadd.s32 $0xFFFFC000  }
0x45: {  	[tilespmem:s21], [sflag:$0x3] =	stream.indirect.gather [hbm4b:s3+s18], $0x80, s22, s18, $0xb8;
	[tilespmem:$0x10A00] =	vst v63  }
.LBB2_2:
0x46: {  	[tilespmem:s23], [sflag:$0x3] =	stream.indirect.gather [hbm4b:s4+s18], $0x80, s0, s18, $0xb8;
	[tilespmem:$0x10A00] =	vst v63  }
0x47: {  	s0 =	smov.u32 s30  }
0x48: {  	p0 =	sne.s32 s30, $0x3000;
	s30 =	sadd.s32 $0x1000, s30;
	_ =	swait.ge [sflag:s24], $0x4000  }
0x49: {  	[sflag:s24] =	ssyncset.done $0x0  }
0x4a: {  	[sflag:s24] =	ssyncadd.s32 $0xFFFFC000  }
0x4b: {  	_ =	swait.ge [sflag:s24], $0x4000  }
0x4c: {  	[sflag:s24] =	ssyncset.done $0x0  }
0x4d: {  	s22 =	sadd.s32 s0, s13;
	[sflag:s24] =	ssyncadd.s32 $0xFFFFC000  }
0x4e: {  	[hbm4b:s22+s2] =	stream.linear.scatter [tilespmem:s19], [sflag:$0x4], $0x4000, $0x38;
	[tilespmem:$0x10A00] =	vst v63  }
0x4f: {  	s22 =	sadd.s32 s0, s12  }
0x50: {  	[hbm4b:s22+s2] =	stream.linear.scatter [tilespmem:s20], [sflag:$0x4], $0x4000, $0x38;
	[tilespmem:$0x10A00] =	vst v63  }
0x51: {  	_ =	swait.ge [sflag:s25], $0x4000  }
0x52: {  	[sflag:s25] =	ssyncset.done $0x0  }
0x53: {  	[sflag:s25] =	ssyncadd.s32 $0xFFFFC000  }
0x54: {  	_ =	swait.ge [sflag:s25], $0x4000  }
0x55: {  	[sflag:s25] =	ssyncset.done $0x0  }
0x56: {  	[sflag:s25] =	ssyncadd.s32 $0xFFFFC000  }
0x57: {  	[tilespmem:s19], [sflag:$0x2] =	stream.indirect.gather [hbm4b:s3+s18], $0x80, s31, s18, $0xb8;
	[tilespmem:$0x10A00] =	vst v63  }
0x58: {  	_ = 	snop  }
0x59: {  	[tilespmem:s20], [sflag:$0x2] =	stream.indirect.gather [hbm4b:s4+s18], $0x80, s1, s18, $0xb8;
	[tilespmem:$0x10A00] =	vst v63  }
0x5a: {  	_ =	swait.ge [sflag:s26], $0x4000  }
0x5b: {  	[sflag:s26] =	ssyncset.done $0x0  }
0x5c: {  	[sflag:s26] =	ssyncadd.s32 $0xFFFFC000  }
0x5d: {  	_ =	swait.ge [sflag:s26], $0x4000  }
0x5e: {  	[sflag:s26] =	ssyncset.done $0x0  }
0x5f: {  	s22 =	sadd.s32 s0, s14;
	[sflag:s26] =	ssyncadd.s32 $0xFFFFC000  }
0x60: {  	[hbm4b:s22+s2] =	stream.linear.scatter [tilespmem:s21], [sflag:$0x5], $0x4000, $0x38;
	[tilespmem:$0x10A00] =	vst v63  }
0x61: {  	s0 =	sadd.s32 s0, s15  }
0x62: {  	[hbm4b:s0+s2] =	stream.linear.scatter [tilespmem:s23], [sflag:$0x5], $0x4000, $0x38;
	[tilespmem:$0x10A00] =	vst v63  }
0x63: {  	_ =	swait.ge [sflag:s28], $0x4000  }
0x64: {  	[sflag:s28] =	ssyncset.done $0x0  }
0x65: {  	[sflag:s28] =	ssyncadd.s32 $0xFFFFC000  }
.Ltmp0:
0x66: {  	_ =	swait.ge [sflag:s28], $0x4000;
	(pc) =	sbr.rel @p0 .LBB2_2-.Ltmp0, $4  }
0x67: {  	[sflag:s28] =	ssyncset.done $0x0  }
0x68: {  	s0 =	sadd.s32 $0x80, s31;
	[sflag:s28] =	ssyncadd.s32 $0xFFFFC000  }
0x69: {  	[tilespmem:s21], [sflag:$0x3] =	stream.indirect.gather [hbm4b:s3+s18], $0x80, s0, s18, $0xb8;
	[tilespmem:$0x10A00] =	vst v63  }
0x6a: {  	s31 =	sadd.s32 $0x100, s31;
	s0 =	sadd.s32 $0x80, s1;
	s1 =	sadd.s32 $0x100, s1  }
0x6b: {  	[tilespmem:s23], [sflag:$0x3] =	stream.indirect.gather [hbm4b:s4+s18], $0x80, s0, s18, $0xb8;
	[tilespmem:$0x10A00] =	vst v63  }
0x6c: {  	_ =	swait.ge [sflag:s24], $0x4000  }
0x6d: {  	[sflag:s24] =	ssyncset.done $0x0  }
0x6e: {  	[sflag:s24] =	ssyncadd.s32 $0xFFFFC000  }
0x6f: {  	_ =	swait.ge [sflag:s24], $0x4000  }
0x70: {  	[sflag:s24] =	ssyncset.done $0x0  }
0x71: {  	[sflag:s24] =	ssyncadd.s32 $0xFFFFC000  }
0x72: {  	[hbm4b:s7+s2] =	stream.linear.scatter [tilespmem:s19], [sflag:$0x4], $0x4000, $0x38;
	[tilespmem:$0x10A00] =	vst v63  }
0x73: {  	_ = 	snop  }
0x74: {  	[hbm4b:s8+s2] =	stream.linear.scatter [tilespmem:s20], [sflag:$0x4], $0x4000, $0x38;
	[tilespmem:$0x10A00] =	vst v63  }
0x75: {  	_ =	swait.ge [sflag:s25], $0x4000  }
0x76: {  	[sflag:s25] =	ssyncset.done $0x0  }
0x77: {  	[sflag:s25] =	ssyncadd.s32 $0xFFFFC000  }
0x78: {  	_ =	swait.ge [sflag:s25], $0x4000  }
0x79: {  	[sflag:s25] =	ssyncset.done $0x0  }
0x7a: {  	[sflag:s25] =	ssyncadd.s32 $0xFFFFC000  }
0x7b: {  	_ =	swait.ge [sflag:s26], $0x4000  }
0x7c: {  	[sflag:s26] =	ssyncset.done $0x0  }
0x7d: {  	[sflag:s26] =	ssyncadd.s32 $0xFFFFC000  }
0x7e: {  	_ =	swait.ge [sflag:s26], $0x4000  }
0x7f: {  	[sflag:s26] =	ssyncset.done $0x0  }
0x80: {  	[sflag:s26] =	ssyncadd.s32 $0xFFFFC000  }
0x81: {  	[hbm4b:s9+s2] =	stream.linear.scatter [tilespmem:s21], [sflag:$0x5], $0x4000, $0x38;
	[tilespmem:$0x10A00] =	vst v63  }
0x82: {  	s29 =	sadd.s32 $0x1, s29  }
0x83: {  	[hbm4b:s10+s2] =	stream.linear.scatter [tilespmem:s23], [sflag:$0x5], $0x4000, $0x38;
	[tilespmem:$0x10A00] =	vst v63  }
0x84: {  	p0 =	sne.s32 s29, s11;
	_ =	swait.ge [sflag:s28], $0x4000  }
.Ltmp1:
0x85: {  	[sflag:s28] =	ssyncset.done $0x0;
	(pc) =	sbr.rel @p0 .LBB2_1-.Ltmp1, $4  }
0x86: {  	[sflag:s28] =	ssyncadd.s32 $0xFFFFC000  }
0x87: {  	_ =	swait.ge [sflag:s28], $0x4000  }
0x88: {  	[sflag:s28] =	ssyncset.done $0x0  }
0x89: {  	[sflag:s28] =	ssyncadd.s32 $0xFFFFC000  }
0x8a: {  	_ =	sfence.sel $0x180000  }
0x8b: {  	[bflag:$0x0] =	sbarrier.arrive $0xFFFF  }
0x8c: {  	_ =	strace $0x9000004D  }
0x8d: {  	s0 =	stileid.u32;
	[bflag:$0x2] =	sbarrier.arrive $0xFFFF  }
0x8e: {  	p0 =	sne.s32 s0, $0x0;
	s0 =	rddreg [dreg:$0x1]  }
0x8f: {  	s0 =	sadd.s32 @!p0 $0x100000, s0  }
0x90: {  	[sflag:s0] =	ssyncadd.tile.s32 @!p0 $0x1;
	_ =	shalt  }
.Lfunc_end2:
_tile_overlayer_lowered:
.L_overlay_start_2:
0x91: {  	(tag) =	ssettag $0x2  }
0x92: {  	s0 =	rddreg [dreg:$0x0];
	s2 =	stileid.u32  }
0x93: {  	s1 =	rddreg [dreg:$0x1];
	p0 =	sne.s32 s2, $0x0  }
0x94: {  	s3 =	rddreg [dreg:$0x2];
	[bflag:$0x3] =	sbarrier.arrive $0xFFFF;
	s2 =	simm.s32 @!p0 $0x1C06  }
0x95: {  	[timem:s3], [sflag:s2] =	dma.local @!p0 [hbm:s0], s1  }
0x96: {  	s0 =	simm.s32 @!p0 $0x6  }
0x97: {  	_ =	swait.ge @!p0 [sflag:s0], s1  }
0x98: {  	s1 =	ssub.s32 @!p0 $0x0, s1;
	[sflag:s0] =	ssyncset.done @!p0 $0x0  }
0x99: {  	[sflag:s0] =	ssyncadd.s32 @!p0 s1  }
0x9a: {  	[bflag:$0x3] =	sbarrier.arrive $0xFFFF  }
0x9b: {  	_ =	shalt  }

// kernel: kernel.20.cloned.1.call-start
scs
__scs_entry_jumppad:
0x0: {  	(pc) =	sbr.rel $0x88, $3  }
0x1: {  	(tag) =	ssettag $0x0;
	lr =	simm.s32 $0x1  }
0x2: {  	[smem:$0x3F9B] =	sst lr;
	_ =	strace $0xD0000000  }
0x3: {  	_ = 	snop  }
0x4: {  	_ = 	snop  }
0x5: {  	_ = 	snop  }
0x6: {  	_ = 	snop  }
0x7: {  	_ = 	snop  }
__scs_overlays_trampoline_lowered:
0x8: {  	[smem:$0x3FAA] =	sst s0  }
0x9: {  	[smem:$0x3FAB] =	sst s1  }
0xa: {  	[smem:$0x3FAC] =	sst s2  }
0xb: {  	[smem:$0x3FAD] =	sst s3  }
0xc: {  	[smem:$0x3FAE] =	sst s4  }
0xd: {  	[smem:$0x3FAF] =	sst s5  }
0xe: {  	[smem:$0x3FB0] =	sst s6  }
0xf: {  	[smem:$0x3FB1] =	sst s7  }
0x10: {  	[smem:$0x3FB2] =	sst s8  }
0x11: {  	[smem:$0x3FB3] =	sst s9;
	s0 =	simm.s32 @!p0 $0x0  }
0x12: {  	s1 =	sld [smem:$0x3F99];
	s0 =	simm.s32 @p0 $0x1  }
0x13: {  	[smem:$0x3FB4] =	sst s0;
	s0 =	simm.s32 @!p1 $0x0  }
0x14: {  	s2 =	sld [smem:$0x3F98];
	s0 =	simm.s32 @p1 $0x1  }
0x15: {  	[smem:$0x3FB5] =	sst s0;
	s0 =	simm.s32 @!p2 $0x0  }
0x16: {  	s3 =	sld [smem:$0x3FDB];
	s0 =	simm.s32 @p2 $0x1  }
0x17: {  	s4 =	simm.s32 $0x1BF5;
	[smem:$0x3FB7] =	sst s0  }
0x18: {  	s0 =	sld [smem:$0x3F9A];
	_ =	swait.ge [sflag:s4], $0x0  }
0x19: {  	s7 =	sld [smem:$0x3F9B]  }
0x1a: {  	s8 =	sadd.s32 $0xFFFFE003, lr  }
0x1b: {  	s9 =	sadd.s32 $0xFFFFFEF7, lr;
	s5 =	simm.s32 $0xFFFFFFFF;
	p2 =	slt.u32 s8, $0xFFFFF086  }
0x1c: {  	p1 =	slt.u32 s9, $0xF7A;
	s5 =	simm.s32 @!p2 $0x0  }
0x1d: {  	s5 =	simm.s32 @p1 $0x1;
	p0 =	seq.s32 s7, s2  }
0x1e: {  	s7 =	smul.u32 @!p0 $0xF7A, s2;
	p2 =	seq.s32 @!p0 s5, $0x0  }
0x1f: {  	s9 =	smul.u32 $0xF7A, s1;
	s8 =	simm.s32 @!p0 $0x1BF5;
	p2 =	por !p2, p0  }
0x20: {  	[sflag:s8] =	ssyncset.s32 @!p0 $0xFFFFF086;
	s6 =	sadd.s32 @!p0 s3, s7;
	s7 =	simm.s32 @!p0 $0x108  }
0x21: {  	s3 =	sadd.s32 s3, s9;
	s6 =	sadd.s32 @!p0 $0x88, s6;
	s7 =	simm.s32 @p2 $0x1082  }
0x22: {  	[simem:s7], [sflag:s8] =	dma.local @!p0 [hbm:s6], $0xF7A  }
0x23: {  	s9 =	sor.u32 $0xD0000000, s2;
	s6 =	simm.s32 $0x108;
	_ =	swait.ge @!p0 [sflag:s8], $0x0  }
0x24: {  	s3 =	sadd.s32 $0x88, s3;
	s6 =	simm.s32 @!p1 $0x1082;
	[sflag:s4] =	ssyncset.s32 $0xFFFFF086  }
0x25: {  	[simem:s6], [sflag:s4] =	dma.local [hbm:s3], $0xF7A  }
0x26: {  	[smem:$0x3F9B] =	sst s1;
	(tag) =	ssettag s2;
	_ =	strace s9  }
0x27: {  	s1 =	sld [smem:$0x3FAB]  }
0x28: {  	s2 =	sld [smem:$0x3FAC]  }
0x29: {  	s4 =	sld [smem:$0x3FAE]  }
0x2a: {  	p0 =	seq.s32 s5, $0x0;
	s5 =	sld [smem:$0x3FAF]  }
0x2b: {  	s6 =	sld [smem:$0x3FB0]  }
0x2c: {  	s7 =	sld [smem:$0x3FB1]  }
0x2d: {  	s3 =	simm.s32 $0x108;
	s8 =	sld [smem:$0x3FB2]  }
0x2e: {  	s3 =	simm.s32 @!p0 $0x1082;
	s9 =	sld [smem:$0x3FB3]  }
0x2f: {  	lr =	sadd.s32 s0, s3;
	s0 =	sld [smem:$0x3FAA]  }
0x30: {  	s3 =	sld [smem:$0x3FAD]  }
0x31: {  	[smem:$0x3FB6] =	sst s10  }
0x32: {  	s10 =	sld [smem:$0x3FB4];
	_ =	sdelay $0x3  }
0x33: {  	p0 =	seq.s32 s10, $0x1;
	s10 =	sld [smem:$0x3FB6];
	_ =	sdelay $0x3  }
0x34: {  	[smem:$0x3FB6] =	sst s10  }
0x35: {  	s10 =	sld [smem:$0x3FB5];
	_ =	sdelay $0x3  }
0x36: {  	p1 =	seq.s32 s10, $0x1;
	s10 =	sld [smem:$0x3FB6];
	_ =	sdelay $0x3  }
0x37: {  	[smem:$0x3FB6] =	sst s10  }
0x38: {  	s10 =	sld [smem:$0x3FB7]  }
0x39: {  	_ = 	snop;
	(pc) =	sbr.ind lr, $3  }
0x3a: {  	_ = 	snop  }
0x3b: {  	_ = 	snop  }
0x3c: {  	p2 =	seq.s32 s10, $0x1;
	s10 =	sld [smem:$0x3FB6]  }
0x3d: {  	_ =	shalt  }
0x3e: {  	_ =	shalt  }
0x3f: {  	_ =	shalt  }
0x40: {  	_ =	shalt  }
0x41: {  	_ =	shalt  }
0x42: {  	_ =	shalt  }
0x43: {  	_ =	shalt  }
0x44: {  	_ =	shalt  }
0x45: {  	_ =	shalt  }
0x46: {  	_ =	shalt  }
0x47: {  	_ =	shalt  }
0x48: {  	_ =	shalt  }
0x49: {  	_ =	shalt  }
0x4a: {  	_ =	shalt  }
0x4b: {  	_ =	shalt  }
0x4c: {  	_ =	shalt  }
0x4d: {  	_ =	shalt  }
0x4e: {  	_ =	shalt  }
0x4f: {  	_ =	shalt  }
0x50: {  	_ =	shalt  }
0x51: {  	_ =	shalt  }
0x52: {  	_ =	shalt  }
0x53: {  	_ =	shalt  }
0x54: {  	_ =	shalt  }
0x55: {  	_ =	shalt  }
0x56: {  	_ =	shalt  }
0x57: {  	_ =	shalt  }
0x58: {  	_ =	shalt  }
0x59: {  	_ =	shalt  }
0x5a: {  	_ =	shalt  }
0x5b: {  	_ =	shalt  }
0x5c: {  	_ =	shalt  }
0x5d: {  	_ =	shalt  }
0x5e: {  	_ =	shalt  }
0x5f: {  	_ =	shalt  }
0x60: {  	_ =	shalt  }
0x61: {  	_ =	shalt  }
0x62: {  	_ =	shalt  }
0x63: {  	_ =	shalt  }
0x64: {  	_ =	shalt  }
0x65: {  	_ =	shalt  }
0x66: {  	_ =	shalt  }
0x67: {  	_ =	shalt  }
0x68: {  	_ =	shalt  }
0x69: {  	_ =	shalt  }
0x6a: {  	_ =	shalt  }
0x6b: {  	_ =	shalt  }
0x6c: {  	_ =	shalt  }
0x6d: {  	_ =	shalt  }
0x6e: {  	_ =	shalt  }
0x6f: {  	_ =	shalt  }
0x70: {  	_ =	shalt  }
0x71: {  	_ =	shalt  }
0x72: {  	_ =	shalt  }
0x73: {  	_ =	shalt  }
0x74: {  	_ =	shalt  }
0x75: {  	_ =	shalt  }
0x76: {  	_ =	shalt  }
0x77: {  	_ =	shalt  }
0x78: {  	_ =	shalt  }
0x79: {  	_ =	shalt  }
0x7a: {  	_ =	shalt  }
0x7b: {  	_ =	shalt  }
0x7c: {  	_ =	shalt  }
0x7d: {  	_ =	shalt  }
0x7e: {  	_ =	shalt  }
0x7f: {  	_ =	shalt  }
0x80: {  	_ =	shalt  }
0x81: {  	_ =	shalt  }
0x82: {  	_ =	shalt  }
0x83: {  	_ =	shalt  }
0x84: {  	_ =	shalt  }
0x85: {  	_ =	shalt  }
0x86: {  	_ =	shalt  }
0x87: {  	_ =	shalt  }
.Lfunc_end0:
.L_simem_size_0:
called_computation.3_lowered:
.L_overlay_start_0:
0x88: {  	s2 =	sld [smem:$0x3FD9]  }
0x89: {  	s3 =	sld [smem:$0x3FFE];
	_ =	sdelay $0x1  }
0x8a: {  	s1 =	srdreg.scid  }
0x8b: {  	s0 =	sand.u32 $0x1, s1  }
0x8c: {  	s17 =	sshll.u32 s0, $0xA;
	s2 =	sadd.s32 s3, s2  }
0x8d: {  	s2 =	sadd.s32 s2, s17  }
0x8e: {  	[smem:$0x3FC2] =	sst s2  }
0x8f: {  	_ = 	snop  }
0x90: {  	(tm) =	ssettm $0x1  }
0x91: {  	s18 =	sld [smem:$0x3FFB];
	_ =	sdelay $0x3  }
0x92: {  	_ =	strace s18  }
0x93: {  	s2 =	sld [smem:$0x3FFC];
	_ =	sdelay $0x3  }
0x94: {  	_ =	strace s2  }
0x95: {  	s2 =	sld [smem:$0x3FFD];
	_ =	sdelay $0x3  }
0x96: {  	_ =	strace s2  }
0x97: {  	_ =	strace $0x8FFFFFFF  }
0x98: {  	s19 =	sld [smem:$0x3FDB];
	_ =	sdelay $0x1  }
0x99: {  	s20 =	simm.s32 $_scs_section_size  }
0x9a: {  	s4 =	simm.s32 $_size__tile_overlayer_lowered;
	s5 =	simm.s32 $_tile_overlayer_lowered  }
0x9b: {  	s6 =	simm.s32 $0x1BFF;
	s21 =	sshll.u32 s5, $0x1;
	s3 =	sadd.s32 s20, s19  }
0x9c: {  	s22 =	simm.s32 $0x0;
	s4 =	sshll.u32 s4, $0x1;
	s5 =	sadd.s32 s21, s3  }
0x9d: {  	[timem:s22], [sflag:s6] =	dma.local [hbm:s5], s4  }
0x9e: {  	_ =	swait.ge [sflag:s6], s4  }
0x9f: {  	s4 =	ssub.s32 $0x0, s4;
	[sflag:s6] =	ssyncset.done $0x0  }
0xa0: {  	[sflag:s6] =	ssyncadd.s32 s4;
	_ =	sdelay $0x1  }
0xa1: {  	s23 =	simm.s32 $0x1B8B  }
0xa2: {  	_ =	swait.ge [sflag:s23], $0x1  }
0xa3: {  	[sflag:s23] =	ssyncset.done $0x0  }
0xa4: {  	[sflag:s23] =	ssyncadd.s32 $0xFFFFFFFF  }
0xa5: {  	s4 =	sld [smem:$0x0]  }
0xa6: {  	s5 =	sand.u32 $0xFFFFFFFE, s1  }
0xa7: {  	p0 =	sne.s32 s1, s5  }
0xa8: {  	s5 =	sshll.u32 @p0 s5, $0xE  }
0xa9: {  	s5 =	sadd.s32 @p0 $0x11B8D, s5;
	s6 =	sshll.u32 @p0 s4, $0x11  }
0xaa: {  	s5 =	sor.u32 @p0 s6, s5  }
0xab: {  	[sflag:s5] =	ssyncadd.remote.s32 @p0 $0x1;
	_ =	sdelay $0x1  }
0xac: {  	s5 =	simm.s32 @p0 $0x1B8D  }
0xad: {  	_ =	swait.eq @p0 [sflag:s5], $0x1  }
0xae: {  	[sflag:s5] =	ssyncadd.s32 @p0 $0xFFFFFFFF  }
0xaf: {  	s6 =	sshll.u32 @!p0 s1, $0xE  }
0xb0: {  	s6 =	sor.u32 @!p0 $0x4000, s6;
	s5 =	simm.s32 @!p0 $0x1B8D  }
0xb1: {  	s4 =	sshll.u32 @!p0 s4, $0x11;
	s6 =	sadd.s32 @!p0 $0x11B8D, s6;
	_ =	swait.eq @!p0 [sflag:s5], $0x1  }
0xb2: {  	s4 =	sor.u32 @!p0 s4, s6;
	[sflag:s5] =	ssyncadd.s32 @!p0 $0xFFFFFFFF  }
0xb3: {  	s25 =	simm.s32 $0x1B8E;
	s24 =	sld [smem:$0x3FFE];
	[sflag:s4] =	ssyncadd.remote.s32 @!p0 $0x1  }
0xb4: {  	s26 =	simm.s32 $execute0_lowered;
	[smem:$0x3FD2] =	sst s25  }
0xb5: {  	s5 =	sshll.u32 s26, $0x1;
	_ =	strace $0x8000004F;
	[dreg:$0x1] =	wrdreg $0xFFFFFFFF  }
0xb6: {  	s28 =	simm.s32 $_size_execute0_lowered;
	s3 =	sadd.s32 s3, s5;
	[dreg:$0x0] =	wrdreg $0x0  }
0xb7: {  	s5 =	sshll.u32 s28, $0x1;
	[dreg:$0x2] =	wrdreg s3  }
0xb8: {  	[dreg:$0x3] =	wrdreg s5  }
0xb9: {  	[dreg:$0x4] =	wrdreg $0xC0  }
0xba: {  	_ =	task [dreg:s22], $0x5FFFF  }
0xbb: {  	[dreg:$0x1] =	wrdreg $0xFFFFFFFF  }
0xbc: {  	[dreg:$0x0] =	wrdreg $0x60  }
0xbd: {  	[dreg:$0x2] =	wrdreg s24  }
0xbe: {  	[dreg:$0x3] =	wrdreg $0xC  }
0xbf: {  	_ =	task.clear_ibuf [dreg:s22], $0x4FFFF;
	_ =	strace $0x9000004F  }
0xc0: {  	s29 =	simm.s32 $0xC;
	_ =	strace $0x80000051  }
0xc1: {  	_ =	swait.ge [sflag:s29], $0x1  }
0xc2: {  	[sflag:s29] =	ssyncadd.s32 $0xFFFFFFFF  }
0xc3: {  	_ =	strace $0x90000051  }
0xc4: {  	_ =	sfence  }
0xc5: {  	s30 =	sld [smem:$0x0];
	_ =	sdelay $0x2  }
0xc6: {  	s31 =	sshll.u32 s1, $0xD;
	s1 =	sshrl.u32 s1, $0x2  }
0xc7: {  	s4 =	sand.u32 $0x4000, s31;
	s1 =	sadd.s32 s1, s30  }
0xc8: {  	s0 =	sor.u32 s4, s0;
	s1 =	sshll.u32 s1, $0x11  }
0xc9: {  	s0 =	sor.u32 s1, s0  }
0xca: {  	s0 =	sadd.s32 $0x8F2B, s0  }
0xcb: {  	[sflag:s0] =	ssyncadd.remote.s32 $0x1  }
0xcc: {  	_ =	sfence.sel $0xFFFF  }
0xcd: {  	[dreg:$0x0] =	wrdreg $0xFFFFFFFF;
	(pc) =	sbr.abs _section_cstart, $3  }
0xce: {  	[dreg:$0x1] =	wrdreg $0xFFFFFFFF  }
0xcf: {  	_ =	task.clear_ibuf [dreg:s22], $0x2FFFF;
	_ =	strace $0x9FFFFFFF  }
0xd0: {  	(tm) =	ssettm $0x7FFFFFFF  }
0xd1: {  	_ =	shalt  }
tec
execute0_lowered:
.L_overlay_start_1:
0x0: {  	(tag) =	ssettag $0x1  }
0x1: {  	s0 =	srdreg.scid;
	s16 =	stileid.u32  }
0x2: {  	s5 =	rddreg [dreg:$0x0];
	s2 =	simm.s32 $0x0;
	s17 =	simm.s32 $0x1  }
0x3: {  	s18 =	simm.s32 $0x80;
	s19 =	simm.s32 $0xA00;
	s20 =	simm.s32 $0x4A00  }
0x4: {  	s21 =	simm.s32 $0x8A00;
	s23 =	simm.s32 $0xCA00;
	s24 =	simm.s32 $0x2  }
0x5: {  	s28 =	simm.s32 $0x5;
	s29 =	simm.s32 $0x0;
	s12 =	smul.u32 $0x50000, s16  }
0x6: {  	s0 =	sand.u32 $0x1, s0;
	s1 =	sshll.u32 s16, $0x1;
	s30 =	smul.u32 $0xA000, s16  }
0x7: {  	[smem:$0x7FF] =	sst s2;
	s13 =	sadd.s32 $0x419A00, s5;
	s15 =	smul.u32 $0x28000, s0  }
0x8: {  	s1 =	sor.u32 s0, s1;
	s7 =	ssub.s32 $0x2, s0;
	s0 =	smul.u32 $0x5000, s0  }
0x9: {  	s4 =	sadd.s32 $0x32800, s5;
	s14 =	sadd.s32 $0x4B9A00, s5;
	s3 =	smul.u32 $0x500, s1  }
0xa: {  	_ =	strace $0x80000050;
	s8 =	sshrl.u32 s7, $0x1;
	s1 =	smul.u32 $0x28000, s1  }
0xb: {  	s16 =	sadd.s32 s30, s13;
	s11 =	ssub.s32 s7, s8;
	s26 =	sadd.s32 s15, s12  }
0xc: {  	s31 =	sadd.s32 s0, s16;
	s16 =	simm.s32 $0x500;
	s3 =	sshrl.u32 s3, $0x3  }
0xd: {  	s1 =	sshrl.u32 s1, $0x3;
	s11 =	smax.u32 s11, $0x1;
	s6 =	sadd.s32 s3, s5  }
0xe: {  	s3 =	sadd.s32 $0xB600, s5;
	s25 =	sadd.s32 $0x4000, s1;
	s1 =	sadd.s32 $0x4800, s1  }
0xf: {  	s5 =	sadd.s32 $0xA200, s6;
	s6 =	sadd.s32 $0x8E00, s6;
	s7 =	sadd.s32 s13, s25  }
0x10: {  	s9 =	sadd.s32 s13, s1;
	s10 =	sadd.s32 s14, s1;
	s1 =	sshrl.u32 s26, $0x3  }
0x11: {  	s8 =	sadd.s32 s14, s25;
	s12 =	sadd.s32 s1, s14;
	s14 =	sadd.s32 s30, s14  }
0x12: {  	s25 =	simm.s32 $0x4;
	s26 =	simm.s32 $0x3;
	s0 =	sadd.s32 s0, s14  }
0x13: {  	s13 =	sadd.s32 s1, s13;
	s14 =	sadd.s32 $0x800, s31;
	s15 =	sadd.s32 $0x800, s0  }
.LBB2_1:
0x14: {  	[tilespmem:s2], [sflag:$0x1] =	stream.linear.gather [hbm4b:s5+s2], $0x500, $0x38;
	[tilespmem:$0x10A00] =	vst v63  }
0x15: {  	_ = 	snop  }
0x16: {  	[tilespmem:s16], [sflag:$0x1] =	stream.linear.gather [hbm4b:s6+s2], $0x500, $0x38;
	[tilespmem:$0x10A00] =	vst v63  }
0x17: {  	_ =	swait.ge [sflag:s17], $0x500  }
0x18: {  	[sflag:s17] =	ssyncset.done $0x0  }
0x19: {  	[sflag:s17] =	ssyncadd.s32 $0xFFFFFB00  }
0x1a: {  	_ =	swait.ge [sflag:s17], $0x500  }
0x1b: {  	[sflag:s17] =	ssyncset.done $0x0  }
0x1c: {  	[sflag:s17] =	ssyncadd.s32 $0xFFFFFB00  }
0x1d: {  	[tilespmem:s19], [sflag:$0x2] =	stream.indirect.gather [hbm4b:s3+s18], $0x80, s2, s18, $0xb8;
	[tilespmem:$0x10A00] =	vst v63  }
0x1e: {  	_ = 	snop  }
0x1f: {  	[tilespmem:s20], [sflag:$0x2] =	stream.indirect.gather [hbm4b:s4+s18], $0x80, s16, s18, $0xb8;
	[tilespmem:$0x10A00] =	vst v63  }
0x20: {  	_ = 	snop  }
0x21: {  	[tilespmem:s21], [sflag:$0x3] =	stream.indirect.gather [hbm4b:s3+s18], $0x80, s18, s18, $0xb8;
	[tilespmem:$0x10A00] =	vst v63  }
0x22: {  	s0 =	simm.s32 $0x580  }
0x23: {  	[tilespmem:s23], [sflag:$0x3] =	stream.indirect.gather [hbm4b:s4+s18], $0x80, s0, s18, $0xb8;
	[tilespmem:$0x10A00] =	vst v63  }
0x24: {  	_ =	swait.ge [sflag:s24], $0x4000  }
0x25: {  	[sflag:s24] =	ssyncset.done $0x0  }
0x26: {  	[sflag:s24] =	ssyncadd.s32 $0xFFFFC000  }
0x27: {  	_ =	swait.ge [sflag:s24], $0x4000  }
0x28: {  	[sflag:s24] =	ssyncset.done $0x0  }
0x29: {  	s22 =	sadd.s32 $0x0, s13;
	[sflag:s24] =	ssyncadd.s32 $0xFFFFC000  }
0x2a: {  	[hbm4b:s22+s2] =	stream.linear.scatter [tilespmem:s19], [sflag:$0x4], $0x4000, $0x38;
	[tilespmem:$0x10A00] =	vst v63  }
0x2b: {  	s1 =	sadd.s32 $0x0, s12  }
0x2c: {  	[hbm4b:s1+s2] =	stream.linear.scatter [tilespmem:s20], [sflag:$0x4], $0x4000, $0x38;
	[tilespmem:$0x10A00] =	vst v63  }
0x2d: {  	_ =	swait.ge [sflag:s25], $0x4000  }
0x2e: {  	[sflag:s25] =	ssyncset.done $0x0  }
0x2f: {  	[sflag:s25] =	ssyncadd.s32 $0xFFFFC000  }
0x30: {  	_ =	swait.ge [sflag:s25], $0x4000  }
0x31: {  	[sflag:s25] =	ssyncset.done $0x0  }
0x32: {  	s22 =	simm.s32 $0x100;
	[sflag:s25] =	ssyncadd.s32 $0xFFFFC000  }
0x33: {  	[tilespmem:s19], [sflag:$0x2] =	stream.indirect.gather [hbm4b:s3+s18], $0x80, s22, s18, $0xb8;
	[tilespmem:$0x10A00] =	vst v63  }
0x34: {  	s1 =	simm.s32 $0x600  }
0x35: {  	[tilespmem:s20], [sflag:$0x2] =	stream.indirect.gather [hbm4b:s4+s18], $0x80, s1, s18, $0xb8;
	[tilespmem:$0x10A00] =	vst v63  }
0x36: {  	_ =	swait.ge [sflag:s26], $0x4000  }
0x37: {  	[sflag:s26] =	ssyncset.done $0x0  }
0x38: {  	[sflag:s26] =	ssyncadd.s32 $0xFFFFC000  }
0x39: {  	_ =	swait.ge [sflag:s26], $0x4000  }
0x3a: {  	[sflag:s26] =	ssyncset.done $0x0  }
0x3b: {  	s22 =	sadd.s32 $0x0, s14;
	[sflag:s26] =	ssyncadd.s32 $0xFFFFC000  }
0x3c: {  	[hbm4b:s22+s2] =	stream.linear.scatter [tilespmem:s21], [sflag:$0x5], $0x4000, $0x38;
	[tilespmem:$0x10A00] =	vst v63  }
0x3d: {  	s1 =	sadd.s32 $0x0, s15  }
0x3e: {  	[hbm4b:s1+s2] =	stream.linear.scatter [tilespmem:s23], [sflag:$0x5], $0x4000, $0x38;
	[tilespmem:$0x10A00] =	vst v63  }
0x3f: {  	_ =	swait.ge [sflag:s28], $0x4000  }
0x40: {  	[sflag:s28] =	ssyncset.done $0x0  }
0x41: {  	[sflag:s28] =	ssyncadd.s32 $0xFFFFC000  }
0x42: {  	s30 =	simm.s32 $0x1000;
	_ =	swait.ge [sflag:s28], $0x4000  }
0x43: {  	s31 =	simm.s32 $0x200;
	s0 =	simm.s32 $0x680;
	[sflag:s28] =	ssyncset.done $0x0  }
0x44: {  	s22 =	simm.s32 $0x180;
	s1 =	simm.s32 $0x700;
	[sflag:s28] =	ssyncadd.s32 $0xFFFFC000  }
0x45: {  	[tilespmem:s21], [sflag:$0x3] =	stream.indirect.gather [hbm4b:s3+s18], $0x80, s22, s18, $0xb8;
	[tilespmem:$0x10A00] =	vst v63  }
.LBB2_2:
0x46: {  	[tilespmem:s23], [sflag:$0x3] =	stream.indirect.gather [hbm4b:s4+s18], $0x80, s0, s18, $0xb8;
	[tilespmem:$0x10A00] =	vst v63  }
0x47: {  	s0 =	smov.u32 s30  }
0x48: {  	p0 =	sne.s32 s30, $0x3000;
	s30 =	sadd.s32 $0x1000, s30;
	_ =	swait.ge [sflag:s24], $0x4000  }
0x49: {  	[sflag:s24] =	ssyncset.done $0x0  }
0x4a: {  	[sflag:s24] =	ssyncadd.s32 $0xFFFFC000  }
0x4b: {  	_ =	swait.ge [sflag:s24], $0x4000  }
0x4c: {  	[sflag:s24] =	ssyncset.done $0x0  }
0x4d: {  	s22 =	sadd.s32 s0, s13;
	[sflag:s24] =	ssyncadd.s32 $0xFFFFC000  }
0x4e: {  	[hbm4b:s22+s2] =	stream.linear.scatter [tilespmem:s19], [sflag:$0x4], $0x4000, $0x38;
	[tilespmem:$0x10A00] =	vst v63  }
0x4f: {  	s22 =	sadd.s32 s0, s12  }
0x50: {  	[hbm4b:s22+s2] =	stream.linear.scatter [tilespmem:s20], [sflag:$0x4], $0x4000, $0x38;
	[tilespmem:$0x10A00] =	vst v63  }
0x51: {  	_ =	swait.ge [sflag:s25], $0x4000  }
0x52: {  	[sflag:s25] =	ssyncset.done $0x0  }
0x53: {  	[sflag:s25] =	ssyncadd.s32 $0xFFFFC000  }
0x54: {  	_ =	swait.ge [sflag:s25], $0x4000  }
0x55: {  	[sflag:s25] =	ssyncset.done $0x0  }
0x56: {  	[sflag:s25] =	ssyncadd.s32 $0xFFFFC000  }
0x57: {  	[tilespmem:s19], [sflag:$0x2] =	stream.indirect.gather [hbm4b:s3+s18], $0x80, s31, s18, $0xb8;
	[tilespmem:$0x10A00] =	vst v63  }
0x58: {  	_ = 	snop  }
0x59: {  	[tilespmem:s20], [sflag:$0x2] =	stream.indirect.gather [hbm4b:s4+s18], $0x80, s1, s18, $0xb8;
	[tilespmem:$0x10A00] =	vst v63  }
0x5a: {  	_ =	swait.ge [sflag:s26], $0x4000  }
0x5b: {  	[sflag:s26] =	ssyncset.done $0x0  }
0x5c: {  	[sflag:s26] =	ssyncadd.s32 $0xFFFFC000  }
0x5d: {  	_ =	swait.ge [sflag:s26], $0x4000  }
0x5e: {  	[sflag:s26] =	ssyncset.done $0x0  }
0x5f: {  	s22 =	sadd.s32 s0, s14;
	[sflag:s26] =	ssyncadd.s32 $0xFFFFC000  }
0x60: {  	[hbm4b:s22+s2] =	stream.linear.scatter [tilespmem:s21], [sflag:$0x5], $0x4000, $0x38;
	[tilespmem:$0x10A00] =	vst v63  }
0x61: {  	s0 =	sadd.s32 s0, s15  }
0x62: {  	[hbm4b:s0+s2] =	stream.linear.scatter [tilespmem:s23], [sflag:$0x5], $0x4000, $0x38;
	[tilespmem:$0x10A00] =	vst v63  }
0x63: {  	_ =	swait.ge [sflag:s28], $0x4000  }
0x64: {  	[sflag:s28] =	ssyncset.done $0x0  }
0x65: {  	[sflag:s28] =	ssyncadd.s32 $0xFFFFC000  }
.Ltmp0:
0x66: {  	_ =	swait.ge [sflag:s28], $0x4000;
	(pc) =	sbr.rel @p0 .LBB2_2-.Ltmp0, $4  }
0x67: {  	[sflag:s28] =	ssyncset.done $0x0  }
0x68: {  	s0 =	sadd.s32 $0x80, s31;
	[sflag:s28] =	ssyncadd.s32 $0xFFFFC000  }
0x69: {  	[tilespmem:s21], [sflag:$0x3] =	stream.indirect.gather [hbm4b:s3+s18], $0x80, s0, s18, $0xb8;
	[tilespmem:$0x10A00] =	vst v63  }
0x6a: {  	s31 =	sadd.s32 $0x100, s31;
	s0 =	sadd.s32 $0x80, s1;
	s1 =	sadd.s32 $0x100, s1  }
0x6b: {  	[tilespmem:s23], [sflag:$0x3] =	stream.indirect.gather [hbm4b:s4+s18], $0x80, s0, s18, $0xb8;
	[tilespmem:$0x10A00] =	vst v63  }
0x6c: {  	_ =	swait.ge [sflag:s24], $0x4000  }
0x6d: {  	[sflag:s24] =	ssyncset.done $0x0  }
0x6e: {  	[sflag:s24] =	ssyncadd.s32 $0xFFFFC000  }
0x6f: {  	_ =	swait.ge [sflag:s24], $0x4000  }
0x70: {  	[sflag:s24] =	ssyncset.done $0x0  }
0x71: {  	[sflag:s24] =	ssyncadd.s32 $0xFFFFC000  }
0x72: {  	[hbm4b:s7+s2] =	stream.linear.scatter [tilespmem:s19], [sflag:$0x4], $0x4000, $0x38;
	[tilespmem:$0x10A00] =	vst v63  }
0x73: {  	_ = 	snop  }
0x74: {  	[hbm4b:s8+s2] =	stream.linear.scatter [tilespmem:s20], [sflag:$0x4], $0x4000, $0x38;
	[tilespmem:$0x10A00] =	vst v63  }
0x75: {  	_ =	swait.ge [sflag:s25], $0x4000  }
0x76: {  	[sflag:s25] =	ssyncset.done $0x0  }
0x77: {  	[sflag:s25] =	ssyncadd.s32 $0xFFFFC000  }
0x78: {  	_ =	swait.ge [sflag:s25], $0x4000  }
0x79: {  	[sflag:s25] =	ssyncset.done $0x0  }
0x7a: {  	[sflag:s25] =	ssyncadd.s32 $0xFFFFC000  }
0x7b: {  	_ =	swait.ge [sflag:s26], $0x4000  }
0x7c: {  	[sflag:s26] =	ssyncset.done $0x0  }
0x7d: {  	[sflag:s26] =	ssyncadd.s32 $0xFFFFC000  }
0x7e: {  	_ =	swait.ge [sflag:s26], $0x4000  }
0x7f: {  	[sflag:s26] =	ssyncset.done $0x0  }
0x80: {  	[sflag:s26] =	ssyncadd.s32 $0xFFFFC000  }
0x81: {  	[hbm4b:s9+s2] =	stream.linear.scatter [tilespmem:s21], [sflag:$0x5], $0x4000, $0x38;
	[tilespmem:$0x10A00] =	vst v63  }
0x82: {  	s29 =	sadd.s32 $0x1, s29  }
0x83: {  	[hbm4b:s10+s2] =	stream.linear.scatter [tilespmem:s23], [sflag:$0x5], $0x4000, $0x38;
	[tilespmem:$0x10A00] =	vst v63  }
0x84: {  	p0 =	sne.s32 s29, s11;
	_ =	swait.ge [sflag:s28], $0x4000  }
.Ltmp1:
0x85: {  	[sflag:s28] =	ssyncset.done $0x0;
	(pc) =	sbr.rel @p0 .LBB2_1-.Ltmp1, $4  }
0x86: {  	[sflag:s28] =	ssyncadd.s32 $0xFFFFC000  }
0x87: {  	_ =	swait.ge [sflag:s28], $0x4000  }
0x88: {  	[sflag:s28] =	ssyncset.done $0x0  }
0x89: {  	[sflag:s28] =	ssyncadd.s32 $0xFFFFC000  }
0x8a: {  	_ =	sfence.sel $0x180000  }
0x8b: {  	[bflag:$0x0] =	sbarrier.arrive $0xFFFF  }
0x8c: {  	_ =	strace $0x90000050  }
0x8d: {  	s0 =	stileid.u32;
	[bflag:$0x2] =	sbarrier.arrive $0xFFFF  }
0x8e: {  	p0 =	sne.s32 s0, $0x0;
	s0 =	rddreg [dreg:$0x1]  }
0x8f: {  	s0 =	sadd.s32 @!p0 $0x100000, s0  }
0x90: {  	[sflag:s0] =	ssyncadd.tile.s32 @!p0 $0x1;
	_ =	shalt  }
.Lfunc_end2:
_tile_overlayer_lowered:
.L_overlay_start_2:
0x91: {  	(tag) =	ssettag $0x2  }
0x92: {  	s0 =	rddreg [dreg:$0x0];
	s2 =	stileid.u32  }
0x93: {  	s1 =	rddreg [dreg:$0x1];
	p0 =	sne.s32 s2, $0x0  }
0x94: {  	s3 =	rddreg [dreg:$0x2];
	[bflag:$0x3] =	sbarrier.arrive $0xFFFF;
	s2 =	simm.s32 @!p0 $0x1C06  }
0x95: {  	[timem:s3], [sflag:s2] =	dma.local @!p0 [hbm:s0], s1  }
0x96: {  	s0 =	simm.s32 @!p0 $0x6  }
0x97: {  	_ =	swait.ge @!p0 [sflag:s0], s1  }
0x98: {  	s1 =	ssub.s32 @!p0 $0x0, s1;
	[sflag:s0] =	ssyncset.done @!p0 $0x0  }
0x99: {  	[sflag:s0] =	ssyncadd.s32 @!p0 s1  }
0x9a: {  	[bflag:$0x3] =	sbarrier.arrive $0xFFFF  }
0x9b: {  	_ =	shalt  }

</sc_bundles>
